<compile_context>
chip_gen: v7x
topology: tpu7x:2x2x1
jax: 0.10.2.dev20260603
libtpu: 0.0.44.dev20260713+nightly
codegen_flags: <defaults>
</compile_context>

<pallas_src>
import functools

import jax
import jax.numpy as jnp
from jax import lax
from jax.experimental import pallas as pl
from jax.experimental.pallas import tpu as pltpu
from jax.experimental.pallas import tpu_sc as plsc

B = 16384
D = 32
N_CORES = 2
N_SUBCORES = 16
NW = N_CORES * N_SUBCORES
BPW = B // NW
LANES = 16
NBUF = 8

_mesh = plsc.VectorSubcoreMesh(core_axis_name="c", subcore_axis_name="s")


@functools.partial(
    pl.kernel,
    mesh=_mesh,
    out_type=jax.ShapeDtypeStruct((B,), jnp.float32),
    compiler_params=pltpu.CompilerParams(
        needs_layout_passes=False, use_tc_tiling_on_sc=True),
    scratch_types=[
        pltpu.VMEM((BPW + LANES,), jnp.int32),
        pltpu.VMEM((BPW + LANES,), jnp.int32),
        pltpu.VMEM((NBUF, D, 128), jnp.float32),
        pltpu.VMEM((NBUF, D, 128), jnp.float32),
        pltpu.VMEM((BPW,), jnp.float32),
        pltpu.SemaphoreType.DMA,
        pltpu.SemaphoreType.DMA,
    ],
)
def _gcmc_sc_kernel(uid_hbm, iid_hbm, utT_hbm, itT_hbm, out_hbm,
                    uidx, iidx, ublk, iblk, out_v, usem, isem):
    wid = lax.axis_index("s") * N_CORES + lax.axis_index("c")
    base = wid * BPW

    pltpu.sync_copy(uid_hbm.at[pl.ds(base, BPW)], uidx.at[pl.ds(0, BPW)])
    pltpu.sync_copy(iid_hbm.at[pl.ds(base, BPW)], iidx.at[pl.ds(0, BPW)])

    lane = jnp.arange(LANES, dtype=jnp.int32)

    def issue(uvi, ivi, slot):
        tc_u = pl.multiple_of((uvi >> 7) * 128, 128)
        tc_i = pl.multiple_of((ivi >> 7) * 128, 128)
        pltpu.make_async_copy(
            utT_hbm.at[:, pl.ds(tc_u, 128)], ublk.at[slot], usem).start()
        pltpu.make_async_copy(
            itT_hbm.at[:, pl.ds(tc_i, 128)], iblk.at[slot], isem).start()

    def wait(slot):
        pltpu.make_async_copy(
            utT_hbm.at[:, pl.ds(0, 128)], ublk.at[slot], usem).wait()
        pltpu.make_async_copy(
            itT_hbm.at[:, pl.ds(0, 128)], iblk.at[slot], isem).wait()

    uvec0 = uidx[pl.ds(0, LANES)]
    ivec0 = iidx[pl.ds(0, LANES)]
    for n in range(NBUF):
        issue(uvec0[n], ivec0[n], n)

    def body(g, carry):
        uvec = uidx[pl.ds(g * LANES, LANES)]
        ivec = iidx[pl.ds(g * LANES, LANES)]
        uvec_n = uidx[pl.ds((g + 1) * LANES, LANES)]
        ivec_n = iidx[pl.ds((g + 1) * LANES, LANES)]
        acc = jnp.zeros((LANES,), jnp.float32)
        for i in range(LANES):
            slot = i % NBUF
            lu = jnp.full((LANES,), uvec[i] & 127, jnp.int32)
            li = jnp.full((LANES,), ivec[i] & 127, jnp.int32)

            wait(slot)
            u0 = plsc.load_gather(ublk.at[slot], [lane, lu])
            u1 = plsc.load_gather(ublk.at[slot], [lane + LANES, lu])
            v0 = plsc.load_gather(iblk.at[slot], [lane, li])
            v1 = plsc.load_gather(iblk.at[slot], [lane + LANES, li])
            s = jnp.sum(u0 * v0 + u1 * v1)
            acc = jnp.where(lane == i, s, acc)

            if i + NBUF < LANES:
                issue(uvec[i + NBUF], ivec[i + NBUF], slot)
            else:
                @pl.when(g < BPW // LANES - 1)
                def _():
                    issue(uvec_n[i + NBUF - LANES],
                          ivec_n[i + NBUF - LANES], slot)

        out_v[pl.ds(g * LANES, LANES)] = acc
        return carry

    lax.fori_loop(0, BPW // LANES, body, 0)

    pltpu.sync_copy(out_v, out_hbm.at[pl.ds(base, BPW)])


def kernel(x, user_embedding, item_embedding):
    uid = x[:, 0]
    iid = x[:, 1]
    return _gcmc_sc_kernel(uid, iid, user_embedding.T, item_embedding.T)

# --- scband reference (transcript-rebuilt; emitter-appended) ---
"""Pipeline reference for scband-gcmcmodel-1906965479722 (READ-ONLY COPY).

The authoritative reference and input builder live on the scoring server;
editing this copy changes nothing except your own understanding.
"""

import jax, jax.numpy as jnp
import numpy as np

N_USER = 1000000
N_ITEM = 1000000
EMB = 32
BATCH = 16384

def _xavier_uniform(key, shape):
    fan_in, fan_out = shape[0], shape[1]
    limit = float(np.sqrt(6.0 / (fan_in + fan_out)))
    return jax.random.uniform(key, shape, dtype=jnp.float32, minval=-limit, maxval=limit)

def setup_inputs(seed: int = 0) -> dict:
    key = jax.random.key(seed)
    k1, k2, k3 = jax.random.split(key, 3)
    x = jax.random.randint(k1, (BATCH, 2), 0, N_USER, dtype=jnp.int64 if jax.config.jax_enable_x64 else jnp.int32).astype(jnp.int32)
    user_embedding = _xavier_uniform(k2, (N_USER, EMB))
    item_embedding = _xavier_uniform(k3, (N_ITEM, EMB))
    return {"x": x, "user_embedding": user_embedding, "item_embedding": item_embedding}

def reference(x, user_embedding, item_embedding):
    user_id = x[:, 0]
    item_id = x[:, 1]
    user_emb = jnp.take(user_embedding, user_id, axis=0)
    item_emb = jnp.take(item_embedding, item_id, axis=0)
    output = jnp.sum(user_emb * item_emb, axis=1)
    return output

if __name__ == "__main__":
    import jax
    _d = setup_inputs()
    print(jax.jit(kernel)(*tuple(_d.values())))

</pallas_src>

<mosaic_0001>
#map = affine_map<(d0, d1) -> (0)>
#map1 = affine_map<(d0, d1) -> (0, 0)>
module attributes {stable_mosaic.version = 14 : i64} {
  func.func @_gcmc_sc_kernel(%arg0: i32, %arg1: i32, %arg2: memref<16384xi32, #tpu.memory_space<hbm>>, %arg3: memref<16384xi32, #tpu.memory_space<hbm>>, %arg4: memref<32x1000000xf32, #tpu.memory_space<hbm>>, %arg5: memref<32x1000000xf32, #tpu.memory_space<hbm>>, %arg6: memref<16384xf32, #tpu.memory_space<hbm>>, %arg7: memref<528xi32, #tpu.memory_space<vmem>>, %arg8: memref<528xi32, #tpu.memory_space<vmem>>, %arg9: memref<8x32x128xf32, #tpu.memory_space<vmem>>, %arg10: memref<8x32x128xf32, #tpu.memory_space<vmem>>, %arg11: memref<512xf32, #tpu.memory_space<vmem>>, %arg12: memref<!tpu.dma_semaphore, #tpu.memory_space<semaphore_mem>>, %arg13: memref<!tpu.dma_semaphore, #tpu.memory_space<semaphore_mem>>) attributes {dimension_semantics = [#tpu.dimension_semantics<core_parallel>, #tpu.dimension_semantics<subcore_parallel>], iteration_bounds = array<i64: 2, 16>, scalar_prefetch = 0 : i64, scratch_operands = 7 : i64, tpu.core_type = #tpu.core_type<sc_vector_subcore>, window_params = [{transform_indices = #map}, {transform_indices = #map}, {transform_indices = #map1}, {transform_indices = #map1}, {transform_indices = #map}]} {
    %mul3A = arith.constant 2 : i32
    %mul3A_0 = arith.muli %arg1, %mul3A : i32
    %add3A = arith.addi %mul3A_0, %arg0 : i32
    %mul3A_1 = arith.constant 512 : i32
    %mul3A_2 = arith.muli %add3A, %mul3A_1 : i32
    "tpu.region"() ({
      %run_scoped3A = tpu.sem_alloc : memref<!tpu.dma_semaphore, #tpu.memory_space<semaphore_mem>>
      %dma_start3A_326 = arith.constant 0 : i32
      %dma_start3A_327 = tpu.memref_slice %arg7[%dma_start3A_326] : memref<528xi32, #tpu.memory_space<vmem>> -> memref<512xi32, #tpu.memory_space<vmem>>
      %dma_start3A_328 = tpu.memref_slice %arg2[%mul3A_2] : memref<16384xi32, #tpu.memory_space<hbm>> -> memref<512xi32, #tpu.memory_space<hbm>>
      %dma_start3A_329 = arith.constant 0 : i32
      %dma_start3A_330 = tpu.memref_slice %arg7[%dma_start3A_329] : memref<528xi32, #tpu.memory_space<vmem>> -> memref<512xi32, #tpu.memory_space<vmem>>
      %dma_start3A_331 = tpu.memref_slice %arg2[%mul3A_2] : memref<16384xi32, #tpu.memory_space<hbm>> -> memref<512xi32, #tpu.memory_space<hbm>>
      tpu.enqueue_dma source(%dma_start3A_331 : memref<512xi32, #tpu.memory_space<hbm>>) target(%dma_start3A_330 : memref<512xi32, #tpu.memory_space<vmem>>) target_semaphore(%run_scoped3A : memref<!tpu.dma_semaphore, #tpu.memory_space<semaphore_mem>>)
      %dma_wait3A = arith.constant 0 : i32
      %dma_wait3A_332 = tpu.memref_slice %arg7[%dma_wait3A] : memref<528xi32, #tpu.memory_space<vmem>> -> memref<512xi32, #tpu.memory_space<vmem>>
      %dma_wait3A_333 = tpu.memref_slice %arg2[%mul3A_2] : memref<16384xi32, #tpu.memory_space<hbm>> -> memref<512xi32, #tpu.memory_space<hbm>>
      %dma_wait3A_334 = arith.constant 0 : i32
      %dma_wait3A_335 = tpu.memref_slice %arg7[%dma_wait3A_334] : memref<528xi32, #tpu.memory_space<vmem>> -> memref<512xi32, #tpu.memory_space<vmem>>
      %dma_wait3A_336 = tpu.memref_slice %arg2[%mul3A_2] : memref<16384xi32, #tpu.memory_space<hbm>> -> memref<512xi32, #tpu.memory_space<hbm>>
      tpu.wait_dma2 semaphore(%run_scoped3A : memref<!tpu.dma_semaphore, #tpu.memory_space<semaphore_mem>>) src(%dma_wait3A_336 : memref<512xi32, #tpu.memory_space<hbm>>) dst(%dma_wait3A_335 : memref<512xi32, #tpu.memory_space<vmem>>)
      tpu.yield
    }) : () -> ()
    "tpu.region"() ({
      %run_scoped3A = tpu.sem_alloc : memref<!tpu.dma_semaphore, #tpu.memory_space<semaphore_mem>>
      %dma_start3A_326 = arith.constant 0 : i32
      %dma_start3A_327 = tpu.memref_slice %arg8[%dma_start3A_326] : memref<528xi32, #tpu.memory_space<vmem>> -> memref<512xi32, #tpu.memory_space<vmem>>
      %dma_start3A_328 = tpu.memref_slice %arg3[%mul3A_2] : memref<16384xi32, #tpu.memory_space<hbm>> -> memref<512xi32, #tpu.memory_space<hbm>>
      %dma_start3A_329 = arith.constant 0 : i32
      %dma_start3A_330 = tpu.memref_slice %arg8[%dma_start3A_329] : memref<528xi32, #tpu.memory_space<vmem>> -> memref<512xi32, #tpu.memory_space<vmem>>
      %dma_start3A_331 = tpu.memref_slice %arg3[%mul3A_2] : memref<16384xi32, #tpu.memory_space<hbm>> -> memref<512xi32, #tpu.memory_space<hbm>>
      tpu.enqueue_dma source(%dma_start3A_331 : memref<512xi32, #tpu.memory_space<hbm>>) target(%dma_start3A_330 : memref<512xi32, #tpu.memory_space<vmem>>) target_semaphore(%run_scoped3A : memref<!tpu.dma_semaphore, #tpu.memory_space<semaphore_mem>>)
      %dma_wait3A = arith.constant 0 : i32
      %dma_wait3A_332 = tpu.memref_slice %arg8[%dma_wait3A] : memref<528xi32, #tpu.memory_space<vmem>> -> memref<512xi32, #tpu.memory_space<vmem>>
      %dma_wait3A_333 = tpu.memref_slice %arg3[%mul3A_2] : memref<16384xi32, #tpu.memory_space<hbm>> -> memref<512xi32, #tpu.memory_space<hbm>>
      %dma_wait3A_334 = arith.constant 0 : i32
      %dma_wait3A_335 = tpu.memref_slice %arg8[%dma_wait3A_334] : memref<528xi32, #tpu.memory_space<vmem>> -> memref<512xi32, #tpu.memory_space<vmem>>
      %dma_wait3A_336 = tpu.memref_slice %arg3[%mul3A_2] : memref<16384xi32, #tpu.memory_space<hbm>> -> memref<512xi32, #tpu.memory_space<hbm>>
      tpu.wait_dma2 semaphore(%run_scoped3A : memref<!tpu.dma_semaphore, #tpu.memory_space<semaphore_mem>>) src(%dma_wait3A_336 : memref<512xi32, #tpu.memory_space<hbm>>) dst(%dma_wait3A_335 : memref<512xi32, #tpu.memory_space<vmem>>)
      tpu.yield
    }) : () -> ()
    %iota3A = tpu.iota {dimensions = array<i32: 0>} : vector<16xi32>
    %get3A = arith.constant 0 : index
    %get3A_3 = tpu.vector_load %arg7[%get3A] {strides = array<i32>} : memref<528xi32, #tpu.memory_space<vmem>>, vector<16xi32>,
    %get3A_4 = arith.constant 0 : index
    %get3A_5 = tpu.vector_load %arg8[%get3A_4] {strides = array<i32>} : memref<528xi32, #tpu.memory_space<vmem>>, vector<16xi32>,
    %slice3A = vector.extract_strided_slice %get3A_3 {offsets = [0], sizes = [1], strides = [1]} : vector<16xi32> to vector<1xi32>
    %squeeze3A = vector.extract %slice3A[0] : i32 from vector<1xi32>
    %slice3A_6 = vector.extract_strided_slice %get3A_5 {offsets = [0], sizes = [1], strides = [1]} : vector<16xi32> to vector<1xi32>
    %squeeze3A_7 = vector.extract %slice3A_6[0] : i32 from vector<1xi32>
    %shift_right_arithmetic3A = arith.constant 7 : i32
    %shift_right_arithmetic3A_8 = arith.shrsi %squeeze3A, %shift_right_arithmetic3A : i32
    %mul3A_9 = arith.constant 128 : i32
    %mul3A_10 = arith.muli %shift_right_arithmetic3A_8, %mul3A_9 : i32
    %multiple_of3A = tpu.assume_multiple %mul3A_10, 128 : i32
    %shift_right_arithmetic3A_11 = arith.constant 7 : i32
    %shift_right_arithmetic3A_12 = arith.shrsi %squeeze3A_7, %shift_right_arithmetic3A_11 : i32
    %mul3A_13 = arith.constant 128 : i32
    %mul3A_14 = arith.muli %shift_right_arithmetic3A_12, %mul3A_13 : i32
    %multiple_of3A_15 = tpu.assume_multiple %mul3A_14, 128 : i32
    %dma_start3A = arith.constant 0 : i32
    %dma_start3A_16 = arith.constant 0 : i32
    %dma_start3A_17 = arith.constant 0 : i32
    %dma_start3A_18 = tpu.memref_slice %arg9[%dma_start3A, %dma_start3A_16, %dma_start3A_17] : memref<8x32x128xf32, #tpu.memory_space<vmem>> -> memref<1x32x128xf32, #tpu.memory_space<vmem>>
    %dma_start3A_19 = tpu.memref_squeeze %dma_start3A_18 : memref<1x32x128xf32, #tpu.memory_space<vmem>> -> memref<32x128xf32, #tpu.memory_space<vmem>>
    %dma_start3A_20 = arith.constant 0 : i32
    %dma_start3A_21 = tpu.memref_slice %arg4[%dma_start3A_20, %multiple_of3A] : memref<32x1000000xf32, #tpu.memory_space<hbm>> -> memref<32x128xf32, #tpu.memory_space<hbm>>
    %dma_start3A_22 = arith.constant 0 : i32
    %dma_start3A_23 = arith.constant 0 : i32
    %dma_start3A_24 = tpu.memref_slice %arg9[%dma_start3A, %dma_start3A_22, %dma_start3A_23] : memref<8x32x128xf32, #tpu.memory_space<vmem>> -> memref<1x32x128xf32, #tpu.memory_space<vmem>>
    %dma_start3A_25 = tpu.memref_squeeze %dma_start3A_24 : memref<1x32x128xf32, #tpu.memory_space<vmem>> -> memref<32x128xf32, #tpu.memory_space<vmem>>
    %dma_start3A_26 = arith.constant 0 : i32
    %dma_start3A_27 = tpu.memref_slice %arg4[%dma_start3A_26, %multiple_of3A] : memref<32x1000000xf32, #tpu.memory_space<hbm>> -> memref<32x128xf32, #tpu.memory_space<hbm>>
    tpu.enqueue_dma source(%dma_start3A_27 : memref<32x128xf32, #tpu.memory_space<hbm>>) target(%dma_start3A_25 : memref<32x128xf32, #tpu.memory_space<vmem>>) target_semaphore(%arg12 : memref<!tpu.dma_semaphore, #tpu.memory_space<semaphore_mem>>)
    %dma_start3A_28 = arith.constant 0 : i32
    %dma_start3A_29 = arith.constant 0 : i32
    %dma_start3A_30 = arith.constant 0 : i32
    %dma_start3A_31 = tpu.memref_slice %arg10[%dma_start3A_28, %dma_start3A_29, %dma_start3A_30] : memref<8x32x128xf32, #tpu.memory_space<vmem>> -> memref<1x32x128xf32, #tpu.memory_space<vmem>>
    %dma_start3A_32 = tpu.memref_squeeze %dma_start3A_31 : memref<1x32x128xf32, #tpu.memory_space<vmem>> -> memref<32x128xf32, #tpu.memory_space<vmem>>
    %dma_start3A_33 = arith.constant 0 : i32
    %dma_start3A_34 = tpu.memref_slice %arg5[%dma_start3A_33, %multiple_of3A_15] : memref<32x1000000xf32, #tpu.memory_space<hbm>> -> memref<32x128xf32, #tpu.memory_space<hbm>>
    %dma_start3A_35 = arith.constant 0 : i32
    %dma_start3A_36 = arith.constant 0 : i32
    %dma_start3A_37 = tpu.memref_slice %arg10[%dma_start3A_28, %dma_start3A_35, %dma_start3A_36] : memref<8x32x128xf32, #tpu.memory_space<vmem>> -> memref<1x32x128xf32, #tpu.memory_space<vmem>>
    %dma_start3A_38 = tpu.memref_squeeze %dma_start3A_37 : memref<1x32x128xf32, #tpu.memory_space<vmem>> -> memref<32x128xf32, #tpu.memory_space<vmem>>
    %dma_start3A_39 = arith.constant 0 : i32
    %dma_start3A_40 = tpu.memref_slice %arg5[%dma_start3A_39, %multiple_of3A_15] : memref<32x1000000xf32, #tpu.memory_space<hbm>> -> memref<32x128xf32, #tpu.memory_space<hbm>>
    tpu.enqueue_dma source(%dma_start3A_40 : memref<32x128xf32, #tpu.memory_space<hbm>>) target(%dma_start3A_38 : memref<32x128xf32, #tpu.memory_space<vmem>>) target_semaphore(%arg13 : memref<!tpu.dma_semaphore, #tpu.memory_space<semaphore_mem>>)
    %slice3A_41 = vector.extract_strided_slice %get3A_3 {offsets = [1], sizes = [1], strides = [1]} : vector<16xi32> to vector<1xi32>
    %squeeze3A_42 = vector.extract %slice3A_41[0] : i32 from vector<1xi32>
    %slice3A_43 = vector.extract_strided_slice %get3A_5 {offsets = [1], sizes = [1], strides = [1]} : vector<16xi32> to vector<1xi32>
    %squeeze3A_44 = vector.extract %slice3A_43[0] : i32 from vector<1xi32>
    %shift_right_arithmetic3A_45 = arith.constant 7 : i32
    %shift_right_arithmetic3A_46 = arith.shrsi %squeeze3A_42, %shift_right_arithmetic3A_45 : i32
    %mul3A_47 = arith.constant 128 : i32
    %mul3A_48 = arith.muli %shift_right_arithmetic3A_46, %mul3A_47 : i32
    %multiple_of3A_49 = tpu.assume_multiple %mul3A_48, 128 : i32
    %shift_right_arithmetic3A_50 = arith.constant 7 : i32
    %shift_right_arithmetic3A_51 = arith.shrsi %squeeze3A_44, %shift_right_arithmetic3A_50 : i32
    %mul3A_52 = arith.constant 128 : i32
    %mul3A_53 = arith.muli %shift_right_arithmetic3A_51, %mul3A_52 : i32
    %multiple_of3A_54 = tpu.assume_multiple %mul3A_53, 128 : i32
    %dma_start3A_55 = arith.constant 1 : i32
    %dma_start3A_56 = arith.constant 0 : i32
    %dma_start3A_57 = arith.constant 0 : i32
    %dma_start3A_58 = tpu.memref_slice %arg9[%dma_start3A_55, %dma_start3A_56, %dma_start3A_57] : memref<8x32x128xf32, #tpu.memory_space<vmem>> -> memref<1x32x128xf32, #tpu.memory_space<vmem>>
    %dma_start3A_59 = tpu.memref_squeeze %dma_start3A_58 : memref<1x32x128xf32, #tpu.memory_space<vmem>> -> memref<32x128xf32, #tpu.memory_space<vmem>>
    %dma_start3A_60 = arith.constant 0 : i32
    %dma_start3A_61 = tpu.memref_slice %arg4[%dma_start3A_60, %multiple_of3A_49] : memref<32x1000000xf32, #tpu.memory_space<hbm>> -> memref<32x128xf32, #tpu.memory_space<hbm>>
    %dma_start3A_62 = arith.constant 0 : i32
    %dma_start3A_63 = arith.constant 0 : i32
    %dma_start3A_64 = tpu.memref_slice %arg9[%dma_start3A_55, %dma_start3A_62, %dma_start3A_63] : memref<8x32x128xf32, #tpu.memory_space<vmem>> -> memref<1x32x128xf32, #tpu.memory_space<vmem>>
    %dma_start3A_65 = tpu.memref_squeeze %dma_start3A_64 : memref<1x32x128xf32, #tpu.memory_space<vmem>> -> memref<32x128xf32, #tpu.memory_space<vmem>>
    %dma_start3A_66 = arith.constant 0 : i32
    %dma_start3A_67 = tpu.memref_slice %arg4[%dma_start3A_66, %multiple_of3A_49] : memref<32x1000000xf32, #tpu.memory_space<hbm>> -> memref<32x128xf32, #tpu.memory_space<hbm>>
    tpu.enqueue_dma source(%dma_start3A_67 : memref<32x128xf32, #tpu.memory_space<hbm>>) target(%dma_start3A_65 : memref<32x128xf32, #tpu.memory_space<vmem>>) target_semaphore(%arg12 : memref<!tpu.dma_semaphore, #tpu.memory_space<semaphore_mem>>)
    %dma_start3A_68 = arith.constant 1 : i32
    %dma_start3A_69 = arith.constant 0 : i32
    %dma_start3A_70 = arith.constant 0 : i32
    %dma_start3A_71 = tpu.memref_slice %arg10[%dma_start3A_68, %dma_start3A_69, %dma_start3A_70] : memref<8x32x128xf32, #tpu.memory_space<vmem>> -> memref<1x32x128xf32, #tpu.memory_space<vmem>>
    %dma_start3A_72 = tpu.memref_squeeze %dma_start3A_71 : memref<1x32x128xf32, #tpu.memory_space<vmem>> -> memref<32x128xf32, #tpu.memory_space<vmem>>
    %dma_start3A_73 = arith.constant 0 : i32
    %dma_start3A_74 = tpu.memref_slice %arg5[%dma_start3A_73, %multiple_of3A_54] : memref<32x1000000xf32, #tpu.memory_space<hbm>> -> memref<32x128xf32, #tpu.memory_space<hbm>>
    %dma_start3A_75 = arith.constant 0 : i32
    %dma_start3A_76 = arith.constant 0 : i32
    %dma_start3A_77 = tpu.memref_slice %arg10[%dma_start3A_68, %dma_start3A_75, %dma_start3A_76] : memref<8x32x128xf32, #tpu.memory_space<vmem>> -> memref<1x32x128xf32, #tpu.memory_space<vmem>>
    %dma_start3A_78 = tpu.memref_squeeze %dma_start3A_77 : memref<1x32x128xf32, #tpu.memory_space<vmem>> -> memref<32x128xf32, #tpu.memory_space<vmem>>
    %dma_start3A_79 = arith.constant 0 : i32
    %dma_start3A_80 = tpu.memref_slice %arg5[%dma_start3A_79, %multiple_of3A_54] : memref<32x1000000xf32, #tpu.memory_space<hbm>> -> memref<32x128xf32, #tpu.memory_space<hbm>>
    tpu.enqueue_dma source(%dma_start3A_80 : memref<32x128xf32, #tpu.memory_space<hbm>>) target(%dma_start3A_78 : memref<32x128xf32, #tpu.memory_space<vmem>>) target_semaphore(%arg13 : memref<!tpu.dma_semaphore, #tpu.memory_space<semaphore_mem>>)
    %slice3A_81 = vector.extract_strided_slice %get3A_3 {offsets = [2], sizes = [1], strides = [1]} : vector<16xi32> to vector<1xi32>
    %squeeze3A_82 = vector.extract %slice3A_81[0] : i32 from vector<1xi32>
    %slice3A_83 = vector.extract_strided_slice %get3A_5 {offsets = [2], sizes = [1], strides = [1]} : vector<16xi32> to vector<1xi32>
    %squeeze3A_84 = vector.extract %slice3A_83[0] : i32 from vector<1xi32>
    %shift_right_arithmetic3A_85 = arith.constant 7 : i32
    %shift_right_arithmetic3A_86 = arith.shrsi %squeeze3A_82, %shift_right_arithmetic3A_85 : i32
    %mul3A_87 = arith.constant 128 : i32
    %mul3A_88 = arith.muli %shift_right_arithmetic3A_86, %mul3A_87 : i32
    %multiple_of3A_89 = tpu.assume_multiple %mul3A_88, 128 : i32
    %shift_right_arithmetic3A_90 = arith.constant 7 : i32
    %shift_right_arithmetic3A_91 = arith.shrsi %squeeze3A_84, %shift_right_arithmetic3A_90 : i32
    %mul3A_92 = arith.constant 128 : i32
    %mul3A_93 = arith.muli %shift_right_arithmetic3A_91, %mul3A_92 : i32
    %multiple_of3A_94 = tpu.assume_multiple %mul3A_93, 128 : i32
    %dma_start3A_95 = arith.constant 2 : i32
    %dma_start3A_96 = arith.constant 0 : i32
    %dma_start3A_97 = arith.constant 0 : i32
    %dma_start3A_98 = tpu.memref_slice %arg9[%dma_start3A_95, %dma_start3A_96, %dma_start3A_97] : memref<8x32x128xf32, #tpu.memory_space<vmem>> -> memref<1x32x128xf32, #tpu.memory_space<vmem>>
    %dma_start3A_99 = tpu.memref_squeeze %dma_start3A_98 : memref<1x32x128xf32, #tpu.memory_space<vmem>> -> memref<32x128xf32, #tpu.memory_space<vmem>>
    %dma_start3A_100 = arith.constant 0 : i32
    %dma_start3A_101 = tpu.memref_slice %arg4[%dma_start3A_100, %multiple_of3A_89] : memref<32x1000000xf32, #tpu.memory_space<hbm>> -> memref<32x128xf32, #tpu.memory_space<hbm>>
    %dma_start3A_102 = arith.constant 0 : i32
    %dma_start3A_103 = arith.constant 0 : i32
    %dma_start3A_104 = tpu.memref_slice %arg9[%dma_start3A_95, %dma_start3A_102, %dma_start3A_103] : memref<8x32x128xf32, #tpu.memory_space<vmem>> -> memref<1x32x128xf32, #tpu.memory_space<vmem>>
    %dma_start3A_105 = tpu.memref_squeeze %dma_start3A_104 : memref<1x32x128xf32, #tpu.memory_space<vmem>> -> memref<32x128xf32, #tpu.memory_space<vmem>>
    %dma_start3A_106 = arith.constant 0 : i32
    %dma_start3A_107 = tpu.memref_slice %arg4[%dma_start3A_106, %multiple_of3A_89] : memref<32x1000000xf32, #tpu.memory_space<hbm>> -> memref<32x128xf32, #tpu.memory_space<hbm>>
    tpu.enqueue_dma source(%dma_start3A_107 : memref<32x128xf32, #tpu.memory_space<hbm>>) target(%dma_start3A_105 : memref<32x128xf32, #tpu.memory_space<vmem>>) target_semaphore(%arg12 : memref<!tpu.dma_semaphore, #tpu.memory_space<semaphore_mem>>)
    %dma_start3A_108 = arith.constant 2 : i32
    %dma_start3A_109 = arith.constant 0 : i32
    %dma_start3A_110 = arith.constant 0 : i32
    %dma_start3A_111 = tpu.memref_slice %arg10[%dma_start3A_108, %dma_start3A_109, %dma_start3A_110] : memref<8x32x128xf32, #tpu.memory_space<vmem>> -> memref<1x32x128xf32, #tpu.memory_space<vmem>>
    %dma_start3A_112 = tpu.memref_squeeze %dma_start3A_111 : memref<1x32x128xf32, #tpu.memory_space<vmem>> -> memref<32x128xf32, #tpu.memory_space<vmem>>
    %dma_start3A_113 = arith.constant 0 : i32
    %dma_start3A_114 = tpu.memref_slice %arg5[%dma_start3A_113, %multiple_of3A_94] : memref<32x1000000xf32, #tpu.memory_space<hbm>> -> memref<32x128xf32, #tpu.memory_space<hbm>>
    %dma_start3A_115 = arith.constant 0 : i32
    %dma_start3A_116 = arith.constant 0 : i32
    %dma_start3A_117 = tpu.memref_slice %arg10[%dma_start3A_108, %dma_start3A_115, %dma_start3A_116] : memref<8x32x128xf32, #tpu.memory_space<vmem>> -> memref<1x32x128xf32, #tpu.memory_space<vmem>>
    %dma_start3A_118 = tpu.memref_squeeze %dma_start3A_117 : memref<1x32x128xf32, #tpu.memory_space<vmem>> -> memref<32x128xf32, #tpu.memory_space<vmem>>
    %dma_start3A_119 = arith.constant 0 : i32
    %dma_start3A_120 = tpu.memref_slice %arg5[%dma_start3A_119, %multiple_of3A_94] : memref<32x1000000xf32, #tpu.memory_space<hbm>> -> memref<32x128xf32, #tpu.memory_space<hbm>>
    tpu.enqueue_dma source(%dma_start3A_120 : memref<32x128xf32, #tpu.memory_space<hbm>>) target(%dma_start3A_118 : memref<32x128xf32, #tpu.memory_space<vmem>>) target_semaphore(%arg13 : memref<!tpu.dma_semaphore, #tpu.memory_space<semaphore_mem>>)
    %slice3A_121 = vector.extract_strided_slice %get3A_3 {offsets = [3], sizes = [1], strides = [1]} : vector<16xi32> to vector<1xi32>
    %squeeze3A_122 = vector.extract %slice3A_121[0] : i32 from vector<1xi32>
    %slice3A_123 = vector.extract_strided_slice %get3A_5 {offsets = [3], sizes = [1], strides = [1]} : vector<16xi32> to vector<1xi32>
    %squeeze3A_124 = vector.extract %slice3A_123[0] : i32 from vector<1xi32>
    %shift_right_arithmetic3A_125 = arith.constant 7 : i32
    %shift_right_arithmetic3A_126 = arith.shrsi %squeeze3A_122, %shift_right_arithmetic3A_125 : i32
    %mul3A_127 = arith.constant 128 : i32
    %mul3A_128 = arith.muli %shift_right_arithmetic3A_126, %mul3A_127 : i32
    %multiple_of3A_129 = tpu.assume_multiple %mul3A_128, 128 : i32
    %shift_right_arithmetic3A_130 = arith.constant 7 : i32
    %shift_right_arithmetic3A_131 = arith.shrsi %squeeze3A_124, %shift_right_arithmetic3A_130 : i32
    %mul3A_132 = arith.constant 128 : i32
    %mul3A_133 = arith.muli %shift_right_arithmetic3A_131, %mul3A_132 : i32
    %multiple_of3A_134 = tpu.assume_multiple %mul3A_133, 128 : i32
    %dma_start3A_135 = arith.constant 3 : i32
    %dma_start3A_136 = arith.constant 0 : i32
    %dma_start3A_137 = arith.constant 0 : i32
    %dma_start3A_138 = tpu.memref_slice %arg9[%dma_start3A_135, %dma_start3A_136, %dma_start3A_137] : memref<8x32x128xf32, #tpu.memory_space<vmem>> -> memref<1x32x128xf32, #tpu.memory_space<vmem>>
    %dma_start3A_139 = tpu.memref_squeeze %dma_start3A_138 : memref<1x32x128xf32, #tpu.memory_space<vmem>> -> memref<32x128xf32, #tpu.memory_space<vmem>>
    %dma_start3A_140 = arith.constant 0 : i32
    %dma_start3A_141 = tpu.memref_slice %arg4[%dma_start3A_140, %multiple_of3A_129] : memref<32x1000000xf32, #tpu.memory_space<hbm>> -> memref<32x128xf32, #tpu.memory_space<hbm>>
    %dma_start3A_142 = arith.constant 0 : i32
    %dma_start3A_143 = arith.constant 0 : i32
    %dma_start3A_144 = tpu.memref_slice %arg9[%dma_start3A_135, %dma_start3A_142, %dma_start3A_143] : memref<8x32x128xf32, #tpu.memory_space<vmem>> -> memref<1x32x128xf32, #tpu.memory_space<vmem>>
    %dma_start3A_145 = tpu.memref_squeeze %dma_start3A_144 : memref<1x32x128xf32, #tpu.memory_space<vmem>> -> memref<32x128xf32, #tpu.memory_space<vmem>>
    %dma_start3A_146 = arith.constant 0 : i32
    %dma_start3A_147 = tpu.memref_slice %arg4[%dma_start3A_146, %multiple_of3A_129] : memref<32x1000000xf32, #tpu.memory_space<hbm>> -> memref<32x128xf32, #tpu.memory_space<hbm>>
    tpu.enqueue_dma source(%dma_start3A_147 : memref<32x128xf32, #tpu.memory_space<hbm>>) target(%dma_start3A_145 : memref<32x128xf32, #tpu.memory_space<vmem>>) target_semaphore(%arg12 : memref<!tpu.dma_semaphore, #tpu.memory_space<semaphore_mem>>)
    %dma_start3A_148 = arith.constant 3 : i32
    %dma_start3A_149 = arith.constant 0 : i32
    %dma_start3A_150 = arith.constant 0 : i32
    %dma_start3A_151 = tpu.memref_slice %arg10[%dma_start3A_148, %dma_start3A_149, %dma_start3A_150] : memref<8x32x128xf32, #tpu.memory_space<vmem>> -> memref<1x32x128xf32, #tpu.memory_space<vmem>>
    %dma_start3A_152 = tpu.memref_squeeze %dma_start3A_151 : memref<1x32x128xf32, #tpu.memory_space<vmem>> -> memref<32x128xf32, #tpu.memory_space<vmem>>
    %dma_start3A_153 = arith.constant 0 : i32
    %dma_start3A_154 = tpu.memref_slice %arg5[%dma_start3A_153, %multiple_of3A_134] : memref<32x1000000xf32, #tpu.memory_space<hbm>> -> memref<32x128xf32, #tpu.memory_space<hbm>>
    %dma_start3A_155 = arith.constant 0 : i32
    %dma_start3A_156 = arith.constant 0 : i32
    %dma_start3A_157 = tpu.memref_slice %arg10[%dma_start3A_148, %dma_start3A_155, %dma_start3A_156] : memref<8x32x128xf32, #tpu.memory_space<vmem>> -> memref<1x32x128xf32, #tpu.memory_space<vmem>>
    %dma_start3A_158 = tpu.memref_squeeze %dma_start3A_157 : memref<1x32x128xf32, #tpu.memory_space<vmem>> -> memref<32x128xf32, #tpu.memory_space<vmem>>
    %dma_start3A_159 = arith.constant 0 : i32
    %dma_start3A_160 = tpu.memref_slice %arg5[%dma_start3A_159, %multiple_of3A_134] : memref<32x1000000xf32, #tpu.memory_space<hbm>> -> memref<32x128xf32, #tpu.memory_space<hbm>>
    tpu.enqueue_dma source(%dma_start3A_160 : memref<32x128xf32, #tpu.memory_space<hbm>>) target(%dma_start3A_158 : memref<32x128xf32, #tpu.memory_space<vmem>>) target_semaphore(%arg13 : memref<!tpu.dma_semaphore, #tpu.memory_space<semaphore_mem>>)
    %slice3A_161 = vector.extract_strided_slice %get3A_3 {offsets = [4], sizes = [1], strides = [1]} : vector<16xi32> to vector<1xi32>
    %squeeze3A_162 = vector.extract %slice3A_161[0] : i32 from vector<1xi32>
    %slice3A_163 = vector.extract_strided_slice %get3A_5 {offsets = [4], sizes = [1], strides = [1]} : vector<16xi32> to vector<1xi32>
    %squeeze3A_164 = vector.extract %slice3A_163[0] : i32 from vector<1xi32>
    %shift_right_arithmetic3A_165 = arith.constant 7 : i32
    %shift_right_arithmetic3A_166 = arith.shrsi %squeeze3A_162, %shift_right_arithmetic3A_165 : i32
    %mul3A_167 = arith.constant 128 : i32
    %mul3A_168 = arith.muli %shift_right_arithmetic3A_166, %mul3A_167 : i32
    %multiple_of3A_169 = tpu.assume_multiple %mul3A_168, 128 : i32
    %shift_right_arithmetic3A_170 = arith.constant 7 : i32
    %shift_right_arithmetic3A_171 = arith.shrsi %squeeze3A_164, %shift_right_arithmetic3A_170 : i32
    %mul3A_172 = arith.constant 128 : i32
    %mul3A_173 = arith.muli %shift_right_arithmetic3A_171, %mul3A_172 : i32
    %multiple_of3A_174 = tpu.assume_multiple %mul3A_173, 128 : i32
    %dma_start3A_175 = arith.constant 4 : i32
    %dma_start3A_176 = arith.constant 0 : i32
    %dma_start3A_177 = arith.constant 0 : i32
    %dma_start3A_178 = tpu.memref_slice %arg9[%dma_start3A_175, %dma_start3A_176, %dma_start3A_177] : memref<8x32x128xf32, #tpu.memory_space<vmem>> -> memref<1x32x128xf32, #tpu.memory_space<vmem>>
    %dma_start3A_179 = tpu.memref_squeeze %dma_start3A_178 : memref<1x32x128xf32, #tpu.memory_space<vmem>> -> memref<32x128xf32, #tpu.memory_space<vmem>>
    %dma_start3A_180 = arith.constant 0 : i32
    %dma_start3A_181 = tpu.memref_slice %arg4[%dma_start3A_180, %multiple_of3A_169] : memref<32x1000000xf32, #tpu.memory_space<hbm>> -> memref<32x128xf32, #tpu.memory_space<hbm>>
    %dma_start3A_182 = arith.constant 0 : i32
    %dma_start3A_183 = arith.constant 0 : i32
    %dma_start3A_184 = tpu.memref_slice %arg9[%dma_start3A_175, %dma_start3A_182, %dma_start3A_183] : memref<8x32x128xf32, #tpu.memory_space<vmem>> -> memref<1x32x128xf32, #tpu.memory_space<vmem>>
    %dma_start3A_185 = tpu.memref_squeeze %dma_start3A_184 : memref<1x32x128xf32, #tpu.memory_space<vmem>> -> memref<32x128xf32, #tpu.memory_space<vmem>>
    %dma_start3A_186 = arith.constant 0 : i32
    %dma_start3A_187 = tpu.memref_slice %arg4[%dma_start3A_186, %multiple_of3A_169] : memref<32x1000000xf32, #tpu.memory_space<hbm>> -> memref<32x128xf32, #tpu.memory_space<hbm>>
    tpu.enqueue_dma source(%dma_start3A_187 : memref<32x128xf32, #tpu.memory_space<hbm>>) target(%dma_start3A_185 : memref<32x128xf32, #tpu.memory_space<vmem>>) target_semaphore(%arg12 : memref<!tpu.dma_semaphore, #tpu.memory_space<semaphore_mem>>)
    %dma_start3A_188 = arith.constant 4 : i32
    %dma_start3A_189 = arith.constant 0 : i32
    %dma_start3A_190 = arith.constant 0 : i32
    %dma_start3A_191 = tpu.memref_slice %arg10[%dma_start3A_188, %dma_start3A_189, %dma_start3A_190] : memref<8x32x128xf32, #tpu.memory_space<vmem>> -> memref<1x32x128xf32, #tpu.memory_space<vmem>>
    %dma_start3A_192 = tpu.memref_squeeze %dma_start3A_191 : memref<1x32x128xf32, #tpu.memory_space<vmem>> -> memref<32x128xf32, #tpu.memory_space<vmem>>
    %dma_start3A_193 = arith.constant 0 : i32
    %dma_start3A_194 = tpu.memref_slice %arg5[%dma_start3A_193, %multiple_of3A_174] : memref<32x1000000xf32, #tpu.memory_space<hbm>> -> memref<32x128xf32, #tpu.memory_space<hbm>>
    %dma_start3A_195 = arith.constant 0 : i32
    %dma_start3A_196 = arith.constant 0 : i32
    %dma_start3A_197 = tpu.memref_slice %arg10[%dma_start3A_188, %dma_start3A_195, %dma_start3A_196] : memref<8x32x128xf32, #tpu.memory_space<vmem>> -> memref<1x32x128xf32, #tpu.memory_space<vmem>>
    %dma_start3A_198 = tpu.memref_squeeze %dma_start3A_197 : memref<1x32x128xf32, #tpu.memory_space<vmem>> -> memref<32x128xf32, #tpu.memory_space<vmem>>
    %dma_start3A_199 = arith.constant 0 : i32
    %dma_start3A_200 = tpu.memref_slice %arg5[%dma_start3A_199, %multiple_of3A_174] : memref<32x1000000xf32, #tpu.memory_space<hbm>> -> memref<32x128xf32, #tpu.memory_space<hbm>>
    tpu.enqueue_dma source(%dma_start3A_200 : memref<32x128xf32, #tpu.memory_space<hbm>>) target(%dma_start3A_198 : memref<32x128xf32, #tpu.memory_space<vmem>>) target_semaphore(%arg13 : memref<!tpu.dma_semaphore, #tpu.memory_space<semaphore_mem>>)
    %slice3A_201 = vector.extract_strided_slice %get3A_3 {offsets = [5], sizes = [1], strides = [1]} : vector<16xi32> to vector<1xi32>
    %squeeze3A_202 = vector.extract %slice3A_201[0] : i32 from vector<1xi32>
    %slice3A_203 = vector.extract_strided_slice %get3A_5 {offsets = [5], sizes = [1], strides = [1]} : vector<16xi32> to vector<1xi32>
    %squeeze3A_204 = vector.extract %slice3A_203[0] : i32 from vector<1xi32>
    %shift_right_arithmetic3A_205 = arith.constant 7 : i32
    %shift_right_arithmetic3A_206 = arith.shrsi %squeeze3A_202, %shift_right_arithmetic3A_205 : i32
    %mul3A_207 = arith.constant 128 : i32
    %mul3A_208 = arith.muli %shift_right_arithmetic3A_206, %mul3A_207 : i32
    %multiple_of3A_209 = tpu.assume_multiple %mul3A_208, 128 : i32
    %shift_right_arithmetic3A_210 = arith.constant 7 : i32
    %shift_right_arithmetic3A_211 = arith.shrsi %squeeze3A_204, %shift_right_arithmetic3A_210 : i32
    %mul3A_212 = arith.constant 128 : i32
    %mul3A_213 = arith.muli %shift_right_arithmetic3A_211, %mul3A_212 : i32
    %multiple_of3A_214 = tpu.assume_multiple %mul3A_213, 128 : i32
    %dma_start3A_215 = arith.constant 5 : i32
    %dma_start3A_216 = arith.constant 0 : i32
    %dma_start3A_217 = arith.constant 0 : i32
    %dma_start3A_218 = tpu.memref_slice %arg9[%dma_start3A_215, %dma_start3A_216, %dma_start3A_217] : memref<8x32x128xf32, #tpu.memory_space<vmem>> -> memref<1x32x128xf32, #tpu.memory_space<vmem>>
    %dma_start3A_219 = tpu.memref_squeeze %dma_start3A_218 : memref<1x32x128xf32, #tpu.memory_space<vmem>> -> memref<32x128xf32, #tpu.memory_space<vmem>>
    %dma_start3A_220 = arith.constant 0 : i32
    %dma_start3A_221 = tpu.memref_slice %arg4[%dma_start3A_220, %multiple_of3A_209] : memref<32x1000000xf32, #tpu.memory_space<hbm>> -> memref<32x128xf32, #tpu.memory_space<hbm>>
    %dma_start3A_222 = arith.constant 0 : i32
    %dma_start3A_223 = arith.constant 0 : i32
    %dma_start3A_224 = tpu.memref_slice %arg9[%dma_start3A_215, %dma_start3A_222, %dma_start3A_223] : memref<8x32x128xf32, #tpu.memory_space<vmem>> -> memref<1x32x128xf32, #tpu.memory_space<vmem>>
    %dma_start3A_225 = tpu.memref_squeeze %dma_start3A_224 : memref<1x32x128xf32, #tpu.memory_space<vmem>> -> memref<32x128xf32, #tpu.memory_space<vmem>>
    %dma_start3A_226 = arith.constant 0 : i32
    %dma_start3A_227 = tpu.memref_slice %arg4[%dma_start3A_226, %multiple_of3A_209] : memref<32x1000000xf32, #tpu.memory_space<hbm>> -> memref<32x128xf32, #tpu.memory_space<hbm>>
    tpu.enqueue_dma source(%dma_start3A_227 : memref<32x128xf32, #tpu.memory_space<hbm>>) target(%dma_start3A_225 : memref<32x128xf32, #tpu.memory_space<vmem>>) target_semaphore(%arg12 : memref<!tpu.dma_semaphore, #tpu.memory_space<semaphore_mem>>)
    %dma_start3A_228 = arith.constant 5 : i32
    %dma_start3A_229 = arith.constant 0 : i32
    %dma_start3A_230 = arith.constant 0 : i32
    %dma_start3A_231 = tpu.memref_slice %arg10[%dma_start3A_228, %dma_start3A_229, %dma_start3A_230] : memref<8x32x128xf32, #tpu.memory_space<vmem>> -> memref<1x32x128xf32, #tpu.memory_space<vmem>>
    %dma_start3A_232 = tpu.memref_squeeze %dma_start3A_231 : memref<1x32x128xf32, #tpu.memory_space<vmem>> -> memref<32x128xf32, #tpu.memory_space<vmem>>
    %dma_start3A_233 = arith.constant 0 : i32
    %dma_start3A_234 = tpu.memref_slice %arg5[%dma_start3A_233, %multiple_of3A_214] : memref<32x1000000xf32, #tpu.memory_space<hbm>> -> memref<32x128xf32, #tpu.memory_space<hbm>>
    %dma_start3A_235 = arith.constant 0 : i32
    %dma_start3A_236 = arith.constant 0 : i32
    %dma_start3A_237 = tpu.memref_slice %arg10[%dma_start3A_228, %dma_start3A_235, %dma_start3A_236] : memref<8x32x128xf32, #tpu.memory_space<vmem>> -> memref<1x32x128xf32, #tpu.memory_space<vmem>>
    %dma_start3A_238 = tpu.memref_squeeze %dma_start3A_237 : memref<1x32x128xf32, #tpu.memory_space<vmem>> -> memref<32x128xf32, #tpu.memory_space<vmem>>
    %dma_start3A_239 = arith.constant 0 : i32
    %dma_start3A_240 = tpu.memref_slice %arg5[%dma_start3A_239, %multiple_of3A_214] : memref<32x1000000xf32, #tpu.memory_space<hbm>> -> memref<32x128xf32, #tpu.memory_space<hbm>>
    tpu.enqueue_dma source(%dma_start3A_240 : memref<32x128xf32, #tpu.memory_space<hbm>>) target(%dma_start3A_238 : memref<32x128xf32, #tpu.memory_space<vmem>>) target_semaphore(%arg13 : memref<!tpu.dma_semaphore, #tpu.memory_space<semaphore_mem>>)
    %slice3A_241 = vector.extract_strided_slice %get3A_3 {offsets = [6], sizes = [1], strides = [1]} : vector<16xi32> to vector<1xi32>
    %squeeze3A_242 = vector.extract %slice3A_241[0] : i32 from vector<1xi32>
    %slice3A_243 = vector.extract_strided_slice %get3A_5 {offsets = [6], sizes = [1], strides = [1]} : vector<16xi32> to vector<1xi32>
    %squeeze3A_244 = vector.extract %slice3A_243[0] : i32 from vector<1xi32>
    %shift_right_arithmetic3A_245 = arith.constant 7 : i32
    %shift_right_arithmetic3A_246 = arith.shrsi %squeeze3A_242, %shift_right_arithmetic3A_245 : i32
    %mul3A_247 = arith.constant 128 : i32
    %mul3A_248 = arith.muli %shift_right_arithmetic3A_246, %mul3A_247 : i32
    %multiple_of3A_249 = tpu.assume_multiple %mul3A_248, 128 : i32
    %shift_right_arithmetic3A_250 = arith.constant 7 : i32
    %shift_right_arithmetic3A_251 = arith.shrsi %squeeze3A_244, %shift_right_arithmetic3A_250 : i32
    %mul3A_252 = arith.constant 128 : i32
    %mul3A_253 = arith.muli %shift_right_arithmetic3A_251, %mul3A_252 : i32
    %multiple_of3A_254 = tpu.assume_multiple %mul3A_253, 128 : i32
    %dma_start3A_255 = arith.constant 6 : i32
    %dma_start3A_256 = arith.constant 0 : i32
    %dma_start3A_257 = arith.constant 0 : i32
    %dma_start3A_258 = tpu.memref_slice %arg9[%dma_start3A_255, %dma_start3A_256, %dma_start3A_257] : memref<8x32x128xf32, #tpu.memory_space<vmem>> -> memref<1x32x128xf32, #tpu.memory_space<vmem>>
    %dma_start3A_259 = tpu.memref_squeeze %dma_start3A_258 : memref<1x32x128xf32, #tpu.memory_space<vmem>> -> memref<32x128xf32, #tpu.memory_space<vmem>>
    %dma_start3A_260 = arith.constant 0 : i32
    %dma_start3A_261 = tpu.memref_slice %arg4[%dma_start3A_260, %multiple_of3A_249] : memref<32x1000000xf32, #tpu.memory_space<hbm>> -> memref<32x128xf32, #tpu.memory_space<hbm>>
    %dma_start3A_262 = arith.constant 0 : i32
    %dma_start3A_263 = arith.constant 0 : i32
    %dma_start3A_264 = tpu.memref_slice %arg9[%dma_start3A_255, %dma_start3A_262, %dma_start3A_263] : memref<8x32x128xf32, #tpu.memory_space<vmem>> -> memref<1x32x128xf32, #tpu.memory_space<vmem>>
    %dma_start3A_265 = tpu.memref_squeeze %dma_start3A_264 : memref<1x32x128xf32, #tpu.memory_space<vmem>> -> memref<32x128xf32, #tpu.memory_space<vmem>>
    %dma_start3A_266 = arith.constant 0 : i32
    %dma_start3A_267 = tpu.memref_slice %arg4[%dma_start3A_266, %multiple_of3A_249] : memref<32x1000000xf32, #tpu.memory_space<hbm>> -> memref<32x128xf32, #tpu.memory_space<hbm>>
    tpu.enqueue_dma source(%dma_start3A_267 : memref<32x128xf32, #tpu.memory_space<hbm>>) target(%dma_start3A_265 : memref<32x128xf32, #tpu.memory_space<vmem>>) target_semaphore(%arg12 : memref<!tpu.dma_semaphore, #tpu.memory_space<semaphore_mem>>)
    %dma_start3A_268 = arith.constant 6 : i32
    %dma_start3A_269 = arith.constant 0 : i32
    %dma_start3A_270 = arith.constant 0 : i32
    %dma_start3A_271 = tpu.memref_slice %arg10[%dma_start3A_268, %dma_start3A_269, %dma_start3A_270] : memref<8x32x128xf32, #tpu.memory_space<vmem>> -> memref<1x32x128xf32, #tpu.memory_space<vmem>>
    %dma_start3A_272 = tpu.memref_squeeze %dma_start3A_271 : memref<1x32x128xf32, #tpu.memory_space<vmem>> -> memref<32x128xf32, #tpu.memory_space<vmem>>
    %dma_start3A_273 = arith.constant 0 : i32
    %dma_start3A_274 = tpu.memref_slice %arg5[%dma_start3A_273, %multiple_of3A_254] : memref<32x1000000xf32, #tpu.memory_space<hbm>> -> memref<32x128xf32, #tpu.memory_space<hbm>>
    %dma_start3A_275 = arith.constant 0 : i32
    %dma_start3A_276 = arith.constant 0 : i32
    %dma_start3A_277 = tpu.memref_slice %arg10[%dma_start3A_268, %dma_start3A_275, %dma_start3A_276] : memref<8x32x128xf32, #tpu.memory_space<vmem>> -> memref<1x32x128xf32, #tpu.memory_space<vmem>>
    %dma_start3A_278 = tpu.memref_squeeze %dma_start3A_277 : memref<1x32x128xf32, #tpu.memory_space<vmem>> -> memref<32x128xf32, #tpu.memory_space<vmem>>
    %dma_start3A_279 = arith.constant 0 : i32
    %dma_start3A_280 = tpu.memref_slice %arg5[%dma_start3A_279, %multiple_of3A_254] : memref<32x1000000xf32, #tpu.memory_space<hbm>> -> memref<32x128xf32, #tpu.memory_space<hbm>>
    tpu.enqueue_dma source(%dma_start3A_280 : memref<32x128xf32, #tpu.memory_space<hbm>>) target(%dma_start3A_278 : memref<32x128xf32, #tpu.memory_space<vmem>>) target_semaphore(%arg13 : memref<!tpu.dma_semaphore, #tpu.memory_space<semaphore_mem>>)
    %slice3A_281 = vector.extract_strided_slice %get3A_3 {offsets = [7], sizes = [1], strides = [1]} : vector<16xi32> to vector<1xi32>
    %squeeze3A_282 = vector.extract %slice3A_281[0] : i32 from vector<1xi32>
    %slice3A_283 = vector.extract_strided_slice %get3A_5 {offsets = [7], sizes = [1], strides = [1]} : vector<16xi32> to vector<1xi32>
    %squeeze3A_284 = vector.extract %slice3A_283[0] : i32 from vector<1xi32>
    %shift_right_arithmetic3A_285 = arith.constant 7 : i32
    %shift_right_arithmetic3A_286 = arith.shrsi %squeeze3A_282, %shift_right_arithmetic3A_285 : i32
    %mul3A_287 = arith.constant 128 : i32
    %mul3A_288 = arith.muli %shift_right_arithmetic3A_286, %mul3A_287 : i32
    %multiple_of3A_289 = tpu.assume_multiple %mul3A_288, 128 : i32
    %shift_right_arithmetic3A_290 = arith.constant 7 : i32
    %shift_right_arithmetic3A_291 = arith.shrsi %squeeze3A_284, %shift_right_arithmetic3A_290 : i32
    %mul3A_292 = arith.constant 128 : i32
    %mul3A_293 = arith.muli %shift_right_arithmetic3A_291, %mul3A_292 : i32
    %multiple_of3A_294 = tpu.assume_multiple %mul3A_293, 128 : i32
    %dma_start3A_295 = arith.constant 7 : i32
    %dma_start3A_296 = arith.constant 0 : i32
    %dma_start3A_297 = arith.constant 0 : i32
    %dma_start3A_298 = tpu.memref_slice %arg9[%dma_start3A_295, %dma_start3A_296, %dma_start3A_297] : memref<8x32x128xf32, #tpu.memory_space<vmem>> -> memref<1x32x128xf32, #tpu.memory_space<vmem>>
    %dma_start3A_299 = tpu.memref_squeeze %dma_start3A_298 : memref<1x32x128xf32, #tpu.memory_space<vmem>> -> memref<32x128xf32, #tpu.memory_space<vmem>>
    %dma_start3A_300 = arith.constant 0 : i32
    %dma_start3A_301 = tpu.memref_slice %arg4[%dma_start3A_300, %multiple_of3A_289] : memref<32x1000000xf32, #tpu.memory_space<hbm>> -> memref<32x128xf32, #tpu.memory_space<hbm>>
    %dma_start3A_302 = arith.constant 0 : i32
    %dma_start3A_303 = arith.constant 0 : i32
    %dma_start3A_304 = tpu.memref_slice %arg9[%dma_start3A_295, %dma_start3A_302, %dma_start3A_303] : memref<8x32x128xf32, #tpu.memory_space<vmem>> -> memref<1x32x128xf32, #tpu.memory_space<vmem>>
    %dma_start3A_305 = tpu.memref_squeeze %dma_start3A_304 : memref<1x32x128xf32, #tpu.memory_space<vmem>> -> memref<32x128xf32, #tpu.memory_space<vmem>>
    %dma_start3A_306 = arith.constant 0 : i32
    %dma_start3A_307 = tpu.memref_slice %arg4[%dma_start3A_306, %multiple_of3A_289] : memref<32x1000000xf32, #tpu.memory_space<hbm>> -> memref<32x128xf32, #tpu.memory_space<hbm>>
    tpu.enqueue_dma source(%dma_start3A_307 : memref<32x128xf32, #tpu.memory_space<hbm>>) target(%dma_start3A_305 : memref<32x128xf32, #tpu.memory_space<vmem>>) target_semaphore(%arg12 : memref<!tpu.dma_semaphore, #tpu.memory_space<semaphore_mem>>)
    %dma_start3A_308 = arith.constant 7 : i32
    %dma_start3A_309 = arith.constant 0 : i32
    %dma_start3A_310 = arith.constant 0 : i32
    %dma_start3A_311 = tpu.memref_slice %arg10[%dma_start3A_308, %dma_start3A_309, %dma_start3A_310] : memref<8x32x128xf32, #tpu.memory_space<vmem>> -> memref<1x32x128xf32, #tpu.memory_space<vmem>>
    %dma_start3A_312 = tpu.memref_squeeze %dma_start3A_311 : memref<1x32x128xf32, #tpu.memory_space<vmem>> -> memref<32x128xf32, #tpu.memory_space<vmem>>
    %dma_start3A_313 = arith.constant 0 : i32
    %dma_start3A_314 = tpu.memref_slice %arg5[%dma_start3A_313, %multiple_of3A_294] : memref<32x1000000xf32, #tpu.memory_space<hbm>> -> memref<32x128xf32, #tpu.memory_space<hbm>>
    %dma_start3A_315 = arith.constant 0 : i32
    %dma_start3A_316 = arith.constant 0 : i32
    %dma_start3A_317 = tpu.memref_slice %arg10[%dma_start3A_308, %dma_start3A_315, %dma_start3A_316] : memref<8x32x128xf32, #tpu.memory_space<vmem>> -> memref<1x32x128xf32, #tpu.memory_space<vmem>>
    %dma_start3A_318 = tpu.memref_squeeze %dma_start3A_317 : memref<1x32x128xf32, #tpu.memory_space<vmem>> -> memref<32x128xf32, #tpu.memory_space<vmem>>
    %dma_start3A_319 = arith.constant 0 : i32
    %dma_start3A_320 = tpu.memref_slice %arg5[%dma_start3A_319, %multiple_of3A_294] : memref<32x1000000xf32, #tpu.memory_space<hbm>> -> memref<32x128xf32, #tpu.memory_space<hbm>>
    tpu.enqueue_dma source(%dma_start3A_320 : memref<32x128xf32, #tpu.memory_space<hbm>>) target(%dma_start3A_318 : memref<32x128xf32, #tpu.memory_space<vmem>>) target_semaphore(%arg13 : memref<!tpu.dma_semaphore, #tpu.memory_space<semaphore_mem>>)
    %scan3A = arith.constant 0 : i32
    %scan3A_321 = arith.constant 0 : i32
    %scan3A_322 = arith.constant 32 : i32
    %scan3A_323 = arith.addi %scan3A_321, %scan3A_322 : i32
    %scan3A_324 = arith.constant 1 : i32
    scf.for %scan3A_326 = %scan3A_321 to %scan3A_323 step %scan3A_324  : i32 {
      %mul3A_327 = arith.constant 16 : i32
      %mul3A_328 = arith.muli %scan3A_326, %mul3A_327 : i32
      %get3A_329 = arith.index_cast %mul3A_328 : i32 to index
      %get3A_330 = tpu.vector_load %arg7[%get3A_329] {strides = array<i32>} : memref<528xi32, #tpu.memory_space<vmem>>, vector<16xi32>,
      %mul3A_331 = arith.constant 16 : i32
      %mul3A_332 = arith.muli %scan3A_326, %mul3A_331 : i32
      %get3A_333 = arith.index_cast %mul3A_332 : i32 to index
      %get3A_334 = tpu.vector_load %arg8[%get3A_333] {strides = array<i32>} : memref<528xi32, #tpu.memory_space<vmem>>, vector<16xi32>,
      %add3A_335 = arith.constant 1 : i32
      %add3A_336 = arith.addi %scan3A_326, %add3A_335 : i32
      %mul3A_337 = arith.constant 16 : i32
      %mul3A_338 = arith.muli %add3A_336, %mul3A_337 : i32
      %get3A_339 = arith.index_cast %mul3A_338 : i32 to index
      %get3A_340 = tpu.vector_load %arg7[%get3A_339] {strides = array<i32>} : memref<528xi32, #tpu.memory_space<vmem>>, vector<16xi32>,
      %add3A_341 = arith.constant 1 : i32
      %add3A_342 = arith.addi %scan3A_326, %add3A_341 : i32
      %mul3A_343 = arith.constant 16 : i32
      %mul3A_344 = arith.muli %add3A_342, %mul3A_343 : i32
      %get3A_345 = arith.index_cast %mul3A_344 : i32 to index
      %get3A_346 = tpu.vector_load %arg8[%get3A_345] {strides = array<i32>} : memref<528xi32, #tpu.memory_space<vmem>>, vector<16xi32>,
      %broadcast_in_dim3A = arith.constant 0.000000e+00 : f32
      %broadcast_in_dim3A_347 = vector.broadcast %broadcast_in_dim3A : f32 to vector<16xf32>
      %slice3A_348 = vector.extract_strided_slice %get3A_330 {offsets = [0], sizes = [1], strides = [1]} : vector<16xi32> to vector<1xi32>
      %squeeze3A_349 = vector.extract %slice3A_348[0] : i32 from vector<1xi32>
      %and3A = arith.constant 127 : i32
      %and3A_350 = arith.andi %squeeze3A_349, %and3A : i32
      %broadcast_in_dim3A_351 = vector.broadcast %and3A_350 : i32 to vector<16xi32>
      %slice3A_352 = vector.extract_strided_slice %get3A_334 {offsets = [0], sizes = [1], strides = [1]} : vector<16xi32> to vector<1xi32>
      %squeeze3A_353 = vector.extract %slice3A_352[0] : i32 from vector<1xi32>
      %and3A_354 = arith.constant 127 : i32
      %and3A_355 = arith.andi %squeeze3A_353, %and3A_354 : i32
      %broadcast_in_dim3A_356 = vector.broadcast %and3A_355 : i32 to vector<16xi32>
      %dma_wait3A = arith.constant 0 : i32
      %dma_wait3A_357 = arith.constant 0 : i32
      %dma_wait3A_358 = arith.constant 0 : i32
      %dma_wait3A_359 = tpu.memref_slice %arg9[%dma_wait3A, %dma_wait3A_357, %dma_wait3A_358] : memref<8x32x128xf32, #tpu.memory_space<vmem>> -> memref<1x32x128xf32, #tpu.memory_space<vmem>>
      %dma_wait3A_360 = tpu.memref_squeeze %dma_wait3A_359 : memref<1x32x128xf32, #tpu.memory_space<vmem>> -> memref<32x128xf32, #tpu.memory_space<vmem>>
      %dma_wait3A_361 = arith.constant 0 : i32
      %dma_wait3A_362 = arith.constant 0 : i32
      %dma_wait3A_363 = tpu.memref_slice %arg4[%dma_wait3A_361, %dma_wait3A_362] : memref<32x1000000xf32, #tpu.memory_space<hbm>> -> memref<32x128xf32, #tpu.memory_space<hbm>>
      %dma_wait3A_364 = arith.constant 0 : i32
      %dma_wait3A_365 = arith.constant 0 : i32
      %dma_wait3A_366 = tpu.memref_slice %arg9[%dma_wait3A, %dma_wait3A_364, %dma_wait3A_365] : memref<8x32x128xf32, #tpu.memory_space<vmem>> -> memref<1x32x128xf32, #tpu.memory_space<vmem>>
      %dma_wait3A_367 = tpu.memref_squeeze %dma_wait3A_366 : memref<1x32x128xf32, #tpu.memory_space<vmem>> -> memref<32x128xf32, #tpu.memory_space<vmem>>
      %dma_wait3A_368 = arith.constant 0 : i32
      %dma_wait3A_369 = arith.constant 0 : i32
      %dma_wait3A_370 = tpu.memref_slice %arg4[%dma_wait3A_368, %dma_wait3A_369] : memref<32x1000000xf32, #tpu.memory_space<hbm>> -> memref<32x128xf32, #tpu.memory_space<hbm>>
      tpu.wait_dma2 semaphore(%arg12 : memref<!tpu.dma_semaphore, #tpu.memory_space<semaphore_mem>>) src(%dma_wait3A_370 : memref<32x128xf32, #tpu.memory_space<hbm>>) dst(%dma_wait3A_367 : memref<32x128xf32, #tpu.memory_space<vmem>>)
      %dma_wait3A_371 = arith.constant 0 : i32
      %dma_wait3A_372 = arith.constant 0 : i32
      %dma_wait3A_373 = arith.constant 0 : i32
      %dma_wait3A_374 = tpu.memref_slice %arg10[%dma_wait3A_371, %dma_wait3A_372, %dma_wait3A_373] : memref<8x32x128xf32, #tpu.memory_space<vmem>> -> memref<1x32x128xf32, #tpu.memory_space<vmem>>
      %dma_wait3A_375 = tpu.memref_squeeze %dma_wait3A_374 : memref<1x32x128xf32, #tpu.memory_space<vmem>> -> memref<32x128xf32, #tpu.memory_space<vmem>>
      %dma_wait3A_376 = arith.constant 0 : i32
      %dma_wait3A_377 = arith.constant 0 : i32
      %dma_wait3A_378 = tpu.memref_slice %arg5[%dma_wait3A_376, %dma_wait3A_377] : memref<32x1000000xf32, #tpu.memory_space<hbm>> -> memref<32x128xf32, #tpu.memory_space<hbm>>
      %dma_wait3A_379 = arith.constant 0 : i32
      %dma_wait3A_380 = arith.constant 0 : i32
      %dma_wait3A_381 = tpu.memref_slice %arg10[%dma_wait3A_371, %dma_wait3A_379, %dma_wait3A_380] : memref<8x32x128xf32, #tpu.memory_space<vmem>> -> memref<1x32x128xf32, #tpu.memory_space<vmem>>
      %dma_wait3A_382 = tpu.memref_squeeze %dma_wait3A_381 : memref<1x32x128xf32, #tpu.memory_space<vmem>> -> memref<32x128xf32, #tpu.memory_space<vmem>>
      %dma_wait3A_383 = arith.constant 0 : i32
      %dma_wait3A_384 = arith.constant 0 : i32
      %dma_wait3A_385 = tpu.memref_slice %arg5[%dma_wait3A_383, %dma_wait3A_384] : memref<32x1000000xf32, #tpu.memory_space<hbm>> -> memref<32x128xf32, #tpu.memory_space<hbm>>
      tpu.wait_dma2 semaphore(%arg13 : memref<!tpu.dma_semaphore, #tpu.memory_space<semaphore_mem>>) src(%dma_wait3A_385 : memref<32x128xf32, #tpu.memory_space<hbm>>) dst(%dma_wait3A_382 : memref<32x128xf32, #tpu.memory_space<vmem>>)
      %gather3A = arith.constant 0 : i32
      %gather3A_386 = arith.constant 0 : i32
      %gather3A_387 = arith.constant 0 : i32
      %gather3A_388 = tpu.memref_slice %arg9[%gather3A, %gather3A_386, %gather3A_387] : memref<8x32x128xf32, #tpu.memory_space<vmem>> -> memref<1x32x128xf32, #tpu.memory_space<vmem>>
      %gather3A_389 = tpu.memref_squeeze %gather3A_388 : memref<1x32x128xf32, #tpu.memory_space<vmem>> -> memref<32x128xf32, #tpu.memory_space<vmem>>
      %gather3A_390 = tpu.vector_load_idx %gather3A_389[%iota3A, %broadcast_in_dim3A_351] : memref<32x128xf32, #tpu.memory_space<vmem>>[vector<16xi32>, vector<16xi32>], vector<16xf32>,
      %add3A_391 = arith.constant 16 : i32
      %add3A_392 = vector.broadcast %add3A_391 : i32 to vector<16xi32>
      %add3A_393 = arith.addi %iota3A, %add3A_392 : vector<16xi32>
      %gather3A_394 = arith.constant 0 : i32
      %gather3A_395 = arith.constant 0 : i32
      %gather3A_396 = arith.constant 0 : i32
      %gather3A_397 = tpu.memref_slice %arg9[%gather3A_394, %gather3A_395, %gather3A_396] : memref<8x32x128xf32, #tpu.memory_space<vmem>> -> memref<1x32x128xf32, #tpu.memory_space<vmem>>
      %gather3A_398 = tpu.memref_squeeze %gather3A_397 : memref<1x32x128xf32, #tpu.memory_space<vmem>> -> memref<32x128xf32, #tpu.memory_space<vmem>>
      %gather3A_399 = tpu.vector_load_idx %gather3A_398[%add3A_393, %broadcast_in_dim3A_351] : memref<32x128xf32, #tpu.memory_space<vmem>>[vector<16xi32>, vector<16xi32>], vector<16xf32>,
      %gather3A_400 = arith.constant 0 : i32
      %gather3A_401 = arith.constant 0 : i32
      %gather3A_402 = arith.constant 0 : i32
      %gather3A_403 = tpu.memref_slice %arg10[%gather3A_400, %gather3A_401, %gather3A_402] : memref<8x32x128xf32, #tpu.memory_space<vmem>> -> memref<1x32x128xf32, #tpu.memory_space<vmem>>
      %gather3A_404 = tpu.memref_squeeze %gather3A_403 : memref<1x32x128xf32, #tpu.memory_space<vmem>> -> memref<32x128xf32, #tpu.memory_space<vmem>>
      %gather3A_405 = tpu.vector_load_idx %gather3A_404[%iota3A, %broadcast_in_dim3A_356] : memref<32x128xf32, #tpu.memory_space<vmem>>[vector<16xi32>, vector<16xi32>], vector<16xf32>,
      %add3A_406 = arith.constant 16 : i32
      %add3A_407 = vector.broadcast %add3A_406 : i32 to vector<16xi32>
      %add3A_408 = arith.addi %iota3A, %add3A_407 : vector<16xi32>
      %gather3A_409 = arith.constant 0 : i32
      %gather3A_410 = arith.constant 0 : i32
      %gather3A_411 = arith.constant 0 : i32
      %gather3A_412 = tpu.memref_slice %arg10[%gather3A_409, %gather3A_410, %gather3A_411] : memref<8x32x128xf32, #tpu.memory_space<vmem>> -> memref<1x32x128xf32, #tpu.memory_space<vmem>>
      %gather3A_413 = tpu.memref_squeeze %gather3A_412 : memref<1x32x128xf32, #tpu.memory_space<vmem>> -> memref<32x128xf32, #tpu.memory_space<vmem>>
      %gather3A_414 = tpu.vector_load_idx %gather3A_413[%add3A_408, %broadcast_in_dim3A_356] : memref<32x128xf32, #tpu.memory_space<vmem>>[vector<16xi32>, vector<16xi32>], vector<16xf32>,
      %mul3A_415 = arith.mulf %gather3A_390, %gather3A_405 : vector<16xf32>
      %mul3A_416 = arith.mulf %gather3A_399, %gather3A_414 : vector<16xf32>
      %add3A_417 = arith.addf %mul3A_415, %mul3A_416 : vector<16xf32>
      %reduce_sum3A = arith.constant true
      %reduce_sum3A_418 = vector.broadcast %reduce_sum3A : i1 to vector<16xi1>
      %reduce_sum3A_419 = tpu.scan <sum>, %add3A_417 masked %reduce_sum3A_418 : vector<16xf32>, vector<16xi1> -> vector<16xf32>
      %reduce_sum3A_420 = vector.extract %reduce_sum3A_419[15] : f32 from vector<16xf32>
      %eq3A = arith.constant 0 : i32
      %eq3A_421 = vector.broadcast %eq3A : i32 to vector<16xi32>
      %eq3A_422 = arith.cmpi eq, %iota3A, %eq3A_421 : vector<16xi32>
      %broadcast_in_dim3A_423 = vector.broadcast %reduce_sum3A_420 : f32 to vector<16xf32>
      %select_n3A = arith.select %eq3A_422, %broadcast_in_dim3A_423, %broadcast_in_dim3A_347 : vector<16xi1>, vector<16xf32>
      %slice3A_424 = vector.extract_strided_slice %get3A_330 {offsets = [8], sizes = [1], strides = [1]} : vector<16xi32> to vector<1xi32>
      %squeeze3A_425 = vector.extract %slice3A_424[0] : i32 from vector<1xi32>
      %slice3A_426 = vector.extract_strided_slice %get3A_334 {offsets = [8], sizes = [1], strides = [1]} : vector<16xi32> to vector<1xi32>
      %squeeze3A_427 = vector.extract %slice3A_426[0] : i32 from vector<1xi32>
      %shift_right_arithmetic3A_428 = arith.constant 7 : i32
      %shift_right_arithmetic3A_429 = arith.shrsi %squeeze3A_425, %shift_right_arithmetic3A_428 : i32
      %mul3A_430 = arith.constant 128 : i32
      %mul3A_431 = arith.muli %shift_right_arithmetic3A_429, %mul3A_430 : i32
      %multiple_of3A_432 = tpu.assume_multiple %mul3A_431, 128 : i32
      %shift_right_arithmetic3A_433 = arith.constant 7 : i32
      %shift_right_arithmetic3A_434 = arith.shrsi %squeeze3A_427, %shift_right_arithmetic3A_433 : i32
      %mul3A_435 = arith.constant 128 : i32
      %mul3A_436 = arith.muli %shift_right_arithmetic3A_434, %mul3A_435 : i32
      %multiple_of3A_437 = tpu.assume_multiple %mul3A_436, 128 : i32
      %dma_start3A_438 = arith.constant 0 : i32
      %dma_start3A_439 = arith.constant 0 : i32
      %dma_start3A_440 = arith.constant 0 : i32
      %dma_start3A_441 = tpu.memref_slice %arg9[%dma_start3A_438, %dma_start3A_439, %dma_start3A_440] : memref<8x32x128xf32, #tpu.memory_space<vmem>> -> memref<1x32x128xf32, #tpu.memory_space<vmem>>
      %dma_start3A_442 = tpu.memref_squeeze %dma_start3A_441 : memref<1x32x128xf32, #tpu.memory_space<vmem>> -> memref<32x128xf32, #tpu.memory_space<vmem>>
      %dma_start3A_443 = arith.constant 0 : i32
      %dma_start3A_444 = tpu.memref_slice %arg4[%dma_start3A_443, %multiple_of3A_432] : memref<32x1000000xf32, #tpu.memory_space<hbm>> -> memref<32x128xf32, #tpu.memory_space<hbm>>
      %dma_start3A_445 = arith.constant 0 : i32
      %dma_start3A_446 = arith.constant 0 : i32
      %dma_start3A_447 = tpu.memref_slice %arg9[%dma_start3A_438, %dma_start3A_445, %dma_start3A_446] : memref<8x32x128xf32, #tpu.memory_space<vmem>> -> memref<1x32x128xf32, #tpu.memory_space<vmem>>
      %dma_start3A_448 = tpu.memref_squeeze %dma_start3A_447 : memref<1x32x128xf32, #tpu.memory_space<vmem>> -> memref<32x128xf32, #tpu.memory_space<vmem>>
      %dma_start3A_449 = arith.constant 0 : i32
      %dma_start3A_450 = tpu.memref_slice %arg4[%dma_start3A_449, %multiple_of3A_432] : memref<32x1000000xf32, #tpu.memory_space<hbm>> -> memref<32x128xf32, #tpu.memory_space<hbm>>
      tpu.enqueue_dma source(%dma_start3A_450 : memref<32x128xf32, #tpu.memory_space<hbm>>) target(%dma_start3A_448 : memref<32x128xf32, #tpu.memory_space<vmem>>) target_semaphore(%arg12 : memref<!tpu.dma_semaphore, #tpu.memory_space<semaphore_mem>>)
      %dma_start3A_451 = arith.constant 0 : i32
      %dma_start3A_452 = arith.constant 0 : i32
      %dma_start3A_453 = arith.constant 0 : i32
      %dma_start3A_454 = tpu.memref_slice %arg10[%dma_start3A_451, %dma_start3A_452, %dma_start3A_453] : memref<8x32x128xf32, #tpu.memory_space<vmem>> -> memref<1x32x128xf32, #tpu.memory_space<vmem>>
      %dma_start3A_455 = tpu.memref_squeeze %dma_start3A_454 : memref<1x32x128xf32, #tpu.memory_space<vmem>> -> memref<32x128xf32, #tpu.memory_space<vmem>>
      %dma_start3A_456 = arith.constant 0 : i32
      %dma_start3A_457 = tpu.memref_slice %arg5[%dma_start3A_456, %multiple_of3A_437] : memref<32x1000000xf32, #tpu.memory_space<hbm>> -> memref<32x128xf32, #tpu.memory_space<hbm>>
      %dma_start3A_458 = arith.constant 0 : i32
      %dma_start3A_459 = arith.constant 0 : i32
      %dma_start3A_460 = tpu.memref_slice %arg10[%dma_start3A_451, %dma_start3A_458, %dma_start3A_459] : memref<8x32x128xf32, #tpu.memory_space<vmem>> -> memref<1x32x128xf32, #tpu.memory_space<vmem>>
      %dma_start3A_461 = tpu.memref_squeeze %dma_start3A_460 : memref<1x32x128xf32, #tpu.memory_space<vmem>> -> memref<32x128xf32, #tpu.memory_space<vmem>>
      %dma_start3A_462 = arith.constant 0 : i32
      %dma_start3A_463 = tpu.memref_slice %arg5[%dma_start3A_462, %multiple_of3A_437] : memref<32x1000000xf32, #tpu.memory_space<hbm>> -> memref<32x128xf32, #tpu.memory_space<hbm>>
      tpu.enqueue_dma source(%dma_start3A_463 : memref<32x128xf32, #tpu.memory_space<hbm>>) target(%dma_start3A_461 : memref<32x128xf32, #tpu.memory_space<vmem>>) target_semaphore(%arg13 : memref<!tpu.dma_semaphore, #tpu.memory_space<semaphore_mem>>)
      %slice3A_464 = vector.extract_strided_slice %get3A_330 {offsets = [1], sizes = [1], strides = [1]} : vector<16xi32> to vector<1xi32>
      %squeeze3A_465 = vector.extract %slice3A_464[0] : i32 from vector<1xi32>
      %and3A_466 = arith.constant 127 : i32
      %and3A_467 = arith.andi %squeeze3A_465, %and3A_466 : i32
      %broadcast_in_dim3A_468 = vector.broadcast %and3A_467 : i32 to vector<16xi32>
      %slice3A_469 = vector.extract_strided_slice %get3A_334 {offsets = [1], sizes = [1], strides = [1]} : vector<16xi32> to vector<1xi32>
      %squeeze3A_470 = vector.extract %slice3A_469[0] : i32 from vector<1xi32>
      %and3A_471 = arith.constant 127 : i32
      %and3A_472 = arith.andi %squeeze3A_470, %and3A_471 : i32
      %broadcast_in_dim3A_473 = vector.broadcast %and3A_472 : i32 to vector<16xi32>
      %dma_wait3A_474 = arith.constant 1 : i32
      %dma_wait3A_475 = arith.constant 0 : i32
      %dma_wait3A_476 = arith.constant 0 : i32
      %dma_wait3A_477 = tpu.memref_slice %arg9[%dma_wait3A_474, %dma_wait3A_475, %dma_wait3A_476] : memref<8x32x128xf32, #tpu.memory_space<vmem>> -> memref<1x32x128xf32, #tpu.memory_space<vmem>>
      %dma_wait3A_478 = tpu.memref_squeeze %dma_wait3A_477 : memref<1x32x128xf32, #tpu.memory_space<vmem>> -> memref<32x128xf32, #tpu.memory_space<vmem>>
      %dma_wait3A_479 = arith.constant 0 : i32
      %dma_wait3A_480 = arith.constant 0 : i32
      %dma_wait3A_481 = tpu.memref_slice %arg4[%dma_wait3A_479, %dma_wait3A_480] : memref<32x1000000xf32, #tpu.memory_space<hbm>> -> memref<32x128xf32, #tpu.memory_space<hbm>>
      %dma_wait3A_482 = arith.constant 0 : i32
      %dma_wait3A_483 = arith.constant 0 : i32
      %dma_wait3A_484 = tpu.memref_slice %arg9[%dma_wait3A_474, %dma_wait3A_482, %dma_wait3A_483] : memref<8x32x128xf32, #tpu.memory_space<vmem>> -> memref<1x32x128xf32, #tpu.memory_space<vmem>>
      %dma_wait3A_485 = tpu.memref_squeeze %dma_wait3A_484 : memref<1x32x128xf32, #tpu.memory_space<vmem>> -> memref<32x128xf32, #tpu.memory_space<vmem>>
      %dma_wait3A_486 = arith.constant 0 : i32
      %dma_wait3A_487 = arith.constant 0 : i32
      %dma_wait3A_488 = tpu.memref_slice %arg4[%dma_wait3A_486, %dma_wait3A_487] : memref<32x1000000xf32, #tpu.memory_space<hbm>> -> memref<32x128xf32, #tpu.memory_space<hbm>>
      tpu.wait_dma2 semaphore(%arg12 : memref<!tpu.dma_semaphore, #tpu.memory_space<semaphore_mem>>) src(%dma_wait3A_488 : memref<32x128xf32, #tpu.memory_space<hbm>>) dst(%dma_wait3A_485 : memref<32x128xf32, #tpu.memory_space<vmem>>)
      %dma_wait3A_489 = arith.constant 1 : i32
      %dma_wait3A_490 = arith.constant 0 : i32
      %dma_wait3A_491 = arith.constant 0 : i32
      %dma_wait3A_492 = tpu.memref_slice %arg10[%dma_wait3A_489, %dma_wait3A_490, %dma_wait3A_491] : memref<8x32x128xf32, #tpu.memory_space<vmem>> -> memref<1x32x128xf32, #tpu.memory_space<vmem>>
      %dma_wait3A_493 = tpu.memref_squeeze %dma_wait3A_492 : memref<1x32x128xf32, #tpu.memory_space<vmem>> -> memref<32x128xf32, #tpu.memory_space<vmem>>
      %dma_wait3A_494 = arith.constant 0 : i32
      %dma_wait3A_495 = arith.constant 0 : i32
      %dma_wait3A_496 = tpu.memref_slice %arg5[%dma_wait3A_494, %dma_wait3A_495] : memref<32x1000000xf32, #tpu.memory_space<hbm>> -> memref<32x128xf32, #tpu.memory_space<hbm>>
      %dma_wait3A_497 = arith.constant 0 : i32
      %dma_wait3A_498 = arith.constant 0 : i32
      %dma_wait3A_499 = tpu.memref_slice %arg10[%dma_wait3A_489, %dma_wait3A_497, %dma_wait3A_498] : memref<8x32x128xf32, #tpu.memory_space<vmem>> -> memref<1x32x128xf32, #tpu.memory_space<vmem>>
      %dma_wait3A_500 = tpu.memref_squeeze %dma_wait3A_499 : memref<1x32x128xf32, #tpu.memory_space<vmem>> -> memref<32x128xf32, #tpu.memory_space<vmem>>
      %dma_wait3A_501 = arith.constant 0 : i32
      %dma_wait3A_502 = arith.constant 0 : i32
      %dma_wait3A_503 = tpu.memref_slice %arg5[%dma_wait3A_501, %dma_wait3A_502] : memref<32x1000000xf32, #tpu.memory_space<hbm>> -> memref<32x128xf32, #tpu.memory_space<hbm>>
      tpu.wait_dma2 semaphore(%arg13 : memref<!tpu.dma_semaphore, #tpu.memory_space<semaphore_mem>>) src(%dma_wait3A_503 : memref<32x128xf32, #tpu.memory_space<hbm>>) dst(%dma_wait3A_500 : memref<32x128xf32, #tpu.memory_space<vmem>>)
      %gather3A_504 = arith.constant 1 : i32
      %gather3A_505 = arith.constant 0 : i32
      %gather3A_506 = arith.constant 0 : i32
      %gather3A_507 = tpu.memref_slice %arg9[%gather3A_504, %gather3A_505, %gather3A_506] : memref<8x32x128xf32, #tpu.memory_space<vmem>> -> memref<1x32x128xf32, #tpu.memory_space<vmem>>
      %gather3A_508 = tpu.memref_squeeze %gather3A_507 : memref<1x32x128xf32, #tpu.memory_space<vmem>> -> memref<32x128xf32, #tpu.memory_space<vmem>>
      %gather3A_509 = tpu.vector_load_idx %gather3A_508[%iota3A, %broadcast_in_dim3A_468] : memref<32x128xf32, #tpu.memory_space<vmem>>[vector<16xi32>, vector<16xi32>], vector<16xf32>,
      %add3A_510 = arith.constant 16 : i32
      %add3A_511 = vector.broadcast %add3A_510 : i32 to vector<16xi32>
      %add3A_512 = arith.addi %iota3A, %add3A_511 : vector<16xi32>
      %gather3A_513 = arith.constant 1 : i32
      %gather3A_514 = arith.constant 0 : i32
      %gather3A_515 = arith.constant 0 : i32
      %gather3A_516 = tpu.memref_slice %arg9[%gather3A_513, %gather3A_514, %gather3A_515] : memref<8x32x128xf32, #tpu.memory_space<vmem>> -> memref<1x32x128xf32, #tpu.memory_space<vmem>>
      %gather3A_517 = tpu.memref_squeeze %gather3A_516 : memref<1x32x128xf32, #tpu.memory_space<vmem>> -> memref<32x128xf32, #tpu.memory_space<vmem>>
      %gather3A_518 = tpu.vector_load_idx %gather3A_517[%add3A_512, %broadcast_in_dim3A_468] : memref<32x128xf32, #tpu.memory_space<vmem>>[vector<16xi32>, vector<16xi32>], vector<16xf32>,
      %gather3A_519 = arith.constant 1 : i32
      %gather3A_520 = arith.constant 0 : i32
      %gather3A_521 = arith.constant 0 : i32
      %gather3A_522 = tpu.memref_slice %arg10[%gather3A_519, %gather3A_520, %gather3A_521] : memref<8x32x128xf32, #tpu.memory_space<vmem>> -> memref<1x32x128xf32, #tpu.memory_space<vmem>>
      %gather3A_523 = tpu.memref_squeeze %gather3A_522 : memref<1x32x128xf32, #tpu.memory_space<vmem>> -> memref<32x128xf32, #tpu.memory_space<vmem>>
      %gather3A_524 = tpu.vector_load_idx %gather3A_523[%iota3A, %broadcast_in_dim3A_473] : memref<32x128xf32, #tpu.memory_space<vmem>>[vector<16xi32>, vector<16xi32>], vector<16xf32>,
      %add3A_525 = arith.constant 16 : i32
      %add3A_526 = vector.broadcast %add3A_525 : i32 to vector<16xi32>
      %add3A_527 = arith.addi %iota3A, %add3A_526 : vector<16xi32>
      %gather3A_528 = arith.constant 1 : i32
      %gather3A_529 = arith.constant 0 : i32
      %gather3A_530 = arith.constant 0 : i32
      %gather3A_531 = tpu.memref_slice %arg10[%gather3A_528, %gather3A_529, %gather3A_530] : memref<8x32x128xf32, #tpu.memory_space<vmem>> -> memref<1x32x128xf32, #tpu.memory_space<vmem>>
      %gather3A_532 = tpu.memref_squeeze %gather3A_531 : memref<1x32x128xf32, #tpu.memory_space<vmem>> -> memref<32x128xf32, #tpu.memory_space<vmem>>
      %gather3A_533 = tpu.vector_load_idx %gather3A_532[%add3A_527, %broadcast_in_dim3A_473] : memref<32x128xf32, #tpu.memory_space<vmem>>[vector<16xi32>, vector<16xi32>], vector<16xf32>,
      %mul3A_534 = arith.mulf %gather3A_509, %gather3A_524 : vector<16xf32>
      %mul3A_535 = arith.mulf %gather3A_518, %gather3A_533 : vector<16xf32>
      %add3A_536 = arith.addf %mul3A_534, %mul3A_535 : vector<16xf32>
      %reduce_sum3A_537 = arith.constant true
      %reduce_sum3A_538 = vector.broadcast %reduce_sum3A_537 : i1 to vector<16xi1>
      %reduce_sum3A_539 = tpu.scan <sum>, %add3A_536 masked %reduce_sum3A_538 : vector<16xf32>, vector<16xi1> -> vector<16xf32>
      %reduce_sum3A_540 = vector.extract %reduce_sum3A_539[15] : f32 from vector<16xf32>
      %eq3A_541 = arith.constant 1 : i32
      %eq3A_542 = vector.broadcast %eq3A_541 : i32 to vector<16xi32>
      %eq3A_543 = arith.cmpi eq, %iota3A, %eq3A_542 : vector<16xi32>
      %broadcast_in_dim3A_544 = vector.broadcast %reduce_sum3A_540 : f32 to vector<16xf32>
      %select_n3A_545 = arith.select %eq3A_543, %broadcast_in_dim3A_544, %select_n3A : vector<16xi1>, vector<16xf32>
      %slice3A_546 = vector.extract_strided_slice %get3A_330 {offsets = [9], sizes = [1], strides = [1]} : vector<16xi32> to vector<1xi32>
      %squeeze3A_547 = vector.extract %slice3A_546[0] : i32 from vector<1xi32>
      %slice3A_548 = vector.extract_strided_slice %get3A_334 {offsets = [9], sizes = [1], strides = [1]} : vector<16xi32> to vector<1xi32>
      %squeeze3A_549 = vector.extract %slice3A_548[0] : i32 from vector<1xi32>
      %shift_right_arithmetic3A_550 = arith.constant 7 : i32
      %shift_right_arithmetic3A_551 = arith.shrsi %squeeze3A_547, %shift_right_arithmetic3A_550 : i32
      %mul3A_552 = arith.constant 128 : i32
      %mul3A_553 = arith.muli %shift_right_arithmetic3A_551, %mul3A_552 : i32
      %multiple_of3A_554 = tpu.assume_multiple %mul3A_553, 128 : i32
      %shift_right_arithmetic3A_555 = arith.constant 7 : i32
      %shift_right_arithmetic3A_556 = arith.shrsi %squeeze3A_549, %shift_right_arithmetic3A_555 : i32
      %mul3A_557 = arith.constant 128 : i32
      %mul3A_558 = arith.muli %shift_right_arithmetic3A_556, %mul3A_557 : i32
      %multiple_of3A_559 = tpu.assume_multiple %mul3A_558, 128 : i32
      %dma_start3A_560 = arith.constant 1 : i32
      %dma_start3A_561 = arith.constant 0 : i32
      %dma_start3A_562 = arith.constant 0 : i32
      %dma_start3A_563 = tpu.memref_slice %arg9[%dma_start3A_560, %dma_start3A_561, %dma_start3A_562] : memref<8x32x128xf32, #tpu.memory_space<vmem>> -> memref<1x32x128xf32, #tpu.memory_space<vmem>>
      %dma_start3A_564 = tpu.memref_squeeze %dma_start3A_563 : memref<1x32x128xf32, #tpu.memory_space<vmem>> -> memref<32x128xf32, #tpu.memory_space<vmem>>
      %dma_start3A_565 = arith.constant 0 : i32
      %dma_start3A_566 = tpu.memref_slice %arg4[%dma_start3A_565, %multiple_of3A_554] : memref<32x1000000xf32, #tpu.memory_space<hbm>> -> memref<32x128xf32, #tpu.memory_space<hbm>>
      %dma_start3A_567 = arith.constant 0 : i32
      %dma_start3A_568 = arith.constant 0 : i32
      %dma_start3A_569 = tpu.memref_slice %arg9[%dma_start3A_560, %dma_start3A_567, %dma_start3A_568] : memref<8x32x128xf32, #tpu.memory_space<vmem>> -> memref<1x32x128xf32, #tpu.memory_space<vmem>>
      %dma_start3A_570 = tpu.memref_squeeze %dma_start3A_569 : memref<1x32x128xf32, #tpu.memory_space<vmem>> -> memref<32x128xf32, #tpu.memory_space<vmem>>
      %dma_start3A_571 = arith.constant 0 : i32
      %dma_start3A_572 = tpu.memref_slice %arg4[%dma_start3A_571, %multiple_of3A_554] : memref<32x1000000xf32, #tpu.memory_space<hbm>> -> memref<32x128xf32, #tpu.memory_space<hbm>>
      tpu.enqueue_dma source(%dma_start3A_572 : memref<32x128xf32, #tpu.memory_space<hbm>>) target(%dma_start3A_570 : memref<32x128xf32, #tpu.memory_space<vmem>>) target_semaphore(%arg12 : memref<!tpu.dma_semaphore, #tpu.memory_space<semaphore_mem>>)
      %dma_start3A_573 = arith.constant 1 : i32
      %dma_start3A_574 = arith.constant 0 : i32
      %dma_start3A_575 = arith.constant 0 : i32
      %dma_start3A_576 = tpu.memref_slice %arg10[%dma_start3A_573, %dma_start3A_574, %dma_start3A_575] : memref<8x32x128xf32, #tpu.memory_space<vmem>> -> memref<1x32x128xf32, #tpu.memory_space<vmem>>
      %dma_start3A_577 = tpu.memref_squeeze %dma_start3A_576 : memref<1x32x128xf32, #tpu.memory_space<vmem>> -> memref<32x128xf32, #tpu.memory_space<vmem>>
      %dma_start3A_578 = arith.constant 0 : i32
      %dma_start3A_579 = tpu.memref_slice %arg5[%dma_start3A_578, %multiple_of3A_559] : memref<32x1000000xf32, #tpu.memory_space<hbm>> -> memref<32x128xf32, #tpu.memory_space<hbm>>
      %dma_start3A_580 = arith.constant 0 : i32
      %dma_start3A_581 = arith.constant 0 : i32
      %dma_start3A_582 = tpu.memref_slice %arg10[%dma_start3A_573, %dma_start3A_580, %dma_start3A_581] : memref<8x32x128xf32, #tpu.memory_space<vmem>> -> memref<1x32x128xf32, #tpu.memory_space<vmem>>
      %dma_start3A_583 = tpu.memref_squeeze %dma_start3A_582 : memref<1x32x128xf32, #tpu.memory_space<vmem>> -> memref<32x128xf32, #tpu.memory_space<vmem>>
      %dma_start3A_584 = arith.constant 0 : i32
      %dma_start3A_585 = tpu.memref_slice %arg5[%dma_start3A_584, %multiple_of3A_559] : memref<32x1000000xf32, #tpu.memory_space<hbm>> -> memref<32x128xf32, #tpu.memory_space<hbm>>
      tpu.enqueue_dma source(%dma_start3A_585 : memref<32x128xf32, #tpu.memory_space<hbm>>) target(%dma_start3A_583 : memref<32x128xf32, #tpu.memory_space<vmem>>) target_semaphore(%arg13 : memref<!tpu.dma_semaphore, #tpu.memory_space<semaphore_mem>>)
      %slice3A_586 = vector.extract_strided_slice %get3A_330 {offsets = [2], sizes = [1], strides = [1]} : vector<16xi32> to vector<1xi32>
      %squeeze3A_587 = vector.extract %slice3A_586[0] : i32 from vector<1xi32>
      %and3A_588 = arith.constant 127 : i32
      %and3A_589 = arith.andi %squeeze3A_587, %and3A_588 : i32
      %broadcast_in_dim3A_590 = vector.broadcast %and3A_589 : i32 to vector<16xi32>
      %slice3A_591 = vector.extract_strided_slice %get3A_334 {offsets = [2], sizes = [1], strides = [1]} : vector<16xi32> to vector<1xi32>
      %squeeze3A_592 = vector.extract %slice3A_591[0] : i32 from vector<1xi32>
      %and3A_593 = arith.constant 127 : i32
      %and3A_594 = arith.andi %squeeze3A_592, %and3A_593 : i32
      %broadcast_in_dim3A_595 = vector.broadcast %and3A_594 : i32 to vector<16xi32>
      %dma_wait3A_596 = arith.constant 2 : i32
      %dma_wait3A_597 = arith.constant 0 : i32
      %dma_wait3A_598 = arith.constant 0 : i32
      %dma_wait3A_599 = tpu.memref_slice %arg9[%dma_wait3A_596, %dma_wait3A_597, %dma_wait3A_598] : memref<8x32x128xf32, #tpu.memory_space<vmem>> -> memref<1x32x128xf32, #tpu.memory_space<vmem>>
      %dma_wait3A_600 = tpu.memref_squeeze %dma_wait3A_599 : memref<1x32x128xf32, #tpu.memory_space<vmem>> -> memref<32x128xf32, #tpu.memory_space<vmem>>
      %dma_wait3A_601 = arith.constant 0 : i32
      %dma_wait3A_602 = arith.constant 0 : i32
      %dma_wait3A_603 = tpu.memref_slice %arg4[%dma_wait3A_601, %dma_wait3A_602] : memref<32x1000000xf32, #tpu.memory_space<hbm>> -> memref<32x128xf32, #tpu.memory_space<hbm>>
      %dma_wait3A_604 = arith.constant 0 : i32
      %dma_wait3A_605 = arith.constant 0 : i32
      %dma_wait3A_606 = tpu.memref_slice %arg9[%dma_wait3A_596, %dma_wait3A_604, %dma_wait3A_605] : memref<8x32x128xf32, #tpu.memory_space<vmem>> -> memref<1x32x128xf32, #tpu.memory_space<vmem>>
      %dma_wait3A_607 = tpu.memref_squeeze %dma_wait3A_606 : memref<1x32x128xf32, #tpu.memory_space<vmem>> -> memref<32x128xf32, #tpu.memory_space<vmem>>
      %dma_wait3A_608 = arith.constant 0 : i32
      %dma_wait3A_609 = arith.constant 0 : i32
      %dma_wait3A_610 = tpu.memref_slice %arg4[%dma_wait3A_608, %dma_wait3A_609] : memref<32x1000000xf32, #tpu.memory_space<hbm>> -> memref<32x128xf32, #tpu.memory_space<hbm>>
      tpu.wait_dma2 semaphore(%arg12 : memref<!tpu.dma_semaphore, #tpu.memory_space<semaphore_mem>>) src(%dma_wait3A_610 : memref<32x128xf32, #tpu.memory_space<hbm>>) dst(%dma_wait3A_607 : memref<32x128xf32, #tpu.memory_space<vmem>>)
      %dma_wait3A_611 = arith.constant 2 : i32
      %dma_wait3A_612 = arith.constant 0 : i32
      %dma_wait3A_613 = arith.constant 0 : i32
      %dma_wait3A_614 = tpu.memref_slice %arg10[%dma_wait3A_611, %dma_wait3A_612, %dma_wait3A_613] : memref<8x32x128xf32, #tpu.memory_space<vmem>> -> memref<1x32x128xf32, #tpu.memory_space<vmem>>
      %dma_wait3A_615 = tpu.memref_squeeze %dma_wait3A_614 : memref<1x32x128xf32, #tpu.memory_space<vmem>> -> memref<32x128xf32, #tpu.memory_space<vmem>>
      %dma_wait3A_616 = arith.constant 0 : i32
      %dma_wait3A_617 = arith.constant 0 : i32
      %dma_wait3A_618 = tpu.memref_slice %arg5[%dma_wait3A_616, %dma_wait3A_617] : memref<32x1000000xf32, #tpu.memory_space<hbm>> -> memref<32x128xf32, #tpu.memory_space<hbm>>
      %dma_wait3A_619 = arith.constant 0 : i32
      %dma_wait3A_620 = arith.constant 0 : i32
      %dma_wait3A_621 = tpu.memref_slice %arg10[%dma_wait3A_611, %dma_wait3A_619, %dma_wait3A_620] : memref<8x32x128xf32, #tpu.memory_space<vmem>> -> memref<1x32x128xf32, #tpu.memory_space<vmem>>
      %dma_wait3A_622 = tpu.memref_squeeze %dma_wait3A_621 : memref<1x32x128xf32, #tpu.memory_space<vmem>> -> memref<32x128xf32, #tpu.memory_space<vmem>>
      %dma_wait3A_623 = arith.constant 0 : i32
      %dma_wait3A_624 = arith.constant 0 : i32
      %dma_wait3A_625 = tpu.memref_slice %arg5[%dma_wait3A_623, %dma_wait3A_624] : memref<32x1000000xf32, #tpu.memory_space<hbm>> -> memref<32x128xf32, #tpu.memory_space<hbm>>
      tpu.wait_dma2 semaphore(%arg13 : memref<!tpu.dma_semaphore, #tpu.memory_space<semaphore_mem>>) src(%dma_wait3A_625 : memref<32x128xf32, #tpu.memory_space<hbm>>) dst(%dma_wait3A_622 : memref<32x128xf32, #tpu.memory_space<vmem>>)
      %gather3A_626 = arith.constant 2 : i32
      %gather3A_627 = arith.constant 0 : i32
      %gather3A_628 = arith.constant 0 : i32
      %gather3A_629 = tpu.memref_slice %arg9[%gather3A_626, %gather3A_627, %gather3A_628] : memref<8x32x128xf32, #tpu.memory_space<vmem>> -> memref<1x32x128xf32, #tpu.memory_space<vmem>>
      %gather3A_630 = tpu.memref_squeeze %gather3A_629 : memref<1x32x128xf32, #tpu.memory_space<vmem>> -> memref<32x128xf32, #tpu.memory_space<vmem>>
      %gather3A_631 = tpu.vector_load_idx %gather3A_630[%iota3A, %broadcast_in_dim3A_590] : memref<32x128xf32, #tpu.memory_space<vmem>>[vector<16xi32>, vector<16xi32>], vector<16xf32>,
      %add3A_632 = arith.constant 16 : i32
      %add3A_633 = vector.broadcast %add3A_632 : i32 to vector<16xi32>
      %add3A_634 = arith.addi %iota3A, %add3A_633 : vector<16xi32>
      %gather3A_635 = arith.constant 2 : i32
      %gather3A_636 = arith.constant 0 : i32
      %gather3A_637 = arith.constant 0 : i32
      %gather3A_638 = tpu.memref_slice %arg9[%gather3A_635, %gather3A_636, %gather3A_637] : memref<8x32x128xf32, #tpu.memory_space<vmem>> -> memref<1x32x128xf32, #tpu.memory_space<vmem>>
      %gather3A_639 = tpu.memref_squeeze %gather3A_638 : memref<1x32x128xf32, #tpu.memory_space<vmem>> -> memref<32x128xf32, #tpu.memory_space<vmem>>
      %gather3A_640 = tpu.vector_load_idx %gather3A_639[%add3A_634, %broadcast_in_dim3A_590] : memref<32x128xf32, #tpu.memory_space<vmem>>[vector<16xi32>, vector<16xi32>], vector<16xf32>,
      %gather3A_641 = arith.constant 2 : i32
      %gather3A_642 = arith.constant 0 : i32
      %gather3A_643 = arith.constant 0 : i32
      %gather3A_644 = tpu.memref_slice %arg10[%gather3A_641, %gather3A_642, %gather3A_643] : memref<8x32x128xf32, #tpu.memory_space<vmem>> -> memref<1x32x128xf32, #tpu.memory_space<vmem>>
      %gather3A_645 = tpu.memref_squeeze %gather3A_644 : memref<1x32x128xf32, #tpu.memory_space<vmem>> -> memref<32x128xf32, #tpu.memory_space<vmem>>
      %gather3A_646 = tpu.vector_load_idx %gather3A_645[%iota3A, %broadcast_in_dim3A_595] : memref<32x128xf32, #tpu.memory_space<vmem>>[vector<16xi32>, vector<16xi32>], vector<16xf32>,
      %add3A_647 = arith.constant 16 : i32
      %add3A_648 = vector.broadcast %add3A_647 : i32 to vector<16xi32>
      %add3A_649 = arith.addi %iota3A, %add3A_648 : vector<16xi32>
      %gather3A_650 = arith.constant 2 : i32
      %gather3A_651 = arith.constant 0 : i32
      %gather3A_652 = arith.constant 0 : i32
      %gather3A_653 = tpu.memref_slice %arg10[%gather3A_650, %gather3A_651, %gather3A_652] : memref<8x32x128xf32, #tpu.memory_space<vmem>> -> memref<1x32x128xf32, #tpu.memory_space<vmem>>
      %gather3A_654 = tpu.memref_squeeze %gather3A_653 : memref<1x32x128xf32, #tpu.memory_space<vmem>> -> memref<32x128xf32, #tpu.memory_space<vmem>>
      %gather3A_655 = tpu.vector_load_idx %gather3A_654[%add3A_649, %broadcast_in_dim3A_595] : memref<32x128xf32, #tpu.memory_space<vmem>>[vector<16xi32>, vector<16xi32>], vector<16xf32>,
      %mul3A_656 = arith.mulf %gather3A_631, %gather3A_646 : vector<16xf32>
      %mul3A_657 = arith.mulf %gather3A_640, %gather3A_655 : vector<16xf32>
      %add3A_658 = arith.addf %mul3A_656, %mul3A_657 : vector<16xf32>
      %reduce_sum3A_659 = arith.constant true
      %reduce_sum3A_660 = vector.broadcast %reduce_sum3A_659 : i1 to vector<16xi1>
      %reduce_sum3A_661 = tpu.scan <sum>, %add3A_658 masked %reduce_sum3A_660 : vector<16xf32>, vector<16xi1> -> vector<16xf32>
      %reduce_sum3A_662 = vector.extract %reduce_sum3A_661[15] : f32 from vector<16xf32>
      %eq3A_663 = arith.constant 2 : i32
      %eq3A_664 = vector.broadcast %eq3A_663 : i32 to vector<16xi32>
      %eq3A_665 = arith.cmpi eq, %iota3A, %eq3A_664 : vector<16xi32>
      %broadcast_in_dim3A_666 = vector.broadcast %reduce_sum3A_662 : f32 to vector<16xf32>
      %select_n3A_667 = arith.select %eq3A_665, %broadcast_in_dim3A_666, %select_n3A_545 : vector<16xi1>, vector<16xf32>
      %slice3A_668 = vector.extract_strided_slice %get3A_330 {offsets = [10], sizes = [1], strides = [1]} : vector<16xi32> to vector<1xi32>
      %squeeze3A_669 = vector.extract %slice3A_668[0] : i32 from vector<1xi32>
      %slice3A_670 = vector.extract_strided_slice %get3A_334 {offsets = [10], sizes = [1], strides = [1]} : vector<16xi32> to vector<1xi32>
      %squeeze3A_671 = vector.extract %slice3A_670[0] : i32 from vector<1xi32>
      %shift_right_arithmetic3A_672 = arith.constant 7 : i32
      %shift_right_arithmetic3A_673 = arith.shrsi %squeeze3A_669, %shift_right_arithmetic3A_672 : i32
      %mul3A_674 = arith.constant 128 : i32
      %mul3A_675 = arith.muli %shift_right_arithmetic3A_673, %mul3A_674 : i32
      %multiple_of3A_676 = tpu.assume_multiple %mul3A_675, 128 : i32
      %shift_right_arithmetic3A_677 = arith.constant 7 : i32
      %shift_right_arithmetic3A_678 = arith.shrsi %squeeze3A_671, %shift_right_arithmetic3A_677 : i32
      %mul3A_679 = arith.constant 128 : i32
      %mul3A_680 = arith.muli %shift_right_arithmetic3A_678, %mul3A_679 : i32
      %multiple_of3A_681 = tpu.assume_multiple %mul3A_680, 128 : i32
      %dma_start3A_682 = arith.constant 2 : i32
      %dma_start3A_683 = arith.constant 0 : i32
      %dma_start3A_684 = arith.constant 0 : i32
      %dma_start3A_685 = tpu.memref_slice %arg9[%dma_start3A_682, %dma_start3A_683, %dma_start3A_684] : memref<8x32x128xf32, #tpu.memory_space<vmem>> -> memref<1x32x128xf32, #tpu.memory_space<vmem>>
      %dma_start3A_686 = tpu.memref_squeeze %dma_start3A_685 : memref<1x32x128xf32, #tpu.memory_space<vmem>> -> memref<32x128xf32, #tpu.memory_space<vmem>>
      %dma_start3A_687 = arith.constant 0 : i32
      %dma_start3A_688 = tpu.memref_slice %arg4[%dma_start3A_687, %multiple_of3A_676] : memref<32x1000000xf32, #tpu.memory_space<hbm>> -> memref<32x128xf32, #tpu.memory_space<hbm>>
      %dma_start3A_689 = arith.constant 0 : i32
      %dma_start3A_690 = arith.constant 0 : i32
      %dma_start3A_691 = tpu.memref_slice %arg9[%dma_start3A_682, %dma_start3A_689, %dma_start3A_690] : memref<8x32x128xf32, #tpu.memory_space<vmem>> -> memref<1x32x128xf32, #tpu.memory_space<vmem>>
      %dma_start3A_692 = tpu.memref_squeeze %dma_start3A_691 : memref<1x32x128xf32, #tpu.memory_space<vmem>> -> memref<32x128xf32, #tpu.memory_space<vmem>>
      %dma_start3A_693 = arith.constant 0 : i32
      %dma_start3A_694 = tpu.memref_slice %arg4[%dma_start3A_693, %multiple_of3A_676] : memref<32x1000000xf32, #tpu.memory_space<hbm>> -> memref<32x128xf32, #tpu.memory_space<hbm>>
      tpu.enqueue_dma source(%dma_start3A_694 : memref<32x128xf32, #tpu.memory_space<hbm>>) target(%dma_start3A_692 : memref<32x128xf32, #tpu.memory_space<vmem>>) target_semaphore(%arg12 : memref<!tpu.dma_semaphore, #tpu.memory_space<semaphore_mem>>)
      %dma_start3A_695 = arith.constant 2 : i32
      %dma_start3A_696 = arith.constant 0 : i32
      %dma_start3A_697 = arith.constant 0 : i32
      %dma_start3A_698 = tpu.memref_slice %arg10[%dma_start3A_695, %dma_start3A_696, %dma_start3A_697] : memref<8x32x128xf32, #tpu.memory_space<vmem>> -> memref<1x32x128xf32, #tpu.memory_space<vmem>>
      %dma_start3A_699 = tpu.memref_squeeze %dma_start3A_698 : memref<1x32x128xf32, #tpu.memory_space<vmem>> -> memref<32x128xf32, #tpu.memory_space<vmem>>
      %dma_start3A_700 = arith.constant 0 : i32
      %dma_start3A_701 = tpu.memref_slice %arg5[%dma_start3A_700, %multiple_of3A_681] : memref<32x1000000xf32, #tpu.memory_space<hbm>> -> memref<32x128xf32, #tpu.memory_space<hbm>>
      %dma_start3A_702 = arith.constant 0 : i32
      %dma_start3A_703 = arith.constant 0 : i32
      %dma_start3A_704 = tpu.memref_slice %arg10[%dma_start3A_695, %dma_start3A_702, %dma_start3A_703] : memref<8x32x128xf32, #tpu.memory_space<vmem>> -> memref<1x32x128xf32, #tpu.memory_space<vmem>>
      %dma_start3A_705 = tpu.memref_squeeze %dma_start3A_704 : memref<1x32x128xf32, #tpu.memory_space<vmem>> -> memref<32x128xf32, #tpu.memory_space<vmem>>
      %dma_start3A_706 = arith.constant 0 : i32
      %dma_start3A_707 = tpu.memref_slice %arg5[%dma_start3A_706, %multiple_of3A_681] : memref<32x1000000xf32, #tpu.memory_space<hbm>> -> memref<32x128xf32, #tpu.memory_space<hbm>>
      tpu.enqueue_dma source(%dma_start3A_707 : memref<32x128xf32, #tpu.memory_space<hbm>>) target(%dma_start3A_705 : memref<32x128xf32, #tpu.memory_space<vmem>>) target_semaphore(%arg13 : memref<!tpu.dma_semaphore, #tpu.memory_space<semaphore_mem>>)
      %slice3A_708 = vector.extract_strided_slice %get3A_330 {offsets = [3], sizes = [1], strides = [1]} : vector<16xi32> to vector<1xi32>
      %squeeze3A_709 = vector.extract %slice3A_708[0] : i32 from vector<1xi32>
      %and3A_710 = arith.constant 127 : i32
      %and3A_711 = arith.andi %squeeze3A_709, %and3A_710 : i32
      %broadcast_in_dim3A_712 = vector.broadcast %and3A_711 : i32 to vector<16xi32>
      %slice3A_713 = vector.extract_strided_slice %get3A_334 {offsets = [3], sizes = [1], strides = [1]} : vector<16xi32> to vector<1xi32>
      %squeeze3A_714 = vector.extract %slice3A_713[0] : i32 from vector<1xi32>
      %and3A_715 = arith.constant 127 : i32
      %and3A_716 = arith.andi %squeeze3A_714, %and3A_715 : i32
      %broadcast_in_dim3A_717 = vector.broadcast %and3A_716 : i32 to vector<16xi32>
      %dma_wait3A_718 = arith.constant 3 : i32
      %dma_wait3A_719 = arith.constant 0 : i32
      %dma_wait3A_720 = arith.constant 0 : i32
      %dma_wait3A_721 = tpu.memref_slice %arg9[%dma_wait3A_718, %dma_wait3A_719, %dma_wait3A_720] : memref<8x32x128xf32, #tpu.memory_space<vmem>> -> memref<1x32x128xf32, #tpu.memory_space<vmem>>
      %dma_wait3A_722 = tpu.memref_squeeze %dma_wait3A_721 : memref<1x32x128xf32, #tpu.memory_space<vmem>> -> memref<32x128xf32, #tpu.memory_space<vmem>>
      %dma_wait3A_723 = arith.constant 0 : i32
      %dma_wait3A_724 = arith.constant 0 : i32
      %dma_wait3A_725 = tpu.memref_slice %arg4[%dma_wait3A_723, %dma_wait3A_724] : memref<32x1000000xf32, #tpu.memory_space<hbm>> -> memref<32x128xf32, #tpu.memory_space<hbm>>
      %dma_wait3A_726 = arith.constant 0 : i32
      %dma_wait3A_727 = arith.constant 0 : i32
      %dma_wait3A_728 = tpu.memref_slice %arg9[%dma_wait3A_718, %dma_wait3A_726, %dma_wait3A_727] : memref<8x32x128xf32, #tpu.memory_space<vmem>> -> memref<1x32x128xf32, #tpu.memory_space<vmem>>
      %dma_wait3A_729 = tpu.memref_squeeze %dma_wait3A_728 : memref<1x32x128xf32, #tpu.memory_space<vmem>> -> memref<32x128xf32, #tpu.memory_space<vmem>>
      %dma_wait3A_730 = arith.constant 0 : i32
      %dma_wait3A_731 = arith.constant 0 : i32
      %dma_wait3A_732 = tpu.memref_slice %arg4[%dma_wait3A_730, %dma_wait3A_731] : memref<32x1000000xf32, #tpu.memory_space<hbm>> -> memref<32x128xf32, #tpu.memory_space<hbm>>
      tpu.wait_dma2 semaphore(%arg12 : memref<!tpu.dma_semaphore, #tpu.memory_space<semaphore_mem>>) src(%dma_wait3A_732 : memref<32x128xf32, #tpu.memory_space<hbm>>) dst(%dma_wait3A_729 : memref<32x128xf32, #tpu.memory_space<vmem>>)
      %dma_wait3A_733 = arith.constant 3 : i32
      %dma_wait3A_734 = arith.constant 0 : i32
      %dma_wait3A_735 = arith.constant 0 : i32
      %dma_wait3A_736 = tpu.memref_slice %arg10[%dma_wait3A_733, %dma_wait3A_734, %dma_wait3A_735] : memref<8x32x128xf32, #tpu.memory_space<vmem>> -> memref<1x32x128xf32, #tpu.memory_space<vmem>>
      %dma_wait3A_737 = tpu.memref_squeeze %dma_wait3A_736 : memref<1x32x128xf32, #tpu.memory_space<vmem>> -> memref<32x128xf32, #tpu.memory_space<vmem>>
      %dma_wait3A_738 = arith.constant 0 : i32
      %dma_wait3A_739 = arith.constant 0 : i32
      %dma_wait3A_740 = tpu.memref_slice %arg5[%dma_wait3A_738, %dma_wait3A_739] : memref<32x1000000xf32, #tpu.memory_space<hbm>> -> memref<32x128xf32, #tpu.memory_space<hbm>>
      %dma_wait3A_741 = arith.constant 0 : i32
      %dma_wait3A_742 = arith.constant 0 : i32
      %dma_wait3A_743 = tpu.memref_slice %arg10[%dma_wait3A_733, %dma_wait3A_741, %dma_wait3A_742] : memref<8x32x128xf32, #tpu.memory_space<vmem>> -> memref<1x32x128xf32, #tpu.memory_space<vmem>>
      %dma_wait3A_744 = tpu.memref_squeeze %dma_wait3A_743 : memref<1x32x128xf32, #tpu.memory_space<vmem>> -> memref<32x128xf32, #tpu.memory_space<vmem>>
      %dma_wait3A_745 = arith.constant 0 : i32
      %dma_wait3A_746 = arith.constant 0 : i32
      %dma_wait3A_747 = tpu.memref_slice %arg5[%dma_wait3A_745, %dma_wait3A_746] : memref<32x1000000xf32, #tpu.memory_space<hbm>> -> memref<32x128xf32, #tpu.memory_space<hbm>>
      tpu.wait_dma2 semaphore(%arg13 : memref<!tpu.dma_semaphore, #tpu.memory_space<semaphore_mem>>) src(%dma_wait3A_747 : memref<32x128xf32, #tpu.memory_space<hbm>>) dst(%dma_wait3A_744 : memref<32x128xf32, #tpu.memory_space<vmem>>)
      %gather3A_748 = arith.constant 3 : i32
      %gather3A_749 = arith.constant 0 : i32
      %gather3A_750 = arith.constant 0 : i32
      %gather3A_751 = tpu.memref_slice %arg9[%gather3A_748, %gather3A_749, %gather3A_750] : memref<8x32x128xf32, #tpu.memory_space<vmem>> -> memref<1x32x128xf32, #tpu.memory_space<vmem>>
      %gather3A_752 = tpu.memref_squeeze %gather3A_751 : memref<1x32x128xf32, #tpu.memory_space<vmem>> -> memref<32x128xf32, #tpu.memory_space<vmem>>
      %gather3A_753 = tpu.vector_load_idx %gather3A_752[%iota3A, %broadcast_in_dim3A_712] : memref<32x128xf32, #tpu.memory_space<vmem>>[vector<16xi32>, vector<16xi32>], vector<16xf32>,
      %add3A_754 = arith.constant 16 : i32
      %add3A_755 = vector.broadcast %add3A_754 : i32 to vector<16xi32>
      %add3A_756 = arith.addi %iota3A, %add3A_755 : vector<16xi32>
      %gather3A_757 = arith.constant 3 : i32
      %gather3A_758 = arith.constant 0 : i32
      %gather3A_759 = arith.constant 0 : i32
      %gather3A_760 = tpu.memref_slice %arg9[%gather3A_757, %gather3A_758, %gather3A_759] : memref<8x32x128xf32, #tpu.memory_space<vmem>> -> memref<1x32x128xf32, #tpu.memory_space<vmem>>
      %gather3A_761 = tpu.memref_squeeze %gather3A_760 : memref<1x32x128xf32, #tpu.memory_space<vmem>> -> memref<32x128xf32, #tpu.memory_space<vmem>>
      %gather3A_762 = tpu.vector_load_idx %gather3A_761[%add3A_756, %broadcast_in_dim3A_712] : memref<32x128xf32, #tpu.memory_space<vmem>>[vector<16xi32>, vector<16xi32>], vector<16xf32>,
      %gather3A_763 = arith.constant 3 : i32
      %gather3A_764 = arith.constant 0 : i32
      %gather3A_765 = arith.constant 0 : i32
      %gather3A_766 = tpu.memref_slice %arg10[%gather3A_763, %gather3A_764, %gather3A_765] : memref<8x32x128xf32, #tpu.memory_space<vmem>> -> memref<1x32x128xf32, #tpu.memory_space<vmem>>
      %gather3A_767 = tpu.memref_squeeze %gather3A_766 : memref<1x32x128xf32, #tpu.memory_space<vmem>> -> memref<32x128xf32, #tpu.memory_space<vmem>>
      %gather3A_768 = tpu.vector_load_idx %gather3A_767[%iota3A, %broadcast_in_dim3A_717] : memref<32x128xf32, #tpu.memory_space<vmem>>[vector<16xi32>, vector<16xi32>], vector<16xf32>,
      %add3A_769 = arith.constant 16 : i32
      %add3A_770 = vector.broadcast %add3A_769 : i32 to vector<16xi32>
      %add3A_771 = arith.addi %iota3A, %add3A_770 : vector<16xi32>
      %gather3A_772 = arith.constant 3 : i32
      %gather3A_773 = arith.constant 0 : i32
      %gather3A_774 = arith.constant 0 : i32
      %gather3A_775 = tpu.memref_slice %arg10[%gather3A_772, %gather3A_773, %gather3A_774] : memref<8x32x128xf32, #tpu.memory_space<vmem>> -> memref<1x32x128xf32, #tpu.memory_space<vmem>>
      %gather3A_776 = tpu.memref_squeeze %gather3A_775 : memref<1x32x128xf32, #tpu.memory_space<vmem>> -> memref<32x128xf32, #tpu.memory_space<vmem>>
      %gather3A_777 = tpu.vector_load_idx %gather3A_776[%add3A_771, %broadcast_in_dim3A_717] : memref<32x128xf32, #tpu.memory_space<vmem>>[vector<16xi32>, vector<16xi32>], vector<16xf32>,
      %mul3A_778 = arith.mulf %gather3A_753, %gather3A_768 : vector<16xf32>
      %mul3A_779 = arith.mulf %gather3A_762, %gather3A_777 : vector<16xf32>
      %add3A_780 = arith.addf %mul3A_778, %mul3A_779 : vector<16xf32>
      %reduce_sum3A_781 = arith.constant true
      %reduce_sum3A_782 = vector.broadcast %reduce_sum3A_781 : i1 to vector<16xi1>
      %reduce_sum3A_783 = tpu.scan <sum>, %add3A_780 masked %reduce_sum3A_782 : vector<16xf32>, vector<16xi1> -> vector<16xf32>
      %reduce_sum3A_784 = vector.extract %reduce_sum3A_783[15] : f32 from vector<16xf32>
      %eq3A_785 = arith.constant 3 : i32
      %eq3A_786 = vector.broadcast %eq3A_785 : i32 to vector<16xi32>
      %eq3A_787 = arith.cmpi eq, %iota3A, %eq3A_786 : vector<16xi32>
      %broadcast_in_dim3A_788 = vector.broadcast %reduce_sum3A_784 : f32 to vector<16xf32>
      %select_n3A_789 = arith.select %eq3A_787, %broadcast_in_dim3A_788, %select_n3A_667 : vector<16xi1>, vector<16xf32>
      %slice3A_790 = vector.extract_strided_slice %get3A_330 {offsets = [11], sizes = [1], strides = [1]} : vector<16xi32> to vector<1xi32>
      %squeeze3A_791 = vector.extract %slice3A_790[0] : i32 from vector<1xi32>
      %slice3A_792 = vector.extract_strided_slice %get3A_334 {offsets = [11], sizes = [1], strides = [1]} : vector<16xi32> to vector<1xi32>
      %squeeze3A_793 = vector.extract %slice3A_792[0] : i32 from vector<1xi32>
      %shift_right_arithmetic3A_794 = arith.constant 7 : i32
      %shift_right_arithmetic3A_795 = arith.shrsi %squeeze3A_791, %shift_right_arithmetic3A_794 : i32
      %mul3A_796 = arith.constant 128 : i32
      %mul3A_797 = arith.muli %shift_right_arithmetic3A_795, %mul3A_796 : i32
      %multiple_of3A_798 = tpu.assume_multiple %mul3A_797, 128 : i32
      %shift_right_arithmetic3A_799 = arith.constant 7 : i32
      %shift_right_arithmetic3A_800 = arith.shrsi %squeeze3A_793, %shift_right_arithmetic3A_799 : i32
      %mul3A_801 = arith.constant 128 : i32
      %mul3A_802 = arith.muli %shift_right_arithmetic3A_800, %mul3A_801 : i32
      %multiple_of3A_803 = tpu.assume_multiple %mul3A_802, 128 : i32
      %dma_start3A_804 = arith.constant 3 : i32
      %dma_start3A_805 = arith.constant 0 : i32
      %dma_start3A_806 = arith.constant 0 : i32
      %dma_start3A_807 = tpu.memref_slice %arg9[%dma_start3A_804, %dma_start3A_805, %dma_start3A_806] : memref<8x32x128xf32, #tpu.memory_space<vmem>> -> memref<1x32x128xf32, #tpu.memory_space<vmem>>
      %dma_start3A_808 = tpu.memref_squeeze %dma_start3A_807 : memref<1x32x128xf32, #tpu.memory_space<vmem>> -> memref<32x128xf32, #tpu.memory_space<vmem>>
      %dma_start3A_809 = arith.constant 0 : i32
      %dma_start3A_810 = tpu.memref_slice %arg4[%dma_start3A_809, %multiple_of3A_798] : memref<32x1000000xf32, #tpu.memory_space<hbm>> -> memref<32x128xf32, #tpu.memory_space<hbm>>
      %dma_start3A_811 = arith.constant 0 : i32
      %dma_start3A_812 = arith.constant 0 : i32
      %dma_start3A_813 = tpu.memref_slice %arg9[%dma_start3A_804, %dma_start3A_811, %dma_start3A_812] : memref<8x32x128xf32, #tpu.memory_space<vmem>> -> memref<1x32x128xf32, #tpu.memory_space<vmem>>
      %dma_start3A_814 = tpu.memref_squeeze %dma_start3A_813 : memref<1x32x128xf32, #tpu.memory_space<vmem>> -> memref<32x128xf32, #tpu.memory_space<vmem>>
      %dma_start3A_815 = arith.constant 0 : i32
      %dma_start3A_816 = tpu.memref_slice %arg4[%dma_start3A_815, %multiple_of3A_798] : memref<32x1000000xf32, #tpu.memory_space<hbm>> -> memref<32x128xf32, #tpu.memory_space<hbm>>
      tpu.enqueue_dma source(%dma_start3A_816 : memref<32x128xf32, #tpu.memory_space<hbm>>) target(%dma_start3A_814 : memref<32x128xf32, #tpu.memory_space<vmem>>) target_semaphore(%arg12 : memref<!tpu.dma_semaphore, #tpu.memory_space<semaphore_mem>>)
      %dma_start3A_817 = arith.constant 3 : i32
      %dma_start3A_818 = arith.constant 0 : i32
      %dma_start3A_819 = arith.constant 0 : i32
      %dma_start3A_820 = tpu.memref_slice %arg10[%dma_start3A_817, %dma_start3A_818, %dma_start3A_819] : memref<8x32x128xf32, #tpu.memory_space<vmem>> -> memref<1x32x128xf32, #tpu.memory_space<vmem>>
      %dma_start3A_821 = tpu.memref_squeeze %dma_start3A_820 : memref<1x32x128xf32, #tpu.memory_space<vmem>> -> memref<32x128xf32, #tpu.memory_space<vmem>>
      %dma_start3A_822 = arith.constant 0 : i32
      %dma_start3A_823 = tpu.memref_slice %arg5[%dma_start3A_822, %multiple_of3A_803] : memref<32x1000000xf32, #tpu.memory_space<hbm>> -> memref<32x128xf32, #tpu.memory_space<hbm>>
      %dma_start3A_824 = arith.constant 0 : i32
      %dma_start3A_825 = arith.constant 0 : i32
      %dma_start3A_826 = tpu.memref_slice %arg10[%dma_start3A_817, %dma_start3A_824, %dma_start3A_825] : memref<8x32x128xf32, #tpu.memory_space<vmem>> -> memref<1x32x128xf32, #tpu.memory_space<vmem>>
      %dma_start3A_827 = tpu.memref_squeeze %dma_start3A_826 : memref<1x32x128xf32, #tpu.memory_space<vmem>> -> memref<32x128xf32, #tpu.memory_space<vmem>>
      %dma_start3A_828 = arith.constant 0 : i32
      %dma_start3A_829 = tpu.memref_slice %arg5[%dma_start3A_828, %multiple_of3A_803] : memref<32x1000000xf32, #tpu.memory_space<hbm>> -> memref<32x128xf32, #tpu.memory_space<hbm>>
      tpu.enqueue_dma source(%dma_start3A_829 : memref<32x128xf32, #tpu.memory_space<hbm>>) target(%dma_start3A_827 : memref<32x128xf32, #tpu.memory_space<vmem>>) target_semaphore(%arg13 : memref<!tpu.dma_semaphore, #tpu.memory_space<semaphore_mem>>)
      %slice3A_830 = vector.extract_strided_slice %get3A_330 {offsets = [4], sizes = [1], strides = [1]} : vector<16xi32> to vector<1xi32>
      %squeeze3A_831 = vector.extract %slice3A_830[0] : i32 from vector<1xi32>
      %and3A_832 = arith.constant 127 : i32
      %and3A_833 = arith.andi %squeeze3A_831, %and3A_832 : i32
      %broadcast_in_dim3A_834 = vector.broadcast %and3A_833 : i32 to vector<16xi32>
      %slice3A_835 = vector.extract_strided_slice %get3A_334 {offsets = [4], sizes = [1], strides = [1]} : vector<16xi32> to vector<1xi32>
      %squeeze3A_836 = vector.extract %slice3A_835[0] : i32 from vector<1xi32>
      %and3A_837 = arith.constant 127 : i32
      %and3A_838 = arith.andi %squeeze3A_836, %and3A_837 : i32
      %broadcast_in_dim3A_839 = vector.broadcast %and3A_838 : i32 to vector<16xi32>
      %dma_wait3A_840 = arith.constant 4 : i32
      %dma_wait3A_841 = arith.constant 0 : i32
      %dma_wait3A_842 = arith.constant 0 : i32
      %dma_wait3A_843 = tpu.memref_slice %arg9[%dma_wait3A_840, %dma_wait3A_841, %dma_wait3A_842] : memref<8x32x128xf32, #tpu.memory_space<vmem>> -> memref<1x32x128xf32, #tpu.memory_space<vmem>>
      %dma_wait3A_844 = tpu.memref_squeeze %dma_wait3A_843 : memref<1x32x128xf32, #tpu.memory_space<vmem>> -> memref<32x128xf32, #tpu.memory_space<vmem>>
      %dma_wait3A_845 = arith.constant 0 : i32
      %dma_wait3A_846 = arith.constant 0 : i32
      %dma_wait3A_847 = tpu.memref_slice %arg4[%dma_wait3A_845, %dma_wait3A_846] : memref<32x1000000xf32, #tpu.memory_space<hbm>> -> memref<32x128xf32, #tpu.memory_space<hbm>>
      %dma_wait3A_848 = arith.constant 0 : i32
      %dma_wait3A_849 = arith.constant 0 : i32
      %dma_wait3A_850 = tpu.memref_slice %arg9[%dma_wait3A_840, %dma_wait3A_848, %dma_wait3A_849] : memref<8x32x128xf32, #tpu.memory_space<vmem>> -> memref<1x32x128xf32, #tpu.memory_space<vmem>>
      %dma_wait3A_851 = tpu.memref_squeeze %dma_wait3A_850 : memref<1x32x128xf32, #tpu.memory_space<vmem>> -> memref<32x128xf32, #tpu.memory_space<vmem>>
      %dma_wait3A_852 = arith.constant 0 : i32
      %dma_wait3A_853 = arith.constant 0 : i32
      %dma_wait3A_854 = tpu.memref_slice %arg4[%dma_wait3A_852, %dma_wait3A_853] : memref<32x1000000xf32, #tpu.memory_space<hbm>> -> memref<32x128xf32, #tpu.memory_space<hbm>>
      tpu.wait_dma2 semaphore(%arg12 : memref<!tpu.dma_semaphore, #tpu.memory_space<semaphore_mem>>) src(%dma_wait3A_854 : memref<32x128xf32, #tpu.memory_space<hbm>>) dst(%dma_wait3A_851 : memref<32x128xf32, #tpu.memory_space<vmem>>)
      %dma_wait3A_855 = arith.constant 4 : i32
      %dma_wait3A_856 = arith.constant 0 : i32
      %dma_wait3A_857 = arith.constant 0 : i32
      %dma_wait3A_858 = tpu.memref_slice %arg10[%dma_wait3A_855, %dma_wait3A_856, %dma_wait3A_857] : memref<8x32x128xf32, #tpu.memory_space<vmem>> -> memref<1x32x128xf32, #tpu.memory_space<vmem>>
      %dma_wait3A_859 = tpu.memref_squeeze %dma_wait3A_858 : memref<1x32x128xf32, #tpu.memory_space<vmem>> -> memref<32x128xf32, #tpu.memory_space<vmem>>
      %dma_wait3A_860 = arith.constant 0 : i32
      %dma_wait3A_861 = arith.constant 0 : i32
      %dma_wait3A_862 = tpu.memref_slice %arg5[%dma_wait3A_860, %dma_wait3A_861] : memref<32x1000000xf32, #tpu.memory_space<hbm>> -> memref<32x128xf32, #tpu.memory_space<hbm>>
      %dma_wait3A_863 = arith.constant 0 : i32
      %dma_wait3A_864 = arith.constant 0 : i32
      %dma_wait3A_865 = tpu.memref_slice %arg10[%dma_wait3A_855, %dma_wait3A_863, %dma_wait3A_864] : memref<8x32x128xf32, #tpu.memory_space<vmem>> -> memref<1x32x128xf32, #tpu.memory_space<vmem>>
      %dma_wait3A_866 = tpu.memref_squeeze %dma_wait3A_865 : memref<1x32x128xf32, #tpu.memory_space<vmem>> -> memref<32x128xf32, #tpu.memory_space<vmem>>
      %dma_wait3A_867 = arith.constant 0 : i32
      %dma_wait3A_868 = arith.constant 0 : i32
      %dma_wait3A_869 = tpu.memref_slice %arg5[%dma_wait3A_867, %dma_wait3A_868] : memref<32x1000000xf32, #tpu.memory_space<hbm>> -> memref<32x128xf32, #tpu.memory_space<hbm>>
      tpu.wait_dma2 semaphore(%arg13 : memref<!tpu.dma_semaphore, #tpu.memory_space<semaphore_mem>>) src(%dma_wait3A_869 : memref<32x128xf32, #tpu.memory_space<hbm>>) dst(%dma_wait3A_866 : memref<32x128xf32, #tpu.memory_space<vmem>>)
      %gather3A_870 = arith.constant 4 : i32
      %gather3A_871 = arith.constant 0 : i32
      %gather3A_872 = arith.constant 0 : i32
      %gather3A_873 = tpu.memref_slice %arg9[%gather3A_870, %gather3A_871, %gather3A_872] : memref<8x32x128xf32, #tpu.memory_space<vmem>> -> memref<1x32x128xf32, #tpu.memory_space<vmem>>
      %gather3A_874 = tpu.memref_squeeze %gather3A_873 : memref<1x32x128xf32, #tpu.memory_space<vmem>> -> memref<32x128xf32, #tpu.memory_space<vmem>>
      %gather3A_875 = tpu.vector_load_idx %gather3A_874[%iota3A, %broadcast_in_dim3A_834] : memref<32x128xf32, #tpu.memory_space<vmem>>[vector<16xi32>, vector<16xi32>], vector<16xf32>,
      %add3A_876 = arith.constant 16 : i32
      %add3A_877 = vector.broadcast %add3A_876 : i32 to vector<16xi32>
      %add3A_878 = arith.addi %iota3A, %add3A_877 : vector<16xi32>
      %gather3A_879 = arith.constant 4 : i32
      %gather3A_880 = arith.constant 0 : i32
      %gather3A_881 = arith.constant 0 : i32
      %gather3A_882 = tpu.memref_slice %arg9[%gather3A_879, %gather3A_880, %gather3A_881] : memref<8x32x128xf32, #tpu.memory_space<vmem>> -> memref<1x32x128xf32, #tpu.memory_space<vmem>>
      %gather3A_883 = tpu.memref_squeeze %gather3A_882 : memref<1x32x128xf32, #tpu.memory_space<vmem>> -> memref<32x128xf32, #tpu.memory_space<vmem>>
      %gather3A_884 = tpu.vector_load_idx %gather3A_883[%add3A_878, %broadcast_in_dim3A_834] : memref<32x128xf32, #tpu.memory_space<vmem>>[vector<16xi32>, vector<16xi32>], vector<16xf32>,
      %gather3A_885 = arith.constant 4 : i32
      %gather3A_886 = arith.constant 0 : i32
      %gather3A_887 = arith.constant 0 : i32
      %gather3A_888 = tpu.memref_slice %arg10[%gather3A_885, %gather3A_886, %gather3A_887] : memref<8x32x128xf32, #tpu.memory_space<vmem>> -> memref<1x32x128xf32, #tpu.memory_space<vmem>>
      %gather3A_889 = tpu.memref_squeeze %gather3A_888 : memref<1x32x128xf32, #tpu.memory_space<vmem>> -> memref<32x128xf32, #tpu.memory_space<vmem>>
      %gather3A_890 = tpu.vector_load_idx %gather3A_889[%iota3A, %broadcast_in_dim3A_839] : memref<32x128xf32, #tpu.memory_space<vmem>>[vector<16xi32>, vector<16xi32>], vector<16xf32>,
      %add3A_891 = arith.constant 16 : i32
      %add3A_892 = vector.broadcast %add3A_891 : i32 to vector<16xi32>
      %add3A_893 = arith.addi %iota3A, %add3A_892 : vector<16xi32>
      %gather3A_894 = arith.constant 4 : i32
      %gather3A_895 = arith.constant 0 : i32
      %gather3A_896 = arith.constant 0 : i32
      %gather3A_897 = tpu.memref_slice %arg10[%gather3A_894, %gather3A_895, %gather3A_896] : memref<8x32x128xf32, #tpu.memory_space<vmem>> -> memref<1x32x128xf32, #tpu.memory_space<vmem>>
      %gather3A_898 = tpu.memref_squeeze %gather3A_897 : memref<1x32x128xf32, #tpu.memory_space<vmem>> -> memref<32x128xf32, #tpu.memory_space<vmem>>
      %gather3A_899 = tpu.vector_load_idx %gather3A_898[%add3A_893, %broadcast_in_dim3A_839] : memref<32x128xf32, #tpu.memory_space<vmem>>[vector<16xi32>, vector<16xi32>], vector<16xf32>,
      %mul3A_900 = arith.mulf %gather3A_875, %gather3A_890 : vector<16xf32>
      %mul3A_901 = arith.mulf %gather3A_884, %gather3A_899 : vector<16xf32>
      %add3A_902 = arith.addf %mul3A_900, %mul3A_901 : vector<16xf32>
      %reduce_sum3A_903 = arith.constant true
      %reduce_sum3A_904 = vector.broadcast %reduce_sum3A_903 : i1 to vector<16xi1>
      %reduce_sum3A_905 = tpu.scan <sum>, %add3A_902 masked %reduce_sum3A_904 : vector<16xf32>, vector<16xi1> -> vector<16xf32>
      %reduce_sum3A_906 = vector.extract %reduce_sum3A_905[15] : f32 from vector<16xf32>
      %eq3A_907 = arith.constant 4 : i32
      %eq3A_908 = vector.broadcast %eq3A_907 : i32 to vector<16xi32>
      %eq3A_909 = arith.cmpi eq, %iota3A, %eq3A_908 : vector<16xi32>
      %broadcast_in_dim3A_910 = vector.broadcast %reduce_sum3A_906 : f32 to vector<16xf32>
      %select_n3A_911 = arith.select %eq3A_909, %broadcast_in_dim3A_910, %select_n3A_789 : vector<16xi1>, vector<16xf32>
      %slice3A_912 = vector.extract_strided_slice %get3A_330 {offsets = [12], sizes = [1], strides = [1]} : vector<16xi32> to vector<1xi32>
      %squeeze3A_913 = vector.extract %slice3A_912[0] : i32 from vector<1xi32>
      %slice3A_914 = vector.extract_strided_slice %get3A_334 {offsets = [12], sizes = [1], strides = [1]} : vector<16xi32> to vector<1xi32>
      %squeeze3A_915 = vector.extract %slice3A_914[0] : i32 from vector<1xi32>
      %shift_right_arithmetic3A_916 = arith.constant 7 : i32
      %shift_right_arithmetic3A_917 = arith.shrsi %squeeze3A_913, %shift_right_arithmetic3A_916 : i32
      %mul3A_918 = arith.constant 128 : i32
      %mul3A_919 = arith.muli %shift_right_arithmetic3A_917, %mul3A_918 : i32
      %multiple_of3A_920 = tpu.assume_multiple %mul3A_919, 128 : i32
      %shift_right_arithmetic3A_921 = arith.constant 7 : i32
      %shift_right_arithmetic3A_922 = arith.shrsi %squeeze3A_915, %shift_right_arithmetic3A_921 : i32
      %mul3A_923 = arith.constant 128 : i32
      %mul3A_924 = arith.muli %shift_right_arithmetic3A_922, %mul3A_923 : i32
      %multiple_of3A_925 = tpu.assume_multiple %mul3A_924, 128 : i32
      %dma_start3A_926 = arith.constant 4 : i32
      %dma_start3A_927 = arith.constant 0 : i32
      %dma_start3A_928 = arith.constant 0 : i32
      %dma_start3A_929 = tpu.memref_slice %arg9[%dma_start3A_926, %dma_start3A_927, %dma_start3A_928] : memref<8x32x128xf32, #tpu.memory_space<vmem>> -> memref<1x32x128xf32, #tpu.memory_space<vmem>>
      %dma_start3A_930 = tpu.memref_squeeze %dma_start3A_929 : memref<1x32x128xf32, #tpu.memory_space<vmem>> -> memref<32x128xf32, #tpu.memory_space<vmem>>
      %dma_start3A_931 = arith.constant 0 : i32
      %dma_start3A_932 = tpu.memref_slice %arg4[%dma_start3A_931, %multiple_of3A_920] : memref<32x1000000xf32, #tpu.memory_space<hbm>> -> memref<32x128xf32, #tpu.memory_space<hbm>>
      %dma_start3A_933 = arith.constant 0 : i32
      %dma_start3A_934 = arith.constant 0 : i32
      %dma_start3A_935 = tpu.memref_slice %arg9[%dma_start3A_926, %dma_start3A_933, %dma_start3A_934] : memref<8x32x128xf32, #tpu.memory_space<vmem>> -> memref<1x32x128xf32, #tpu.memory_space<vmem>>
      %dma_start3A_936 = tpu.memref_squeeze %dma_start3A_935 : memref<1x32x128xf32, #tpu.memory_space<vmem>> -> memref<32x128xf32, #tpu.memory_space<vmem>>
      %dma_start3A_937 = arith.constant 0 : i32
      %dma_start3A_938 = tpu.memref_slice %arg4[%dma_start3A_937, %multiple_of3A_920] : memref<32x1000000xf32, #tpu.memory_space<hbm>> -> memref<32x128xf32, #tpu.memory_space<hbm>>
      tpu.enqueue_dma source(%dma_start3A_938 : memref<32x128xf32, #tpu.memory_space<hbm>>) target(%dma_start3A_936 : memref<32x128xf32, #tpu.memory_space<vmem>>) target_semaphore(%arg12 : memref<!tpu.dma_semaphore, #tpu.memory_space<semaphore_mem>>)
      %dma_start3A_939 = arith.constant 4 : i32
      %dma_start3A_940 = arith.constant 0 : i32
      %dma_start3A_941 = arith.constant 0 : i32
      %dma_start3A_942 = tpu.memref_slice %arg10[%dma_start3A_939, %dma_start3A_940, %dma_start3A_941] : memref<8x32x128xf32, #tpu.memory_space<vmem>> -> memref<1x32x128xf32, #tpu.memory_space<vmem>>
      %dma_start3A_943 = tpu.memref_squeeze %dma_start3A_942 : memref<1x32x128xf32, #tpu.memory_space<vmem>> -> memref<32x128xf32, #tpu.memory_space<vmem>>
      %dma_start3A_944 = arith.constant 0 : i32
      %dma_start3A_945 = tpu.memref_slice %arg5[%dma_start3A_944, %multiple_of3A_925] : memref<32x1000000xf32, #tpu.memory_space<hbm>> -> memref<32x128xf32, #tpu.memory_space<hbm>>
      %dma_start3A_946 = arith.constant 0 : i32
      %dma_start3A_947 = arith.constant 0 : i32
      %dma_start3A_948 = tpu.memref_slice %arg10[%dma_start3A_939, %dma_start3A_946, %dma_start3A_947] : memref<8x32x128xf32, #tpu.memory_space<vmem>> -> memref<1x32x128xf32, #tpu.memory_space<vmem>>
      %dma_start3A_949 = tpu.memref_squeeze %dma_start3A_948 : memref<1x32x128xf32, #tpu.memory_space<vmem>> -> memref<32x128xf32, #tpu.memory_space<vmem>>
      %dma_start3A_950 = arith.constant 0 : i32
      %dma_start3A_951 = tpu.memref_slice %arg5[%dma_start3A_950, %multiple_of3A_925] : memref<32x1000000xf32, #tpu.memory_space<hbm>> -> memref<32x128xf32, #tpu.memory_space<hbm>>
      tpu.enqueue_dma source(%dma_start3A_951 : memref<32x128xf32, #tpu.memory_space<hbm>>) target(%dma_start3A_949 : memref<32x128xf32, #tpu.memory_space<vmem>>) target_semaphore(%arg13 : memref<!tpu.dma_semaphore, #tpu.memory_space<semaphore_mem>>)
      %slice3A_952 = vector.extract_strided_slice %get3A_330 {offsets = [5], sizes = [1], strides = [1]} : vector<16xi32> to vector<1xi32>
      %squeeze3A_953 = vector.extract %slice3A_952[0] : i32 from vector<1xi32>
      %and3A_954 = arith.constant 127 : i32
      %and3A_955 = arith.andi %squeeze3A_953, %and3A_954 : i32
      %broadcast_in_dim3A_956 = vector.broadcast %and3A_955 : i32 to vector<16xi32>
      %slice3A_957 = vector.extract_strided_slice %get3A_334 {offsets = [5], sizes = [1], strides = [1]} : vector<16xi32> to vector<1xi32>
      %squeeze3A_958 = vector.extract %slice3A_957[0] : i32 from vector<1xi32>
      %and3A_959 = arith.constant 127 : i32
      %and3A_960 = arith.andi %squeeze3A_958, %and3A_959 : i32
      %broadcast_in_dim3A_961 = vector.broadcast %and3A_960 : i32 to vector<16xi32>
      %dma_wait3A_962 = arith.constant 5 : i32
      %dma_wait3A_963 = arith.constant 0 : i32
      %dma_wait3A_964 = arith.constant 0 : i32
      %dma_wait3A_965 = tpu.memref_slice %arg9[%dma_wait3A_962, %dma_wait3A_963, %dma_wait3A_964] : memref<8x32x128xf32, #tpu.memory_space<vmem>> -> memref<1x32x128xf32, #tpu.memory_space<vmem>>
      %dma_wait3A_966 = tpu.memref_squeeze %dma_wait3A_965 : memref<1x32x128xf32, #tpu.memory_space<vmem>> -> memref<32x128xf32, #tpu.memory_space<vmem>>
      %dma_wait3A_967 = arith.constant 0 : i32
      %dma_wait3A_968 = arith.constant 0 : i32
      %dma_wait3A_969 = tpu.memref_slice %arg4[%dma_wait3A_967, %dma_wait3A_968] : memref<32x1000000xf32, #tpu.memory_space<hbm>> -> memref<32x128xf32, #tpu.memory_space<hbm>>
      %dma_wait3A_970 = arith.constant 0 : i32
      %dma_wait3A_971 = arith.constant 0 : i32
      %dma_wait3A_972 = tpu.memref_slice %arg9[%dma_wait3A_962, %dma_wait3A_970, %dma_wait3A_971] : memref<8x32x128xf32, #tpu.memory_space<vmem>> -> memref<1x32x128xf32, #tpu.memory_space<vmem>>
      %dma_wait3A_973 = tpu.memref_squeeze %dma_wait3A_972 : memref<1x32x128xf32, #tpu.memory_space<vmem>> -> memref<32x128xf32, #tpu.memory_space<vmem>>
      %dma_wait3A_974 = arith.constant 0 : i32
      %dma_wait3A_975 = arith.constant 0 : i32
      %dma_wait3A_976 = tpu.memref_slice %arg4[%dma_wait3A_974, %dma_wait3A_975] : memref<32x1000000xf32, #tpu.memory_space<hbm>> -> memref<32x128xf32, #tpu.memory_space<hbm>>
      tpu.wait_dma2 semaphore(%arg12 : memref<!tpu.dma_semaphore, #tpu.memory_space<semaphore_mem>>) src(%dma_wait3A_976 : memref<32x128xf32, #tpu.memory_space<hbm>>) dst(%dma_wait3A_973 : memref<32x128xf32, #tpu.memory_space<vmem>>)
      %dma_wait3A_977 = arith.constant 5 : i32
      %dma_wait3A_978 = arith.constant 0 : i32
      %dma_wait3A_979 = arith.constant 0 : i32
      %dma_wait3A_980 = tpu.memref_slice %arg10[%dma_wait3A_977, %dma_wait3A_978, %dma_wait3A_979] : memref<8x32x128xf32, #tpu.memory_space<vmem>> -> memref<1x32x128xf32, #tpu.memory_space<vmem>>
      %dma_wait3A_981 = tpu.memref_squeeze %dma_wait3A_980 : memref<1x32x128xf32, #tpu.memory_space<vmem>> -> memref<32x128xf32, #tpu.memory_space<vmem>>
      %dma_wait3A_982 = arith.constant 0 : i32
      %dma_wait3A_983 = arith.constant 0 : i32
      %dma_wait3A_984 = tpu.memref_slice %arg5[%dma_wait3A_982, %dma_wait3A_983] : memref<32x1000000xf32, #tpu.memory_space<hbm>> -> memref<32x128xf32, #tpu.memory_space<hbm>>
      %dma_wait3A_985 = arith.constant 0 : i32
      %dma_wait3A_986 = arith.constant 0 : i32
      %dma_wait3A_987 = tpu.memref_slice %arg10[%dma_wait3A_977, %dma_wait3A_985, %dma_wait3A_986] : memref<8x32x128xf32, #tpu.memory_space<vmem>> -> memref<1x32x128xf32, #tpu.memory_space<vmem>>
      %dma_wait3A_988 = tpu.memref_squeeze %dma_wait3A_987 : memref<1x32x128xf32, #tpu.memory_space<vmem>> -> memref<32x128xf32, #tpu.memory_space<vmem>>
      %dma_wait3A_989 = arith.constant 0 : i32
      %dma_wait3A_990 = arith.constant 0 : i32
      %dma_wait3A_991 = tpu.memref_slice %arg5[%dma_wait3A_989, %dma_wait3A_990] : memref<32x1000000xf32, #tpu.memory_space<hbm>> -> memref<32x128xf32, #tpu.memory_space<hbm>>
      tpu.wait_dma2 semaphore(%arg13 : memref<!tpu.dma_semaphore, #tpu.memory_space<semaphore_mem>>) src(%dma_wait3A_991 : memref<32x128xf32, #tpu.memory_space<hbm>>) dst(%dma_wait3A_988 : memref<32x128xf32, #tpu.memory_space<vmem>>)
      %gather3A_992 = arith.constant 5 : i32
      %gather3A_993 = arith.constant 0 : i32
      %gather3A_994 = arith.constant 0 : i32
      %gather3A_995 = tpu.memref_slice %arg9[%gather3A_992, %gather3A_993, %gather3A_994] : memref<8x32x128xf32, #tpu.memory_space<vmem>> -> memref<1x32x128xf32, #tpu.memory_space<vmem>>
      %gather3A_996 = tpu.memref_squeeze %gather3A_995 : memref<1x32x128xf32, #tpu.memory_space<vmem>> -> memref<32x128xf32, #tpu.memory_space<vmem>>
      %gather3A_997 = tpu.vector_load_idx %gather3A_996[%iota3A, %broadcast_in_dim3A_956] : memref<32x128xf32, #tpu.memory_space<vmem>>[vector<16xi32>, vector<16xi32>], vector<16xf32>,
      %add3A_998 = arith.constant 16 : i32
      %add3A_999 = vector.broadcast %add3A_998 : i32 to vector<16xi32>
      %add3A_1000 = arith.addi %iota3A, %add3A_999 : vector<16xi32>
      %gather3A_1001 = arith.constant 5 : i32
      %gather3A_1002 = arith.constant 0 : i32
      %gather3A_1003 = arith.constant 0 : i32
      %gather3A_1004 = tpu.memref_slice %arg9[%gather3A_1001, %gather3A_1002, %gather3A_1003] : memref<8x32x128xf32, #tpu.memory_space<vmem>> -> memref<1x32x128xf32, #tpu.memory_space<vmem>>
      %gather3A_1005 = tpu.memref_squeeze %gather3A_1004 : memref<1x32x128xf32, #tpu.memory_space<vmem>> -> memref<32x128xf32, #tpu.memory_space<vmem>>
      %gather3A_1006 = tpu.vector_load_idx %gather3A_1005[%add3A_1000, %broadcast_in_dim3A_956] : memref<32x128xf32, #tpu.memory_space<vmem>>[vector<16xi32>, vector<16xi32>], vector<16xf32>,
      %gather3A_1007 = arith.constant 5 : i32
      %gather3A_1008 = arith.constant 0 : i32
      %gather3A_1009 = arith.constant 0 : i32
      %gather3A_1010 = tpu.memref_slice %arg10[%gather3A_1007, %gather3A_1008, %gather3A_1009] : memref<8x32x128xf32, #tpu.memory_space<vmem>> -> memref<1x32x128xf32, #tpu.memory_space<vmem>>
      %gather3A_1011 = tpu.memref_squeeze %gather3A_1010 : memref<1x32x128xf32, #tpu.memory_space<vmem>> -> memref<32x128xf32, #tpu.memory_space<vmem>>
      %gather3A_1012 = tpu.vector_load_idx %gather3A_1011[%iota3A, %broadcast_in_dim3A_961] : memref<32x128xf32, #tpu.memory_space<vmem>>[vector<16xi32>, vector<16xi32>], vector<16xf32>,
      %add3A_1013 = arith.constant 16 : i32
      %add3A_1014 = vector.broadcast %add3A_1013 : i32 to vector<16xi32>
      %add3A_1015 = arith.addi %iota3A, %add3A_1014 : vector<16xi32>
      %gather3A_1016 = arith.constant 5 : i32
      %gather3A_1017 = arith.constant 0 : i32
      %gather3A_1018 = arith.constant 0 : i32
      %gather3A_1019 = tpu.memref_slice %arg10[%gather3A_1016, %gather3A_1017, %gather3A_1018] : memref<8x32x128xf32, #tpu.memory_space<vmem>> -> memref<1x32x128xf32, #tpu.memory_space<vmem>>
      %gather3A_1020 = tpu.memref_squeeze %gather3A_1019 : memref<1x32x128xf32, #tpu.memory_space<vmem>> -> memref<32x128xf32, #tpu.memory_space<vmem>>
      %gather3A_1021 = tpu.vector_load_idx %gather3A_1020[%add3A_1015, %broadcast_in_dim3A_961] : memref<32x128xf32, #tpu.memory_space<vmem>>[vector<16xi32>, vector<16xi32>], vector<16xf32>,
      %mul3A_1022 = arith.mulf %gather3A_997, %gather3A_1012 : vector<16xf32>
      %mul3A_1023 = arith.mulf %gather3A_1006, %gather3A_1021 : vector<16xf32>
      %add3A_1024 = arith.addf %mul3A_1022, %mul3A_1023 : vector<16xf32>
      %reduce_sum3A_1025 = arith.constant true
      %reduce_sum3A_1026 = vector.broadcast %reduce_sum3A_1025 : i1 to vector<16xi1>
      %reduce_sum3A_1027 = tpu.scan <sum>, %add3A_1024 masked %reduce_sum3A_1026 : vector<16xf32>, vector<16xi1> -> vector<16xf32>
      %reduce_sum3A_1028 = vector.extract %reduce_sum3A_1027[15] : f32 from vector<16xf32>
      %eq3A_1029 = arith.constant 5 : i32
      %eq3A_1030 = vector.broadcast %eq3A_1029 : i32 to vector<16xi32>
      %eq3A_1031 = arith.cmpi eq, %iota3A, %eq3A_1030 : vector<16xi32>
      %broadcast_in_dim3A_1032 = vector.broadcast %reduce_sum3A_1028 : f32 to vector<16xf32>
      %select_n3A_1033 = arith.select %eq3A_1031, %broadcast_in_dim3A_1032, %select_n3A_911 : vector<16xi1>, vector<16xf32>
      %slice3A_1034 = vector.extract_strided_slice %get3A_330 {offsets = [13], sizes = [1], strides = [1]} : vector<16xi32> to vector<1xi32>
      %squeeze3A_1035 = vector.extract %slice3A_1034[0] : i32 from vector<1xi32>
      %slice3A_1036 = vector.extract_strided_slice %get3A_334 {offsets = [13], sizes = [1], strides = [1]} : vector<16xi32> to vector<1xi32>
      %squeeze3A_1037 = vector.extract %slice3A_1036[0] : i32 from vector<1xi32>
      %shift_right_arithmetic3A_1038 = arith.constant 7 : i32
      %shift_right_arithmetic3A_1039 = arith.shrsi %squeeze3A_1035, %shift_right_arithmetic3A_1038 : i32
      %mul3A_1040 = arith.constant 128 : i32
      %mul3A_1041 = arith.muli %shift_right_arithmetic3A_1039, %mul3A_1040 : i32
      %multiple_of3A_1042 = tpu.assume_multiple %mul3A_1041, 128 : i32
      %shift_right_arithmetic3A_1043 = arith.constant 7 : i32
      %shift_right_arithmetic3A_1044 = arith.shrsi %squeeze3A_1037, %shift_right_arithmetic3A_1043 : i32
      %mul3A_1045 = arith.constant 128 : i32
      %mul3A_1046 = arith.muli %shift_right_arithmetic3A_1044, %mul3A_1045 : i32
      %multiple_of3A_1047 = tpu.assume_multiple %mul3A_1046, 128 : i32
      %dma_start3A_1048 = arith.constant 5 : i32
      %dma_start3A_1049 = arith.constant 0 : i32
      %dma_start3A_1050 = arith.constant 0 : i32
      %dma_start3A_1051 = tpu.memref_slice %arg9[%dma_start3A_1048, %dma_start3A_1049, %dma_start3A_1050] : memref<8x32x128xf32, #tpu.memory_space<vmem>> -> memref<1x32x128xf32, #tpu.memory_space<vmem>>
      %dma_start3A_1052 = tpu.memref_squeeze %dma_start3A_1051 : memref<1x32x128xf32, #tpu.memory_space<vmem>> -> memref<32x128xf32, #tpu.memory_space<vmem>>
      %dma_start3A_1053 = arith.constant 0 : i32
      %dma_start3A_1054 = tpu.memref_slice %arg4[%dma_start3A_1053, %multiple_of3A_1042] : memref<32x1000000xf32, #tpu.memory_space<hbm>> -> memref<32x128xf32, #tpu.memory_space<hbm>>
      %dma_start3A_1055 = arith.constant 0 : i32
      %dma_start3A_1056 = arith.constant 0 : i32
      %dma_start3A_1057 = tpu.memref_slice %arg9[%dma_start3A_1048, %dma_start3A_1055, %dma_start3A_1056] : memref<8x32x128xf32, #tpu.memory_space<vmem>> -> memref<1x32x128xf32, #tpu.memory_space<vmem>>
      %dma_start3A_1058 = tpu.memref_squeeze %dma_start3A_1057 : memref<1x32x128xf32, #tpu.memory_space<vmem>> -> memref<32x128xf32, #tpu.memory_space<vmem>>
      %dma_start3A_1059 = arith.constant 0 : i32
      %dma_start3A_1060 = tpu.memref_slice %arg4[%dma_start3A_1059, %multiple_of3A_1042] : memref<32x1000000xf32, #tpu.memory_space<hbm>> -> memref<32x128xf32, #tpu.memory_space<hbm>>
      tpu.enqueue_dma source(%dma_start3A_1060 : memref<32x128xf32, #tpu.memory_space<hbm>>) target(%dma_start3A_1058 : memref<32x128xf32, #tpu.memory_space<vmem>>) target_semaphore(%arg12 : memref<!tpu.dma_semaphore, #tpu.memory_space<semaphore_mem>>)
      %dma_start3A_1061 = arith.constant 5 : i32
      %dma_start3A_1062 = arith.constant 0 : i32
      %dma_start3A_1063 = arith.constant 0 : i32
      %dma_start3A_1064 = tpu.memref_slice %arg10[%dma_start3A_1061, %dma_start3A_1062, %dma_start3A_1063] : memref<8x32x128xf32, #tpu.memory_space<vmem>> -> memref<1x32x128xf32, #tpu.memory_space<vmem>>
      %dma_start3A_1065 = tpu.memref_squeeze %dma_start3A_1064 : memref<1x32x128xf32, #tpu.memory_space<vmem>> -> memref<32x128xf32, #tpu.memory_space<vmem>>
      %dma_start3A_1066 = arith.constant 0 : i32
      %dma_start3A_1067 = tpu.memref_slice %arg5[%dma_start3A_1066, %multiple_of3A_1047] : memref<32x1000000xf32, #tpu.memory_space<hbm>> -> memref<32x128xf32, #tpu.memory_space<hbm>>
      %dma_start3A_1068 = arith.constant 0 : i32
      %dma_start3A_1069 = arith.constant 0 : i32
      %dma_start3A_1070 = tpu.memref_slice %arg10[%dma_start3A_1061, %dma_start3A_1068, %dma_start3A_1069] : memref<8x32x128xf32, #tpu.memory_space<vmem>> -> memref<1x32x128xf32, #tpu.memory_space<vmem>>
      %dma_start3A_1071 = tpu.memref_squeeze %dma_start3A_1070 : memref<1x32x128xf32, #tpu.memory_space<vmem>> -> memref<32x128xf32, #tpu.memory_space<vmem>>
      %dma_start3A_1072 = arith.constant 0 : i32
      %dma_start3A_1073 = tpu.memref_slice %arg5[%dma_start3A_1072, %multiple_of3A_1047] : memref<32x1000000xf32, #tpu.memory_space<hbm>> -> memref<32x128xf32, #tpu.memory_space<hbm>>
      tpu.enqueue_dma source(%dma_start3A_1073 : memref<32x128xf32, #tpu.memory_space<hbm>>) target(%dma_start3A_1071 : memref<32x128xf32, #tpu.memory_space<vmem>>) target_semaphore(%arg13 : memref<!tpu.dma_semaphore, #tpu.memory_space<semaphore_mem>>)
      %slice3A_1074 = vector.extract_strided_slice %get3A_330 {offsets = [6], sizes = [1], strides = [1]} : vector<16xi32> to vector<1xi32>
      %squeeze3A_1075 = vector.extract %slice3A_1074[0] : i32 from vector<1xi32>
      %and3A_1076 = arith.constant 127 : i32
      %and3A_1077 = arith.andi %squeeze3A_1075, %and3A_1076 : i32
      %broadcast_in_dim3A_1078 = vector.broadcast %and3A_1077 : i32 to vector<16xi32>
      %slice3A_1079 = vector.extract_strided_slice %get3A_334 {offsets = [6], sizes = [1], strides = [1]} : vector<16xi32> to vector<1xi32>
      %squeeze3A_1080 = vector.extract %slice3A_1079[0] : i32 from vector<1xi32>
      %and3A_1081 = arith.constant 127 : i32
      %and3A_1082 = arith.andi %squeeze3A_1080, %and3A_1081 : i32
      %broadcast_in_dim3A_1083 = vector.broadcast %and3A_1082 : i32 to vector<16xi32>
      %dma_wait3A_1084 = arith.constant 6 : i32
      %dma_wait3A_1085 = arith.constant 0 : i32
      %dma_wait3A_1086 = arith.constant 0 : i32
      %dma_wait3A_1087 = tpu.memref_slice %arg9[%dma_wait3A_1084, %dma_wait3A_1085, %dma_wait3A_1086] : memref<8x32x128xf32, #tpu.memory_space<vmem>> -> memref<1x32x128xf32, #tpu.memory_space<vmem>>
      %dma_wait3A_1088 = tpu.memref_squeeze %dma_wait3A_1087 : memref<1x32x128xf32, #tpu.memory_space<vmem>> -> memref<32x128xf32, #tpu.memory_space<vmem>>
      %dma_wait3A_1089 = arith.constant 0 : i32
      %dma_wait3A_1090 = arith.constant 0 : i32
      %dma_wait3A_1091 = tpu.memref_slice %arg4[%dma_wait3A_1089, %dma_wait3A_1090] : memref<32x1000000xf32, #tpu.memory_space<hbm>> -> memref<32x128xf32, #tpu.memory_space<hbm>>
      %dma_wait3A_1092 = arith.constant 0 : i32
      %dma_wait3A_1093 = arith.constant 0 : i32
      %dma_wait3A_1094 = tpu.memref_slice %arg9[%dma_wait3A_1084, %dma_wait3A_1092, %dma_wait3A_1093] : memref<8x32x128xf32, #tpu.memory_space<vmem>> -> memref<1x32x128xf32, #tpu.memory_space<vmem>>
      %dma_wait3A_1095 = tpu.memref_squeeze %dma_wait3A_1094 : memref<1x32x128xf32, #tpu.memory_space<vmem>> -> memref<32x128xf32, #tpu.memory_space<vmem>>
      %dma_wait3A_1096 = arith.constant 0 : i32
      %dma_wait3A_1097 = arith.constant 0 : i32
      %dma_wait3A_1098 = tpu.memref_slice %arg4[%dma_wait3A_1096, %dma_wait3A_1097] : memref<32x1000000xf32, #tpu.memory_space<hbm>> -> memref<32x128xf32, #tpu.memory_space<hbm>>
      tpu.wait_dma2 semaphore(%arg12 : memref<!tpu.dma_semaphore, #tpu.memory_space<semaphore_mem>>) src(%dma_wait3A_1098 : memref<32x128xf32, #tpu.memory_space<hbm>>) dst(%dma_wait3A_1095 : memref<32x128xf32, #tpu.memory_space<vmem>>)
      %dma_wait3A_1099 = arith.constant 6 : i32
      %dma_wait3A_1100 = arith.constant 0 : i32
      %dma_wait3A_1101 = arith.constant 0 : i32
      %dma_wait3A_1102 = tpu.memref_slice %arg10[%dma_wait3A_1099, %dma_wait3A_1100, %dma_wait3A_1101] : memref<8x32x128xf32, #tpu.memory_space<vmem>> -> memref<1x32x128xf32, #tpu.memory_space<vmem>>
      %dma_wait3A_1103 = tpu.memref_squeeze %dma_wait3A_1102 : memref<1x32x128xf32, #tpu.memory_space<vmem>> -> memref<32x128xf32, #tpu.memory_space<vmem>>
      %dma_wait3A_1104 = arith.constant 0 : i32
      %dma_wait3A_1105 = arith.constant 0 : i32
      %dma_wait3A_1106 = tpu.memref_slice %arg5[%dma_wait3A_1104, %dma_wait3A_1105] : memref<32x1000000xf32, #tpu.memory_space<hbm>> -> memref<32x128xf32, #tpu.memory_space<hbm>>
      %dma_wait3A_1107 = arith.constant 0 : i32
      %dma_wait3A_1108 = arith.constant 0 : i32
      %dma_wait3A_1109 = tpu.memref_slice %arg10[%dma_wait3A_1099, %dma_wait3A_1107, %dma_wait3A_1108] : memref<8x32x128xf32, #tpu.memory_space<vmem>> -> memref<1x32x128xf32, #tpu.memory_space<vmem>>
      %dma_wait3A_1110 = tpu.memref_squeeze %dma_wait3A_1109 : memref<1x32x128xf32, #tpu.memory_space<vmem>> -> memref<32x128xf32, #tpu.memory_space<vmem>>
      %dma_wait3A_1111 = arith.constant 0 : i32
      %dma_wait3A_1112 = arith.constant 0 : i32
      %dma_wait3A_1113 = tpu.memref_slice %arg5[%dma_wait3A_1111, %dma_wait3A_1112] : memref<32x1000000xf32, #tpu.memory_space<hbm>> -> memref<32x128xf32, #tpu.memory_space<hbm>>
      tpu.wait_dma2 semaphore(%arg13 : memref<!tpu.dma_semaphore, #tpu.memory_space<semaphore_mem>>) src(%dma_wait3A_1113 : memref<32x128xf32, #tpu.memory_space<hbm>>) dst(%dma_wait3A_1110 : memref<32x128xf32, #tpu.memory_space<vmem>>)
      %gather3A_1114 = arith.constant 6 : i32
      %gather3A_1115 = arith.constant 0 : i32
      %gather3A_1116 = arith.constant 0 : i32
      %gather3A_1117 = tpu.memref_slice %arg9[%gather3A_1114, %gather3A_1115, %gather3A_1116] : memref<8x32x128xf32, #tpu.memory_space<vmem>> -> memref<1x32x128xf32, #tpu.memory_space<vmem>>
      %gather3A_1118 = tpu.memref_squeeze %gather3A_1117 : memref<1x32x128xf32, #tpu.memory_space<vmem>> -> memref<32x128xf32, #tpu.memory_space<vmem>>
      %gather3A_1119 = tpu.vector_load_idx %gather3A_1118[%iota3A, %broadcast_in_dim3A_1078] : memref<32x128xf32, #tpu.memory_space<vmem>>[vector<16xi32>, vector<16xi32>], vector<16xf32>,
      %add3A_1120 = arith.constant 16 : i32
      %add3A_1121 = vector.broadcast %add3A_1120 : i32 to vector<16xi32>
      %add3A_1122 = arith.addi %iota3A, %add3A_1121 : vector<16xi32>
      %gather3A_1123 = arith.constant 6 : i32
      %gather3A_1124 = arith.constant 0 : i32
      %gather3A_1125 = arith.constant 0 : i32
      %gather3A_1126 = tpu.memref_slice %arg9[%gather3A_1123, %gather3A_1124, %gather3A_1125] : memref<8x32x128xf32, #tpu.memory_space<vmem>> -> memref<1x32x128xf32, #tpu.memory_space<vmem>>
      %gather3A_1127 = tpu.memref_squeeze %gather3A_1126 : memref<1x32x128xf32, #tpu.memory_space<vmem>> -> memref<32x128xf32, #tpu.memory_space<vmem>>
      %gather3A_1128 = tpu.vector_load_idx %gather3A_1127[%add3A_1122, %broadcast_in_dim3A_1078] : memref<32x128xf32, #tpu.memory_space<vmem>>[vector<16xi32>, vector<16xi32>], vector<16xf32>,
      %gather3A_1129 = arith.constant 6 : i32
      %gather3A_1130 = arith.constant 0 : i32
      %gather3A_1131 = arith.constant 0 : i32
      %gather3A_1132 = tpu.memref_slice %arg10[%gather3A_1129, %gather3A_1130, %gather3A_1131] : memref<8x32x128xf32, #tpu.memory_space<vmem>> -> memref<1x32x128xf32, #tpu.memory_space<vmem>>
      %gather3A_1133 = tpu.memref_squeeze %gather3A_1132 : memref<1x32x128xf32, #tpu.memory_space<vmem>> -> memref<32x128xf32, #tpu.memory_space<vmem>>
      %gather3A_1134 = tpu.vector_load_idx %gather3A_1133[%iota3A, %broadcast_in_dim3A_1083] : memref<32x128xf32, #tpu.memory_space<vmem>>[vector<16xi32>, vector<16xi32>], vector<16xf32>,
      %add3A_1135 = arith.constant 16 : i32
      %add3A_1136 = vector.broadcast %add3A_1135 : i32 to vector<16xi32>
      %add3A_1137 = arith.addi %iota3A, %add3A_1136 : vector<16xi32>
      %gather3A_1138 = arith.constant 6 : i32
      %gather3A_1139 = arith.constant 0 : i32
      %gather3A_1140 = arith.constant 0 : i32
      %gather3A_1141 = tpu.memref_slice %arg10[%gather3A_1138, %gather3A_1139, %gather3A_1140] : memref<8x32x128xf32, #tpu.memory_space<vmem>> -> memref<1x32x128xf32, #tpu.memory_space<vmem>>
      %gather3A_1142 = tpu.memref_squeeze %gather3A_1141 : memref<1x32x128xf32, #tpu.memory_space<vmem>> -> memref<32x128xf32, #tpu.memory_space<vmem>>
      %gather3A_1143 = tpu.vector_load_idx %gather3A_1142[%add3A_1137, %broadcast_in_dim3A_1083] : memref<32x128xf32, #tpu.memory_space<vmem>>[vector<16xi32>, vector<16xi32>], vector<16xf32>,
      %mul3A_1144 = arith.mulf %gather3A_1119, %gather3A_1134 : vector<16xf32>
      %mul3A_1145 = arith.mulf %gather3A_1128, %gather3A_1143 : vector<16xf32>
      %add3A_1146 = arith.addf %mul3A_1144, %mul3A_1145 : vector<16xf32>
      %reduce_sum3A_1147 = arith.constant true
      %reduce_sum3A_1148 = vector.broadcast %reduce_sum3A_1147 : i1 to vector<16xi1>
      %reduce_sum3A_1149 = tpu.scan <sum>, %add3A_1146 masked %reduce_sum3A_1148 : vector<16xf32>, vector<16xi1> -> vector<16xf32>
      %reduce_sum3A_1150 = vector.extract %reduce_sum3A_1149[15] : f32 from vector<16xf32>
      %eq3A_1151 = arith.constant 6 : i32
      %eq3A_1152 = vector.broadcast %eq3A_1151 : i32 to vector<16xi32>
      %eq3A_1153 = arith.cmpi eq, %iota3A, %eq3A_1152 : vector<16xi32>
      %broadcast_in_dim3A_1154 = vector.broadcast %reduce_sum3A_1150 : f32 to vector<16xf32>
      %select_n3A_1155 = arith.select %eq3A_1153, %broadcast_in_dim3A_1154, %select_n3A_1033 : vector<16xi1>, vector<16xf32>
      %slice3A_1156 = vector.extract_strided_slice %get3A_330 {offsets = [14], sizes = [1], strides = [1]} : vector<16xi32> to vector<1xi32>
      %squeeze3A_1157 = vector.extract %slice3A_1156[0] : i32 from vector<1xi32>
      %slice3A_1158 = vector.extract_strided_slice %get3A_334 {offsets = [14], sizes = [1], strides = [1]} : vector<16xi32> to vector<1xi32>
      %squeeze3A_1159 = vector.extract %slice3A_1158[0] : i32 from vector<1xi32>
      %shift_right_arithmetic3A_1160 = arith.constant 7 : i32
      %shift_right_arithmetic3A_1161 = arith.shrsi %squeeze3A_1157, %shift_right_arithmetic3A_1160 : i32
      %mul3A_1162 = arith.constant 128 : i32
      %mul3A_1163 = arith.muli %shift_right_arithmetic3A_1161, %mul3A_1162 : i32
      %multiple_of3A_1164 = tpu.assume_multiple %mul3A_1163, 128 : i32
      %shift_right_arithmetic3A_1165 = arith.constant 7 : i32
      %shift_right_arithmetic3A_1166 = arith.shrsi %squeeze3A_1159, %shift_right_arithmetic3A_1165 : i32
      %mul3A_1167 = arith.constant 128 : i32
      %mul3A_1168 = arith.muli %shift_right_arithmetic3A_1166, %mul3A_1167 : i32
      %multiple_of3A_1169 = tpu.assume_multiple %mul3A_1168, 128 : i32
      %dma_start3A_1170 = arith.constant 6 : i32
      %dma_start3A_1171 = arith.constant 0 : i32
      %dma_start3A_1172 = arith.constant 0 : i32
      %dma_start3A_1173 = tpu.memref_slice %arg9[%dma_start3A_1170, %dma_start3A_1171, %dma_start3A_1172] : memref<8x32x128xf32, #tpu.memory_space<vmem>> -> memref<1x32x128xf32, #tpu.memory_space<vmem>>
      %dma_start3A_1174 = tpu.memref_squeeze %dma_start3A_1173 : memref<1x32x128xf32, #tpu.memory_space<vmem>> -> memref<32x128xf32, #tpu.memory_space<vmem>>
      %dma_start3A_1175 = arith.constant 0 : i32
      %dma_start3A_1176 = tpu.memref_slice %arg4[%dma_start3A_1175, %multiple_of3A_1164] : memref<32x1000000xf32, #tpu.memory_space<hbm>> -> memref<32x128xf32, #tpu.memory_space<hbm>>
      %dma_start3A_1177 = arith.constant 0 : i32
      %dma_start3A_1178 = arith.constant 0 : i32
      %dma_start3A_1179 = tpu.memref_slice %arg9[%dma_start3A_1170, %dma_start3A_1177, %dma_start3A_1178] : memref<8x32x128xf32, #tpu.memory_space<vmem>> -> memref<1x32x128xf32, #tpu.memory_space<vmem>>
      %dma_start3A_1180 = tpu.memref_squeeze %dma_start3A_1179 : memref<1x32x128xf32, #tpu.memory_space<vmem>> -> memref<32x128xf32, #tpu.memory_space<vmem>>
      %dma_start3A_1181 = arith.constant 0 : i32
      %dma_start3A_1182 = tpu.memref_slice %arg4[%dma_start3A_1181, %multiple_of3A_1164] : memref<32x1000000xf32, #tpu.memory_space<hbm>> -> memref<32x128xf32, #tpu.memory_space<hbm>>
      tpu.enqueue_dma source(%dma_start3A_1182 : memref<32x128xf32, #tpu.memory_space<hbm>>) target(%dma_start3A_1180 : memref<32x128xf32, #tpu.memory_space<vmem>>) target_semaphore(%arg12 : memref<!tpu.dma_semaphore, #tpu.memory_space<semaphore_mem>>)
      %dma_start3A_1183 = arith.constant 6 : i32
      %dma_start3A_1184 = arith.constant 0 : i32
      %dma_start3A_1185 = arith.constant 0 : i32
      %dma_start3A_1186 = tpu.memref_slice %arg10[%dma_start3A_1183, %dma_start3A_1184, %dma_start3A_1185] : memref<8x32x128xf32, #tpu.memory_space<vmem>> -> memref<1x32x128xf32, #tpu.memory_space<vmem>>
      %dma_start3A_1187 = tpu.memref_squeeze %dma_start3A_1186 : memref<1x32x128xf32, #tpu.memory_space<vmem>> -> memref<32x128xf32, #tpu.memory_space<vmem>>
      %dma_start3A_1188 = arith.constant 0 : i32
      %dma_start3A_1189 = tpu.memref_slice %arg5[%dma_start3A_1188, %multiple_of3A_1169] : memref<32x1000000xf32, #tpu.memory_space<hbm>> -> memref<32x128xf32, #tpu.memory_space<hbm>>
      %dma_start3A_1190 = arith.constant 0 : i32
      %dma_start3A_1191 = arith.constant 0 : i32
      %dma_start3A_1192 = tpu.memref_slice %arg10[%dma_start3A_1183, %dma_start3A_1190, %dma_start3A_1191] : memref<8x32x128xf32, #tpu.memory_space<vmem>> -> memref<1x32x128xf32, #tpu.memory_space<vmem>>
      %dma_start3A_1193 = tpu.memref_squeeze %dma_start3A_1192 : memref<1x32x128xf32, #tpu.memory_space<vmem>> -> memref<32x128xf32, #tpu.memory_space<vmem>>
      %dma_start3A_1194 = arith.constant 0 : i32
      %dma_start3A_1195 = tpu.memref_slice %arg5[%dma_start3A_1194, %multiple_of3A_1169] : memref<32x1000000xf32, #tpu.memory_space<hbm>> -> memref<32x128xf32, #tpu.memory_space<hbm>>
      tpu.enqueue_dma source(%dma_start3A_1195 : memref<32x128xf32, #tpu.memory_space<hbm>>) target(%dma_start3A_1193 : memref<32x128xf32, #tpu.memory_space<vmem>>) target_semaphore(%arg13 : memref<!tpu.dma_semaphore, #tpu.memory_space<semaphore_mem>>)
      %slice3A_1196 = vector.extract_strided_slice %get3A_330 {offsets = [7], sizes = [1], strides = [1]} : vector<16xi32> to vector<1xi32>
      %squeeze3A_1197 = vector.extract %slice3A_1196[0] : i32 from vector<1xi32>
      %and3A_1198 = arith.constant 127 : i32
      %and3A_1199 = arith.andi %squeeze3A_1197, %and3A_1198 : i32
      %broadcast_in_dim3A_1200 = vector.broadcast %and3A_1199 : i32 to vector<16xi32>
      %slice3A_1201 = vector.extract_strided_slice %get3A_334 {offsets = [7], sizes = [1], strides = [1]} : vector<16xi32> to vector<1xi32>
      %squeeze3A_1202 = vector.extract %slice3A_1201[0] : i32 from vector<1xi32>
      %and3A_1203 = arith.constant 127 : i32
      %and3A_1204 = arith.andi %squeeze3A_1202, %and3A_1203 : i32
      %broadcast_in_dim3A_1205 = vector.broadcast %and3A_1204 : i32 to vector<16xi32>
      %dma_wait3A_1206 = arith.constant 7 : i32
      %dma_wait3A_1207 = arith.constant 0 : i32
      %dma_wait3A_1208 = arith.constant 0 : i32
      %dma_wait3A_1209 = tpu.memref_slice %arg9[%dma_wait3A_1206, %dma_wait3A_1207, %dma_wait3A_1208] : memref<8x32x128xf32, #tpu.memory_space<vmem>> -> memref<1x32x128xf32, #tpu.memory_space<vmem>>
      %dma_wait3A_1210 = tpu.memref_squeeze %dma_wait3A_1209 : memref<1x32x128xf32, #tpu.memory_space<vmem>> -> memref<32x128xf32, #tpu.memory_space<vmem>>
      %dma_wait3A_1211 = arith.constant 0 : i32
      %dma_wait3A_1212 = arith.constant 0 : i32
      %dma_wait3A_1213 = tpu.memref_slice %arg4[%dma_wait3A_1211, %dma_wait3A_1212] : memref<32x1000000xf32, #tpu.memory_space<hbm>> -> memref<32x128xf32, #tpu.memory_space<hbm>>
      %dma_wait3A_1214 = arith.constant 0 : i32
      %dma_wait3A_1215 = arith.constant 0 : i32
      %dma_wait3A_1216 = tpu.memref_slice %arg9[%dma_wait3A_1206, %dma_wait3A_1214, %dma_wait3A_1215] : memref<8x32x128xf32, #tpu.memory_space<vmem>> -> memref<1x32x128xf32, #tpu.memory_space<vmem>>
      %dma_wait3A_1217 = tpu.memref_squeeze %dma_wait3A_1216 : memref<1x32x128xf32, #tpu.memory_space<vmem>> -> memref<32x128xf32, #tpu.memory_space<vmem>>
      %dma_wait3A_1218 = arith.constant 0 : i32
      %dma_wait3A_1219 = arith.constant 0 : i32
      %dma_wait3A_1220 = tpu.memref_slice %arg4[%dma_wait3A_1218, %dma_wait3A_1219] : memref<32x1000000xf32, #tpu.memory_space<hbm>> -> memref<32x128xf32, #tpu.memory_space<hbm>>
      tpu.wait_dma2 semaphore(%arg12 : memref<!tpu.dma_semaphore, #tpu.memory_space<semaphore_mem>>) src(%dma_wait3A_1220 : memref<32x128xf32, #tpu.memory_space<hbm>>) dst(%dma_wait3A_1217 : memref<32x128xf32, #tpu.memory_space<vmem>>)
      %dma_wait3A_1221 = arith.constant 7 : i32
      %dma_wait3A_1222 = arith.constant 0 : i32
      %dma_wait3A_1223 = arith.constant 0 : i32
      %dma_wait3A_1224 = tpu.memref_slice %arg10[%dma_wait3A_1221, %dma_wait3A_1222, %dma_wait3A_1223] : memref<8x32x128xf32, #tpu.memory_space<vmem>> -> memref<1x32x128xf32, #tpu.memory_space<vmem>>
      %dma_wait3A_1225 = tpu.memref_squeeze %dma_wait3A_1224 : memref<1x32x128xf32, #tpu.memory_space<vmem>> -> memref<32x128xf32, #tpu.memory_space<vmem>>
      %dma_wait3A_1226 = arith.constant 0 : i32
      %dma_wait3A_1227 = arith.constant 0 : i32
      %dma_wait3A_1228 = tpu.memref_slice %arg5[%dma_wait3A_1226, %dma_wait3A_1227] : memref<32x1000000xf32, #tpu.memory_space<hbm>> -> memref<32x128xf32, #tpu.memory_space<hbm>>
      %dma_wait3A_1229 = arith.constant 0 : i32
      %dma_wait3A_1230 = arith.constant 0 : i32
      %dma_wait3A_1231 = tpu.memref_slice %arg10[%dma_wait3A_1221, %dma_wait3A_1229, %dma_wait3A_1230] : memref<8x32x128xf32, #tpu.memory_space<vmem>> -> memref<1x32x128xf32, #tpu.memory_space<vmem>>
      %dma_wait3A_1232 = tpu.memref_squeeze %dma_wait3A_1231 : memref<1x32x128xf32, #tpu.memory_space<vmem>> -> memref<32x128xf32, #tpu.memory_space<vmem>>
      %dma_wait3A_1233 = arith.constant 0 : i32
      %dma_wait3A_1234 = arith.constant 0 : i32
      %dma_wait3A_1235 = tpu.memref_slice %arg5[%dma_wait3A_1233, %dma_wait3A_1234] : memref<32x1000000xf32, #tpu.memory_space<hbm>> -> memref<32x128xf32, #tpu.memory_space<hbm>>
      tpu.wait_dma2 semaphore(%arg13 : memref<!tpu.dma_semaphore, #tpu.memory_space<semaphore_mem>>) src(%dma_wait3A_1235 : memref<32x128xf32, #tpu.memory_space<hbm>>) dst(%dma_wait3A_1232 : memref<32x128xf32, #tpu.memory_space<vmem>>)
      %gather3A_1236 = arith.constant 7 : i32
      %gather3A_1237 = arith.constant 0 : i32
      %gather3A_1238 = arith.constant 0 : i32
      %gather3A_1239 = tpu.memref_slice %arg9[%gather3A_1236, %gather3A_1237, %gather3A_1238] : memref<8x32x128xf32, #tpu.memory_space<vmem>> -> memref<1x32x128xf32, #tpu.memory_space<vmem>>
      %gather3A_1240 = tpu.memref_squeeze %gather3A_1239 : memref<1x32x128xf32, #tpu.memory_space<vmem>> -> memref<32x128xf32, #tpu.memory_space<vmem>>
      %gather3A_1241 = tpu.vector_load_idx %gather3A_1240[%iota3A, %broadcast_in_dim3A_1200] : memref<32x128xf32, #tpu.memory_space<vmem>>[vector<16xi32>, vector<16xi32>], vector<16xf32>,
      %add3A_1242 = arith.constant 16 : i32
      %add3A_1243 = vector.broadcast %add3A_1242 : i32 to vector<16xi32>
      %add3A_1244 = arith.addi %iota3A, %add3A_1243 : vector<16xi32>
      %gather3A_1245 = arith.constant 7 : i32
      %gather3A_1246 = arith.constant 0 : i32
      %gather3A_1247 = arith.constant 0 : i32
      %gather3A_1248 = tpu.memref_slice %arg9[%gather3A_1245, %gather3A_1246, %gather3A_1247] : memref<8x32x128xf32, #tpu.memory_space<vmem>> -> memref<1x32x128xf32, #tpu.memory_space<vmem>>
      %gather3A_1249 = tpu.memref_squeeze %gather3A_1248 : memref<1x32x128xf32, #tpu.memory_space<vmem>> -> memref<32x128xf32, #tpu.memory_space<vmem>>
      %gather3A_1250 = tpu.vector_load_idx %gather3A_1249[%add3A_1244, %broadcast_in_dim3A_1200] : memref<32x128xf32, #tpu.memory_space<vmem>>[vector<16xi32>, vector<16xi32>], vector<16xf32>,
      %gather3A_1251 = arith.constant 7 : i32
      %gather3A_1252 = arith.constant 0 : i32
      %gather3A_1253 = arith.constant 0 : i32
      %gather3A_1254 = tpu.memref_slice %arg10[%gather3A_1251, %gather3A_1252, %gather3A_1253] : memref<8x32x128xf32, #tpu.memory_space<vmem>> -> memref<1x32x128xf32, #tpu.memory_space<vmem>>
      %gather3A_1255 = tpu.memref_squeeze %gather3A_1254 : memref<1x32x128xf32, #tpu.memory_space<vmem>> -> memref<32x128xf32, #tpu.memory_space<vmem>>
      %gather3A_1256 = tpu.vector_load_idx %gather3A_1255[%iota3A, %broadcast_in_dim3A_1205] : memref<32x128xf32, #tpu.memory_space<vmem>>[vector<16xi32>, vector<16xi32>], vector<16xf32>,
      %add3A_1257 = arith.constant 16 : i32
      %add3A_1258 = vector.broadcast %add3A_1257 : i32 to vector<16xi32>
      %add3A_1259 = arith.addi %iota3A, %add3A_1258 : vector<16xi32>
      %gather3A_1260 = arith.constant 7 : i32
      %gather3A_1261 = arith.constant 0 : i32
      %gather3A_1262 = arith.constant 0 : i32
      %gather3A_1263 = tpu.memref_slice %arg10[%gather3A_1260, %gather3A_1261, %gather3A_1262] : memref<8x32x128xf32, #tpu.memory_space<vmem>> -> memref<1x32x128xf32, #tpu.memory_space<vmem>>
      %gather3A_1264 = tpu.memref_squeeze %gather3A_1263 : memref<1x32x128xf32, #tpu.memory_space<vmem>> -> memref<32x128xf32, #tpu.memory_space<vmem>>
      %gather3A_1265 = tpu.vector_load_idx %gather3A_1264[%add3A_1259, %broadcast_in_dim3A_1205] : memref<32x128xf32, #tpu.memory_space<vmem>>[vector<16xi32>, vector<16xi32>], vector<16xf32>,
      %mul3A_1266 = arith.mulf %gather3A_1241, %gather3A_1256 : vector<16xf32>
      %mul3A_1267 = arith.mulf %gather3A_1250, %gather3A_1265 : vector<16xf32>
      %add3A_1268 = arith.addf %mul3A_1266, %mul3A_1267 : vector<16xf32>
      %reduce_sum3A_1269 = arith.constant true
      %reduce_sum3A_1270 = vector.broadcast %reduce_sum3A_1269 : i1 to vector<16xi1>
      %reduce_sum3A_1271 = tpu.scan <sum>, %add3A_1268 masked %reduce_sum3A_1270 : vector<16xf32>, vector<16xi1> -> vector<16xf32>
      %reduce_sum3A_1272 = vector.extract %reduce_sum3A_1271[15] : f32 from vector<16xf32>
      %eq3A_1273 = arith.constant 7 : i32
      %eq3A_1274 = vector.broadcast %eq3A_1273 : i32 to vector<16xi32>
      %eq3A_1275 = arith.cmpi eq, %iota3A, %eq3A_1274 : vector<16xi32>
      %broadcast_in_dim3A_1276 = vector.broadcast %reduce_sum3A_1272 : f32 to vector<16xf32>
      %select_n3A_1277 = arith.select %eq3A_1275, %broadcast_in_dim3A_1276, %select_n3A_1155 : vector<16xi1>, vector<16xf32>
      %slice3A_1278 = vector.extract_strided_slice %get3A_330 {offsets = [15], sizes = [1], strides = [1]} : vector<16xi32> to vector<1xi32>
      %squeeze3A_1279 = vector.extract %slice3A_1278[0] : i32 from vector<1xi32>
      %slice3A_1280 = vector.extract_strided_slice %get3A_334 {offsets = [15], sizes = [1], strides = [1]} : vector<16xi32> to vector<1xi32>
      %squeeze3A_1281 = vector.extract %slice3A_1280[0] : i32 from vector<1xi32>
      %shift_right_arithmetic3A_1282 = arith.constant 7 : i32
      %shift_right_arithmetic3A_1283 = arith.shrsi %squeeze3A_1279, %shift_right_arithmetic3A_1282 : i32
      %mul3A_1284 = arith.constant 128 : i32
      %mul3A_1285 = arith.muli %shift_right_arithmetic3A_1283, %mul3A_1284 : i32
      %multiple_of3A_1286 = tpu.assume_multiple %mul3A_1285, 128 : i32
      %shift_right_arithmetic3A_1287 = arith.constant 7 : i32
      %shift_right_arithmetic3A_1288 = arith.shrsi %squeeze3A_1281, %shift_right_arithmetic3A_1287 : i32
      %mul3A_1289 = arith.constant 128 : i32
      %mul3A_1290 = arith.muli %shift_right_arithmetic3A_1288, %mul3A_1289 : i32
      %multiple_of3A_1291 = tpu.assume_multiple %mul3A_1290, 128 : i32
      %dma_start3A_1292 = arith.constant 7 : i32
      %dma_start3A_1293 = arith.constant 0 : i32
      %dma_start3A_1294 = arith.constant 0 : i32
      %dma_start3A_1295 = tpu.memref_slice %arg9[%dma_start3A_1292, %dma_start3A_1293, %dma_start3A_1294] : memref<8x32x128xf32, #tpu.memory_space<vmem>> -> memref<1x32x128xf32, #tpu.memory_space<vmem>>
      %dma_start3A_1296 = tpu.memref_squeeze %dma_start3A_1295 : memref<1x32x128xf32, #tpu.memory_space<vmem>> -> memref<32x128xf32, #tpu.memory_space<vmem>>
      %dma_start3A_1297 = arith.constant 0 : i32
      %dma_start3A_1298 = tpu.memref_slice %arg4[%dma_start3A_1297, %multiple_of3A_1286] : memref<32x1000000xf32, #tpu.memory_space<hbm>> -> memref<32x128xf32, #tpu.memory_space<hbm>>
      %dma_start3A_1299 = arith.constant 0 : i32
      %dma_start3A_1300 = arith.constant 0 : i32
      %dma_start3A_1301 = tpu.memref_slice %arg9[%dma_start3A_1292, %dma_start3A_1299, %dma_start3A_1300] : memref<8x32x128xf32, #tpu.memory_space<vmem>> -> memref<1x32x128xf32, #tpu.memory_space<vmem>>
      %dma_start3A_1302 = tpu.memref_squeeze %dma_start3A_1301 : memref<1x32x128xf32, #tpu.memory_space<vmem>> -> memref<32x128xf32, #tpu.memory_space<vmem>>
      %dma_start3A_1303 = arith.constant 0 : i32
      %dma_start3A_1304 = tpu.memref_slice %arg4[%dma_start3A_1303, %multiple_of3A_1286] : memref<32x1000000xf32, #tpu.memory_space<hbm>> -> memref<32x128xf32, #tpu.memory_space<hbm>>
      tpu.enqueue_dma source(%dma_start3A_1304 : memref<32x128xf32, #tpu.memory_space<hbm>>) target(%dma_start3A_1302 : memref<32x128xf32, #tpu.memory_space<vmem>>) target_semaphore(%arg12 : memref<!tpu.dma_semaphore, #tpu.memory_space<semaphore_mem>>)
      %dma_start3A_1305 = arith.constant 7 : i32
      %dma_start3A_1306 = arith.constant 0 : i32
      %dma_start3A_1307 = arith.constant 0 : i32
      %dma_start3A_1308 = tpu.memref_slice %arg10[%dma_start3A_1305, %dma_start3A_1306, %dma_start3A_1307] : memref<8x32x128xf32, #tpu.memory_space<vmem>> -> memref<1x32x128xf32, #tpu.memory_space<vmem>>
      %dma_start3A_1309 = tpu.memref_squeeze %dma_start3A_1308 : memref<1x32x128xf32, #tpu.memory_space<vmem>> -> memref<32x128xf32, #tpu.memory_space<vmem>>
      %dma_start3A_1310 = arith.constant 0 : i32
      %dma_start3A_1311 = tpu.memref_slice %arg5[%dma_start3A_1310, %multiple_of3A_1291] : memref<32x1000000xf32, #tpu.memory_space<hbm>> -> memref<32x128xf32, #tpu.memory_space<hbm>>
      %dma_start3A_1312 = arith.constant 0 : i32
      %dma_start3A_1313 = arith.constant 0 : i32
      %dma_start3A_1314 = tpu.memref_slice %arg10[%dma_start3A_1305, %dma_start3A_1312, %dma_start3A_1313] : memref<8x32x128xf32, #tpu.memory_space<vmem>> -> memref<1x32x128xf32, #tpu.memory_space<vmem>>
      %dma_start3A_1315 = tpu.memref_squeeze %dma_start3A_1314 : memref<1x32x128xf32, #tpu.memory_space<vmem>> -> memref<32x128xf32, #tpu.memory_space<vmem>>
      %dma_start3A_1316 = arith.constant 0 : i32
      %dma_start3A_1317 = tpu.memref_slice %arg5[%dma_start3A_1316, %multiple_of3A_1291] : memref<32x1000000xf32, #tpu.memory_space<hbm>> -> memref<32x128xf32, #tpu.memory_space<hbm>>
      tpu.enqueue_dma source(%dma_start3A_1317 : memref<32x128xf32, #tpu.memory_space<hbm>>) target(%dma_start3A_1315 : memref<32x128xf32, #tpu.memory_space<vmem>>) target_semaphore(%arg13 : memref<!tpu.dma_semaphore, #tpu.memory_space<semaphore_mem>>)
      %slice3A_1318 = vector.extract_strided_slice %get3A_330 {offsets = [8], sizes = [1], strides = [1]} : vector<16xi32> to vector<1xi32>
      %squeeze3A_1319 = vector.extract %slice3A_1318[0] : i32 from vector<1xi32>
      %and3A_1320 = arith.constant 127 : i32
      %and3A_1321 = arith.andi %squeeze3A_1319, %and3A_1320 : i32
      %broadcast_in_dim3A_1322 = vector.broadcast %and3A_1321 : i32 to vector<16xi32>
      %slice3A_1323 = vector.extract_strided_slice %get3A_334 {offsets = [8], sizes = [1], strides = [1]} : vector<16xi32> to vector<1xi32>
      %squeeze3A_1324 = vector.extract %slice3A_1323[0] : i32 from vector<1xi32>
      %and3A_1325 = arith.constant 127 : i32
      %and3A_1326 = arith.andi %squeeze3A_1324, %and3A_1325 : i32
      %broadcast_in_dim3A_1327 = vector.broadcast %and3A_1326 : i32 to vector<16xi32>
      %dma_wait3A_1328 = arith.constant 0 : i32
      %dma_wait3A_1329 = arith.constant 0 : i32
      %dma_wait3A_1330 = arith.constant 0 : i32
      %dma_wait3A_1331 = tpu.memref_slice %arg9[%dma_wait3A_1328, %dma_wait3A_1329, %dma_wait3A_1330] : memref<8x32x128xf32, #tpu.memory_space<vmem>> -> memref<1x32x128xf32, #tpu.memory_space<vmem>>
      %dma_wait3A_1332 = tpu.memref_squeeze %dma_wait3A_1331 : memref<1x32x128xf32, #tpu.memory_space<vmem>> -> memref<32x128xf32, #tpu.memory_space<vmem>>
      %dma_wait3A_1333 = arith.constant 0 : i32
      %dma_wait3A_1334 = arith.constant 0 : i32
      %dma_wait3A_1335 = tpu.memref_slice %arg4[%dma_wait3A_1333, %dma_wait3A_1334] : memref<32x1000000xf32, #tpu.memory_space<hbm>> -> memref<32x128xf32, #tpu.memory_space<hbm>>
      %dma_wait3A_1336 = arith.constant 0 : i32
      %dma_wait3A_1337 = arith.constant 0 : i32
      %dma_wait3A_1338 = tpu.memref_slice %arg9[%dma_wait3A_1328, %dma_wait3A_1336, %dma_wait3A_1337] : memref<8x32x128xf32, #tpu.memory_space<vmem>> -> memref<1x32x128xf32, #tpu.memory_space<vmem>>
      %dma_wait3A_1339 = tpu.memref_squeeze %dma_wait3A_1338 : memref<1x32x128xf32, #tpu.memory_space<vmem>> -> memref<32x128xf32, #tpu.memory_space<vmem>>
      %dma_wait3A_1340 = arith.constant 0 : i32
      %dma_wait3A_1341 = arith.constant 0 : i32
      %dma_wait3A_1342 = tpu.memref_slice %arg4[%dma_wait3A_1340, %dma_wait3A_1341] : memref<32x1000000xf32, #tpu.memory_space<hbm>> -> memref<32x128xf32, #tpu.memory_space<hbm>>
      tpu.wait_dma2 semaphore(%arg12 : memref<!tpu.dma_semaphore, #tpu.memory_space<semaphore_mem>>) src(%dma_wait3A_1342 : memref<32x128xf32, #tpu.memory_space<hbm>>) dst(%dma_wait3A_1339 : memref<32x128xf32, #tpu.memory_space<vmem>>)
      %dma_wait3A_1343 = arith.constant 0 : i32
      %dma_wait3A_1344 = arith.constant 0 : i32
      %dma_wait3A_1345 = arith.constant 0 : i32
      %dma_wait3A_1346 = tpu.memref_slice %arg10[%dma_wait3A_1343, %dma_wait3A_1344, %dma_wait3A_1345] : memref<8x32x128xf32, #tpu.memory_space<vmem>> -> memref<1x32x128xf32, #tpu.memory_space<vmem>>
      %dma_wait3A_1347 = tpu.memref_squeeze %dma_wait3A_1346 : memref<1x32x128xf32, #tpu.memory_space<vmem>> -> memref<32x128xf32, #tpu.memory_space<vmem>>
      %dma_wait3A_1348 = arith.constant 0 : i32
      %dma_wait3A_1349 = arith.constant 0 : i32
      %dma_wait3A_1350 = tpu.memref_slice %arg5[%dma_wait3A_1348, %dma_wait3A_1349] : memref<32x1000000xf32, #tpu.memory_space<hbm>> -> memref<32x128xf32, #tpu.memory_space<hbm>>
      %dma_wait3A_1351 = arith.constant 0 : i32
      %dma_wait3A_1352 = arith.constant 0 : i32
      %dma_wait3A_1353 = tpu.memref_slice %arg10[%dma_wait3A_1343, %dma_wait3A_1351, %dma_wait3A_1352] : memref<8x32x128xf32, #tpu.memory_space<vmem>> -> memref<1x32x128xf32, #tpu.memory_space<vmem>>
      %dma_wait3A_1354 = tpu.memref_squeeze %dma_wait3A_1353 : memref<1x32x128xf32, #tpu.memory_space<vmem>> -> memref<32x128xf32, #tpu.memory_space<vmem>>
      %dma_wait3A_1355 = arith.constant 0 : i32
      %dma_wait3A_1356 = arith.constant 0 : i32
      %dma_wait3A_1357 = tpu.memref_slice %arg5[%dma_wait3A_1355, %dma_wait3A_1356] : memref<32x1000000xf32, #tpu.memory_space<hbm>> -> memref<32x128xf32, #tpu.memory_space<hbm>>
      tpu.wait_dma2 semaphore(%arg13 : memref<!tpu.dma_semaphore, #tpu.memory_space<semaphore_mem>>) src(%dma_wait3A_1357 : memref<32x128xf32, #tpu.memory_space<hbm>>) dst(%dma_wait3A_1354 : memref<32x128xf32, #tpu.memory_space<vmem>>)
      %gather3A_1358 = arith.constant 0 : i32
      %gather3A_1359 = arith.constant 0 : i32
      %gather3A_1360 = arith.constant 0 : i32
      %gather3A_1361 = tpu.memref_slice %arg9[%gather3A_1358, %gather3A_1359, %gather3A_1360] : memref<8x32x128xf32, #tpu.memory_space<vmem>> -> memref<1x32x128xf32, #tpu.memory_space<vmem>>
      %gather3A_1362 = tpu.memref_squeeze %gather3A_1361 : memref<1x32x128xf32, #tpu.memory_space<vmem>> -> memref<32x128xf32, #tpu.memory_space<vmem>>
      %gather3A_1363 = tpu.vector_load_idx %gather3A_1362[%iota3A, %broadcast_in_dim3A_1322] : memref<32x128xf32, #tpu.memory_space<vmem>>[vector<16xi32>, vector<16xi32>], vector<16xf32>,
      %add3A_1364 = arith.constant 16 : i32
      %add3A_1365 = vector.broadcast %add3A_1364 : i32 to vector<16xi32>
      %add3A_1366 = arith.addi %iota3A, %add3A_1365 : vector<16xi32>
      %gather3A_1367 = arith.constant 0 : i32
      %gather3A_1368 = arith.constant 0 : i32
      %gather3A_1369 = arith.constant 0 : i32
      %gather3A_1370 = tpu.memref_slice %arg9[%gather3A_1367, %gather3A_1368, %gather3A_1369] : memref<8x32x128xf32, #tpu.memory_space<vmem>> -> memref<1x32x128xf32, #tpu.memory_space<vmem>>
      %gather3A_1371 = tpu.memref_squeeze %gather3A_1370 : memref<1x32x128xf32, #tpu.memory_space<vmem>> -> memref<32x128xf32, #tpu.memory_space<vmem>>
      %gather3A_1372 = tpu.vector_load_idx %gather3A_1371[%add3A_1366, %broadcast_in_dim3A_1322] : memref<32x128xf32, #tpu.memory_space<vmem>>[vector<16xi32>, vector<16xi32>], vector<16xf32>,
      %gather3A_1373 = arith.constant 0 : i32
      %gather3A_1374 = arith.constant 0 : i32
      %gather3A_1375 = arith.constant 0 : i32
      %gather3A_1376 = tpu.memref_slice %arg10[%gather3A_1373, %gather3A_1374, %gather3A_1375] : memref<8x32x128xf32, #tpu.memory_space<vmem>> -> memref<1x32x128xf32, #tpu.memory_space<vmem>>
      %gather3A_1377 = tpu.memref_squeeze %gather3A_1376 : memref<1x32x128xf32, #tpu.memory_space<vmem>> -> memref<32x128xf32, #tpu.memory_space<vmem>>
      %gather3A_1378 = tpu.vector_load_idx %gather3A_1377[%iota3A, %broadcast_in_dim3A_1327] : memref<32x128xf32, #tpu.memory_space<vmem>>[vector<16xi32>, vector<16xi32>], vector<16xf32>,
      %add3A_1379 = arith.constant 16 : i32
      %add3A_1380 = vector.broadcast %add3A_1379 : i32 to vector<16xi32>
      %add3A_1381 = arith.addi %iota3A, %add3A_1380 : vector<16xi32>
      %gather3A_1382 = arith.constant 0 : i32
      %gather3A_1383 = arith.constant 0 : i32
      %gather3A_1384 = arith.constant 0 : i32
      %gather3A_1385 = tpu.memref_slice %arg10[%gather3A_1382, %gather3A_1383, %gather3A_1384] : memref<8x32x128xf32, #tpu.memory_space<vmem>> -> memref<1x32x128xf32, #tpu.memory_space<vmem>>
      %gather3A_1386 = tpu.memref_squeeze %gather3A_1385 : memref<1x32x128xf32, #tpu.memory_space<vmem>> -> memref<32x128xf32, #tpu.memory_space<vmem>>
      %gather3A_1387 = tpu.vector_load_idx %gather3A_1386[%add3A_1381, %broadcast_in_dim3A_1327] : memref<32x128xf32, #tpu.memory_space<vmem>>[vector<16xi32>, vector<16xi32>], vector<16xf32>,
      %mul3A_1388 = arith.mulf %gather3A_1363, %gather3A_1378 : vector<16xf32>
      %mul3A_1389 = arith.mulf %gather3A_1372, %gather3A_1387 : vector<16xf32>
      %add3A_1390 = arith.addf %mul3A_1388, %mul3A_1389 : vector<16xf32>
      %reduce_sum3A_1391 = arith.constant true
      %reduce_sum3A_1392 = vector.broadcast %reduce_sum3A_1391 : i1 to vector<16xi1>
      %reduce_sum3A_1393 = tpu.scan <sum>, %add3A_1390 masked %reduce_sum3A_1392 : vector<16xf32>, vector<16xi1> -> vector<16xf32>
      %reduce_sum3A_1394 = vector.extract %reduce_sum3A_1393[15] : f32 from vector<16xf32>
      %eq3A_1395 = arith.constant 8 : i32
      %eq3A_1396 = vector.broadcast %eq3A_1395 : i32 to vector<16xi32>
      %eq3A_1397 = arith.cmpi eq, %iota3A, %eq3A_1396 : vector<16xi32>
      %broadcast_in_dim3A_1398 = vector.broadcast %reduce_sum3A_1394 : f32 to vector<16xf32>
      %select_n3A_1399 = arith.select %eq3A_1397, %broadcast_in_dim3A_1398, %select_n3A_1277 : vector<16xi1>, vector<16xf32>
      %lt3A = arith.constant 31 : i32
      %lt3A_1400 = arith.cmpi slt, %scan3A_326, %lt3A : i32
      %convert_element_type3A = arith.extui %lt3A_1400 : i1 to i32
      %cond3A = arith.constant 0 : i32
      %cond3A_1401 = arith.cmpi ne, %convert_element_type3A, %cond3A : i32
      scf.if %cond3A_1401 {
        %slice3A_2014 = vector.extract_strided_slice %get3A_340 {offsets = [0], sizes = [1], strides = [1]} : vector<16xi32> to vector<1xi32>
        %squeeze3A_2015 = vector.extract %slice3A_2014[0] : i32 from vector<1xi32>
        %slice3A_2016 = vector.extract_strided_slice %get3A_346 {offsets = [0], sizes = [1], strides = [1]} : vector<16xi32> to vector<1xi32>
        %squeeze3A_2017 = vector.extract %slice3A_2016[0] : i32 from vector<1xi32>
        %shift_right_arithmetic3A_2018 = arith.constant 7 : i32
        %shift_right_arithmetic3A_2019 = arith.shrsi %squeeze3A_2015, %shift_right_arithmetic3A_2018 : i32
        %mul3A_2020 = arith.constant 128 : i32
        %mul3A_2021 = arith.muli %shift_right_arithmetic3A_2019, %mul3A_2020 : i32
        %multiple_of3A_2022 = tpu.assume_multiple %mul3A_2021, 128 : i32
        %shift_right_arithmetic3A_2023 = arith.constant 7 : i32
        %shift_right_arithmetic3A_2024 = arith.shrsi %squeeze3A_2017, %shift_right_arithmetic3A_2023 : i32
        %mul3A_2025 = arith.constant 128 : i32
        %mul3A_2026 = arith.muli %shift_right_arithmetic3A_2024, %mul3A_2025 : i32
        %multiple_of3A_2027 = tpu.assume_multiple %mul3A_2026, 128 : i32
        %dma_start3A_2028 = arith.constant 0 : i32
        %dma_start3A_2029 = arith.constant 0 : i32
        %dma_start3A_2030 = arith.constant 0 : i32
        %dma_start3A_2031 = tpu.memref_slice %arg9[%dma_start3A_2028, %dma_start3A_2029, %dma_start3A_2030] : memref<8x32x128xf32, #tpu.memory_space<vmem>> -> memref<1x32x128xf32, #tpu.memory_space<vmem>>
        %dma_start3A_2032 = tpu.memref_squeeze %dma_start3A_2031 : memref<1x32x128xf32, #tpu.memory_space<vmem>> -> memref<32x128xf32, #tpu.memory_space<vmem>>
        %dma_start3A_2033 = arith.constant 0 : i32
        %dma_start3A_2034 = tpu.memref_slice %arg4[%dma_start3A_2033, %multiple_of3A_2022] : memref<32x1000000xf32, #tpu.memory_space<hbm>> -> memref<32x128xf32, #tpu.memory_space<hbm>>
        %dma_start3A_2035 = arith.constant 0 : i32
        %dma_start3A_2036 = arith.constant 0 : i32
        %dma_start3A_2037 = tpu.memref_slice %arg9[%dma_start3A_2028, %dma_start3A_2035, %dma_start3A_2036] : memref<8x32x128xf32, #tpu.memory_space<vmem>> -> memref<1x32x128xf32, #tpu.memory_space<vmem>>
        %dma_start3A_2038 = tpu.memref_squeeze %dma_start3A_2037 : memref<1x32x128xf32, #tpu.memory_space<vmem>> -> memref<32x128xf32, #tpu.memory_space<vmem>>
        %dma_start3A_2039 = arith.constant 0 : i32
        %dma_start3A_2040 = tpu.memref_slice %arg4[%dma_start3A_2039, %multiple_of3A_2022] : memref<32x1000000xf32, #tpu.memory_space<hbm>> -> memref<32x128xf32, #tpu.memory_space<hbm>>
        tpu.enqueue_dma source(%dma_start3A_2040 : memref<32x128xf32, #tpu.memory_space<hbm>>) target(%dma_start3A_2038 : memref<32x128xf32, #tpu.memory_space<vmem>>) target_semaphore(%arg12 : memref<!tpu.dma_semaphore, #tpu.memory_space<semaphore_mem>>)
        %dma_start3A_2041 = arith.constant 0 : i32
        %dma_start3A_2042 = arith.constant 0 : i32
        %dma_start3A_2043 = arith.constant 0 : i32
        %dma_start3A_2044 = tpu.memref_slice %arg10[%dma_start3A_2041, %dma_start3A_2042, %dma_start3A_2043] : memref<8x32x128xf32, #tpu.memory_space<vmem>> -> memref<1x32x128xf32, #tpu.memory_space<vmem>>
        %dma_start3A_2045 = tpu.memref_squeeze %dma_start3A_2044 : memref<1x32x128xf32, #tpu.memory_space<vmem>> -> memref<32x128xf32, #tpu.memory_space<vmem>>
        %dma_start3A_2046 = arith.constant 0 : i32
        %dma_start3A_2047 = tpu.memref_slice %arg5[%dma_start3A_2046, %multiple_of3A_2027] : memref<32x1000000xf32, #tpu.memory_space<hbm>> -> memref<32x128xf32, #tpu.memory_space<hbm>>
        %dma_start3A_2048 = arith.constant 0 : i32
        %dma_start3A_2049 = arith.constant 0 : i32
        %dma_start3A_2050 = tpu.memref_slice %arg10[%dma_start3A_2041, %dma_start3A_2048, %dma_start3A_2049] : memref<8x32x128xf32, #tpu.memory_space<vmem>> -> memref<1x32x128xf32, #tpu.memory_space<vmem>>
        %dma_start3A_2051 = tpu.memref_squeeze %dma_start3A_2050 : memref<1x32x128xf32, #tpu.memory_space<vmem>> -> memref<32x128xf32, #tpu.memory_space<vmem>>
        %dma_start3A_2052 = arith.constant 0 : i32
        %dma_start3A_2053 = tpu.memref_slice %arg5[%dma_start3A_2052, %multiple_of3A_2027] : memref<32x1000000xf32, #tpu.memory_space<hbm>> -> memref<32x128xf32, #tpu.memory_space<hbm>>
        tpu.enqueue_dma source(%dma_start3A_2053 : memref<32x128xf32, #tpu.memory_space<hbm>>) target(%dma_start3A_2051 : memref<32x128xf32, #tpu.memory_space<vmem>>) target_semaphore(%arg13 : memref<!tpu.dma_semaphore, #tpu.memory_space<semaphore_mem>>)
      } else {
      }
      %slice3A_1402 = vector.extract_strided_slice %get3A_330 {offsets = [9], sizes = [1], strides = [1]} : vector<16xi32> to vector<1xi32>
      %squeeze3A_1403 = vector.extract %slice3A_1402[0] : i32 from vector<1xi32>
      %and3A_1404 = arith.constant 127 : i32
      %and3A_1405 = arith.andi %squeeze3A_1403, %and3A_1404 : i32
      %broadcast_in_dim3A_1406 = vector.broadcast %and3A_1405 : i32 to vector<16xi32>
      %slice3A_1407 = vector.extract_strided_slice %get3A_334 {offsets = [9], sizes = [1], strides = [1]} : vector<16xi32> to vector<1xi32>
      %squeeze3A_1408 = vector.extract %slice3A_1407[0] : i32 from vector<1xi32>
      %and3A_1409 = arith.constant 127 : i32
      %and3A_1410 = arith.andi %squeeze3A_1408, %and3A_1409 : i32
      %broadcast_in_dim3A_1411 = vector.broadcast %and3A_1410 : i32 to vector<16xi32>
      %dma_wait3A_1412 = arith.constant 1 : i32
      %dma_wait3A_1413 = arith.constant 0 : i32
      %dma_wait3A_1414 = arith.constant 0 : i32
      %dma_wait3A_1415 = tpu.memref_slice %arg9[%dma_wait3A_1412, %dma_wait3A_1413, %dma_wait3A_1414] : memref<8x32x128xf32, #tpu.memory_space<vmem>> -> memref<1x32x128xf32, #tpu.memory_space<vmem>>
      %dma_wait3A_1416 = tpu.memref_squeeze %dma_wait3A_1415 : memref<1x32x128xf32, #tpu.memory_space<vmem>> -> memref<32x128xf32, #tpu.memory_space<vmem>>
      %dma_wait3A_1417 = arith.constant 0 : i32
      %dma_wait3A_1418 = arith.constant 0 : i32
      %dma_wait3A_1419 = tpu.memref_slice %arg4[%dma_wait3A_1417, %dma_wait3A_1418] : memref<32x1000000xf32, #tpu.memory_space<hbm>> -> memref<32x128xf32, #tpu.memory_space<hbm>>
      %dma_wait3A_1420 = arith.constant 0 : i32
      %dma_wait3A_1421 = arith.constant 0 : i32
      %dma_wait3A_1422 = tpu.memref_slice %arg9[%dma_wait3A_1412, %dma_wait3A_1420, %dma_wait3A_1421] : memref<8x32x128xf32, #tpu.memory_space<vmem>> -> memref<1x32x128xf32, #tpu.memory_space<vmem>>
      %dma_wait3A_1423 = tpu.memref_squeeze %dma_wait3A_1422 : memref<1x32x128xf32, #tpu.memory_space<vmem>> -> memref<32x128xf32, #tpu.memory_space<vmem>>
      %dma_wait3A_1424 = arith.constant 0 : i32
      %dma_wait3A_1425 = arith.constant 0 : i32
      %dma_wait3A_1426 = tpu.memref_slice %arg4[%dma_wait3A_1424, %dma_wait3A_1425] : memref<32x1000000xf32, #tpu.memory_space<hbm>> -> memref<32x128xf32, #tpu.memory_space<hbm>>
      tpu.wait_dma2 semaphore(%arg12 : memref<!tpu.dma_semaphore, #tpu.memory_space<semaphore_mem>>) src(%dma_wait3A_1426 : memref<32x128xf32, #tpu.memory_space<hbm>>) dst(%dma_wait3A_1423 : memref<32x128xf32, #tpu.memory_space<vmem>>)
      %dma_wait3A_1427 = arith.constant 1 : i32
      %dma_wait3A_1428 = arith.constant 0 : i32
      %dma_wait3A_1429 = arith.constant 0 : i32
      %dma_wait3A_1430 = tpu.memref_slice %arg10[%dma_wait3A_1427, %dma_wait3A_1428, %dma_wait3A_1429] : memref<8x32x128xf32, #tpu.memory_space<vmem>> -> memref<1x32x128xf32, #tpu.memory_space<vmem>>
      %dma_wait3A_1431 = tpu.memref_squeeze %dma_wait3A_1430 : memref<1x32x128xf32, #tpu.memory_space<vmem>> -> memref<32x128xf32, #tpu.memory_space<vmem>>
      %dma_wait3A_1432 = arith.constant 0 : i32
      %dma_wait3A_1433 = arith.constant 0 : i32
      %dma_wait3A_1434 = tpu.memref_slice %arg5[%dma_wait3A_1432, %dma_wait3A_1433] : memref<32x1000000xf32, #tpu.memory_space<hbm>> -> memref<32x128xf32, #tpu.memory_space<hbm>>
      %dma_wait3A_1435 = arith.constant 0 : i32
      %dma_wait3A_1436 = arith.constant 0 : i32
      %dma_wait3A_1437 = tpu.memref_slice %arg10[%dma_wait3A_1427, %dma_wait3A_1435, %dma_wait3A_1436] : memref<8x32x128xf32, #tpu.memory_space<vmem>> -> memref<1x32x128xf32, #tpu.memory_space<vmem>>
      %dma_wait3A_1438 = tpu.memref_squeeze %dma_wait3A_1437 : memref<1x32x128xf32, #tpu.memory_space<vmem>> -> memref<32x128xf32, #tpu.memory_space<vmem>>
      %dma_wait3A_1439 = arith.constant 0 : i32
      %dma_wait3A_1440 = arith.constant 0 : i32
      %dma_wait3A_1441 = tpu.memref_slice %arg5[%dma_wait3A_1439, %dma_wait3A_1440] : memref<32x1000000xf32, #tpu.memory_space<hbm>> -> memref<32x128xf32, #tpu.memory_space<hbm>>
      tpu.wait_dma2 semaphore(%arg13 : memref<!tpu.dma_semaphore, #tpu.memory_space<semaphore_mem>>) src(%dma_wait3A_1441 : memref<32x128xf32, #tpu.memory_space<hbm>>) dst(%dma_wait3A_1438 : memref<32x128xf32, #tpu.memory_space<vmem>>)
      %gather3A_1442 = arith.constant 1 : i32
      %gather3A_1443 = arith.constant 0 : i32
      %gather3A_1444 = arith.constant 0 : i32
      %gather3A_1445 = tpu.memref_slice %arg9[%gather3A_1442, %gather3A_1443, %gather3A_1444] : memref<8x32x128xf32, #tpu.memory_space<vmem>> -> memref<1x32x128xf32, #tpu.memory_space<vmem>>
      %gather3A_1446 = tpu.memref_squeeze %gather3A_1445 : memref<1x32x128xf32, #tpu.memory_space<vmem>> -> memref<32x128xf32, #tpu.memory_space<vmem>>
      %gather3A_1447 = tpu.vector_load_idx %gather3A_1446[%iota3A, %broadcast_in_dim3A_1406] : memref<32x128xf32, #tpu.memory_space<vmem>>[vector<16xi32>, vector<16xi32>], vector<16xf32>,
      %add3A_1448 = arith.constant 16 : i32
      %add3A_1449 = vector.broadcast %add3A_1448 : i32 to vector<16xi32>
      %add3A_1450 = arith.addi %iota3A, %add3A_1449 : vector<16xi32>
      %gather3A_1451 = arith.constant 1 : i32
      %gather3A_1452 = arith.constant 0 : i32
      %gather3A_1453 = arith.constant 0 : i32
      %gather3A_1454 = tpu.memref_slice %arg9[%gather3A_1451, %gather3A_1452, %gather3A_1453] : memref<8x32x128xf32, #tpu.memory_space<vmem>> -> memref<1x32x128xf32, #tpu.memory_space<vmem>>
      %gather3A_1455 = tpu.memref_squeeze %gather3A_1454 : memref<1x32x128xf32, #tpu.memory_space<vmem>> -> memref<32x128xf32, #tpu.memory_space<vmem>>
      %gather3A_1456 = tpu.vector_load_idx %gather3A_1455[%add3A_1450, %broadcast_in_dim3A_1406] : memref<32x128xf32, #tpu.memory_space<vmem>>[vector<16xi32>, vector<16xi32>], vector<16xf32>,
      %gather3A_1457 = arith.constant 1 : i32
      %gather3A_1458 = arith.constant 0 : i32
      %gather3A_1459 = arith.constant 0 : i32
      %gather3A_1460 = tpu.memref_slice %arg10[%gather3A_1457, %gather3A_1458, %gather3A_1459] : memref<8x32x128xf32, #tpu.memory_space<vmem>> -> memref<1x32x128xf32, #tpu.memory_space<vmem>>
      %gather3A_1461 = tpu.memref_squeeze %gather3A_1460 : memref<1x32x128xf32, #tpu.memory_space<vmem>> -> memref<32x128xf32, #tpu.memory_space<vmem>>
      %gather3A_1462 = tpu.vector_load_idx %gather3A_1461[%iota3A, %broadcast_in_dim3A_1411] : memref<32x128xf32, #tpu.memory_space<vmem>>[vector<16xi32>, vector<16xi32>], vector<16xf32>,
      %add3A_1463 = arith.constant 16 : i32
      %add3A_1464 = vector.broadcast %add3A_1463 : i32 to vector<16xi32>
      %add3A_1465 = arith.addi %iota3A, %add3A_1464 : vector<16xi32>
      %gather3A_1466 = arith.constant 1 : i32
      %gather3A_1467 = arith.constant 0 : i32
      %gather3A_1468 = arith.constant 0 : i32
      %gather3A_1469 = tpu.memref_slice %arg10[%gather3A_1466, %gather3A_1467, %gather3A_1468] : memref<8x32x128xf32, #tpu.memory_space<vmem>> -> memref<1x32x128xf32, #tpu.memory_space<vmem>>
      %gather3A_1470 = tpu.memref_squeeze %gather3A_1469 : memref<1x32x128xf32, #tpu.memory_space<vmem>> -> memref<32x128xf32, #tpu.memory_space<vmem>>
      %gather3A_1471 = tpu.vector_load_idx %gather3A_1470[%add3A_1465, %broadcast_in_dim3A_1411] : memref<32x128xf32, #tpu.memory_space<vmem>>[vector<16xi32>, vector<16xi32>], vector<16xf32>,
      %mul3A_1472 = arith.mulf %gather3A_1447, %gather3A_1462 : vector<16xf32>
      %mul3A_1473 = arith.mulf %gather3A_1456, %gather3A_1471 : vector<16xf32>
      %add3A_1474 = arith.addf %mul3A_1472, %mul3A_1473 : vector<16xf32>
      %reduce_sum3A_1475 = arith.constant true
      %reduce_sum3A_1476 = vector.broadcast %reduce_sum3A_1475 : i1 to vector<16xi1>
      %reduce_sum3A_1477 = tpu.scan <sum>, %add3A_1474 masked %reduce_sum3A_1476 : vector<16xf32>, vector<16xi1> -> vector<16xf32>
      %reduce_sum3A_1478 = vector.extract %reduce_sum3A_1477[15] : f32 from vector<16xf32>
      %eq3A_1479 = arith.constant 9 : i32
      %eq3A_1480 = vector.broadcast %eq3A_1479 : i32 to vector<16xi32>
      %eq3A_1481 = arith.cmpi eq, %iota3A, %eq3A_1480 : vector<16xi32>
      %broadcast_in_dim3A_1482 = vector.broadcast %reduce_sum3A_1478 : f32 to vector<16xf32>
      %select_n3A_1483 = arith.select %eq3A_1481, %broadcast_in_dim3A_1482, %select_n3A_1399 : vector<16xi1>, vector<16xf32>
      %lt3A_1484 = arith.constant 31 : i32
      %lt3A_1485 = arith.cmpi slt, %scan3A_326, %lt3A_1484 : i32
      %convert_element_type3A_1486 = arith.extui %lt3A_1485 : i1 to i32
      %cond3A_1487 = arith.constant 0 : i32
      %cond3A_1488 = arith.cmpi ne, %convert_element_type3A_1486, %cond3A_1487 : i32
      scf.if %cond3A_1488 {
        %slice3A_2014 = vector.extract_strided_slice %get3A_340 {offsets = [1], sizes = [1], strides = [1]} : vector<16xi32> to vector<1xi32>
        %squeeze3A_2015 = vector.extract %slice3A_2014[0] : i32 from vector<1xi32>
        %slice3A_2016 = vector.extract_strided_slice %get3A_346 {offsets = [1], sizes = [1], strides = [1]} : vector<16xi32> to vector<1xi32>
        %squeeze3A_2017 = vector.extract %slice3A_2016[0] : i32 from vector<1xi32>
        %shift_right_arithmetic3A_2018 = arith.constant 7 : i32
        %shift_right_arithmetic3A_2019 = arith.shrsi %squeeze3A_2015, %shift_right_arithmetic3A_2018 : i32
        %mul3A_2020 = arith.constant 128 : i32
        %mul3A_2021 = arith.muli %shift_right_arithmetic3A_2019, %mul3A_2020 : i32
        %multiple_of3A_2022 = tpu.assume_multiple %mul3A_2021, 128 : i32
        %shift_right_arithmetic3A_2023 = arith.constant 7 : i32
        %shift_right_arithmetic3A_2024 = arith.shrsi %squeeze3A_2017, %shift_right_arithmetic3A_2023 : i32
        %mul3A_2025 = arith.constant 128 : i32
        %mul3A_2026 = arith.muli %shift_right_arithmetic3A_2024, %mul3A_2025 : i32
        %multiple_of3A_2027 = tpu.assume_multiple %mul3A_2026, 128 : i32
        %dma_start3A_2028 = arith.constant 1 : i32
        %dma_start3A_2029 = arith.constant 0 : i32
        %dma_start3A_2030 = arith.constant 0 : i32
        %dma_start3A_2031 = tpu.memref_slice %arg9[%dma_start3A_2028, %dma_start3A_2029, %dma_start3A_2030] : memref<8x32x128xf32, #tpu.memory_space<vmem>> -> memref<1x32x128xf32, #tpu.memory_space<vmem>>
        %dma_start3A_2032 = tpu.memref_squeeze %dma_start3A_2031 : memref<1x32x128xf32, #tpu.memory_space<vmem>> -> memref<32x128xf32, #tpu.memory_space<vmem>>
        %dma_start3A_2033 = arith.constant 0 : i32
        %dma_start3A_2034 = tpu.memref_slice %arg4[%dma_start3A_2033, %multiple_of3A_2022] : memref<32x1000000xf32, #tpu.memory_space<hbm>> -> memref<32x128xf32, #tpu.memory_space<hbm>>
        %dma_start3A_2035 = arith.constant 0 : i32
        %dma_start3A_2036 = arith.constant 0 : i32
        %dma_start3A_2037 = tpu.memref_slice %arg9[%dma_start3A_2028, %dma_start3A_2035, %dma_start3A_2036] : memref<8x32x128xf32, #tpu.memory_space<vmem>> -> memref<1x32x128xf32, #tpu.memory_space<vmem>>
        %dma_start3A_2038 = tpu.memref_squeeze %dma_start3A_2037 : memref<1x32x128xf32, #tpu.memory_space<vmem>> -> memref<32x128xf32, #tpu.memory_space<vmem>>
        %dma_start3A_2039 = arith.constant 0 : i32
        %dma_start3A_2040 = tpu.memref_slice %arg4[%dma_start3A_2039, %multiple_of3A_2022] : memref<32x1000000xf32, #tpu.memory_space<hbm>> -> memref<32x128xf32, #tpu.memory_space<hbm>>
        tpu.enqueue_dma source(%dma_start3A_2040 : memref<32x128xf32, #tpu.memory_space<hbm>>) target(%dma_start3A_2038 : memref<32x128xf32, #tpu.memory_space<vmem>>) target_semaphore(%arg12 : memref<!tpu.dma_semaphore, #tpu.memory_space<semaphore_mem>>)
        %dma_start3A_2041 = arith.constant 1 : i32
        %dma_start3A_2042 = arith.constant 0 : i32
        %dma_start3A_2043 = arith.constant 0 : i32
        %dma_start3A_2044 = tpu.memref_slice %arg10[%dma_start3A_2041, %dma_start3A_2042, %dma_start3A_2043] : memref<8x32x128xf32, #tpu.memory_space<vmem>> -> memref<1x32x128xf32, #tpu.memory_space<vmem>>
        %dma_start3A_2045 = tpu.memref_squeeze %dma_start3A_2044 : memref<1x32x128xf32, #tpu.memory_space<vmem>> -> memref<32x128xf32, #tpu.memory_space<vmem>>
        %dma_start3A_2046 = arith.constant 0 : i32
        %dma_start3A_2047 = tpu.memref_slice %arg5[%dma_start3A_2046, %multiple_of3A_2027] : memref<32x1000000xf32, #tpu.memory_space<hbm>> -> memref<32x128xf32, #tpu.memory_space<hbm>>
        %dma_start3A_2048 = arith.constant 0 : i32
        %dma_start3A_2049 = arith.constant 0 : i32
        %dma_start3A_2050 = tpu.memref_slice %arg10[%dma_start3A_2041, %dma_start3A_2048, %dma_start3A_2049] : memref<8x32x128xf32, #tpu.memory_space<vmem>> -> memref<1x32x128xf32, #tpu.memory_space<vmem>>
        %dma_start3A_2051 = tpu.memref_squeeze %dma_start3A_2050 : memref<1x32x128xf32, #tpu.memory_space<vmem>> -> memref<32x128xf32, #tpu.memory_space<vmem>>
        %dma_start3A_2052 = arith.constant 0 : i32
        %dma_start3A_2053 = tpu.memref_slice %arg5[%dma_start3A_2052, %multiple_of3A_2027] : memref<32x1000000xf32, #tpu.memory_space<hbm>> -> memref<32x128xf32, #tpu.memory_space<hbm>>
        tpu.enqueue_dma source(%dma_start3A_2053 : memref<32x128xf32, #tpu.memory_space<hbm>>) target(%dma_start3A_2051 : memref<32x128xf32, #tpu.memory_space<vmem>>) target_semaphore(%arg13 : memref<!tpu.dma_semaphore, #tpu.memory_space<semaphore_mem>>)
      } else {
      }
      %slice3A_1489 = vector.extract_strided_slice %get3A_330 {offsets = [10], sizes = [1], strides = [1]} : vector<16xi32> to vector<1xi32>
      %squeeze3A_1490 = vector.extract %slice3A_1489[0] : i32 from vector<1xi32>
      %and3A_1491 = arith.constant 127 : i32
      %and3A_1492 = arith.andi %squeeze3A_1490, %and3A_1491 : i32
      %broadcast_in_dim3A_1493 = vector.broadcast %and3A_1492 : i32 to vector<16xi32>
      %slice3A_1494 = vector.extract_strided_slice %get3A_334 {offsets = [10], sizes = [1], strides = [1]} : vector<16xi32> to vector<1xi32>
      %squeeze3A_1495 = vector.extract %slice3A_1494[0] : i32 from vector<1xi32>
      %and3A_1496 = arith.constant 127 : i32
      %and3A_1497 = arith.andi %squeeze3A_1495, %and3A_1496 : i32
      %broadcast_in_dim3A_1498 = vector.broadcast %and3A_1497 : i32 to vector<16xi32>
      %dma_wait3A_1499 = arith.constant 2 : i32
      %dma_wait3A_1500 = arith.constant 0 : i32
      %dma_wait3A_1501 = arith.constant 0 : i32
      %dma_wait3A_1502 = tpu.memref_slice %arg9[%dma_wait3A_1499, %dma_wait3A_1500, %dma_wait3A_1501] : memref<8x32x128xf32, #tpu.memory_space<vmem>> -> memref<1x32x128xf32, #tpu.memory_space<vmem>>
      %dma_wait3A_1503 = tpu.memref_squeeze %dma_wait3A_1502 : memref<1x32x128xf32, #tpu.memory_space<vmem>> -> memref<32x128xf32, #tpu.memory_space<vmem>>
      %dma_wait3A_1504 = arith.constant 0 : i32
      %dma_wait3A_1505 = arith.constant 0 : i32
      %dma_wait3A_1506 = tpu.memref_slice %arg4[%dma_wait3A_1504, %dma_wait3A_1505] : memref<32x1000000xf32, #tpu.memory_space<hbm>> -> memref<32x128xf32, #tpu.memory_space<hbm>>
      %dma_wait3A_1507 = arith.constant 0 : i32
      %dma_wait3A_1508 = arith.constant 0 : i32
      %dma_wait3A_1509 = tpu.memref_slice %arg9[%dma_wait3A_1499, %dma_wait3A_1507, %dma_wait3A_1508] : memref<8x32x128xf32, #tpu.memory_space<vmem>> -> memref<1x32x128xf32, #tpu.memory_space<vmem>>
      %dma_wait3A_1510 = tpu.memref_squeeze %dma_wait3A_1509 : memref<1x32x128xf32, #tpu.memory_space<vmem>> -> memref<32x128xf32, #tpu.memory_space<vmem>>
      %dma_wait3A_1511 = arith.constant 0 : i32
      %dma_wait3A_1512 = arith.constant 0 : i32
      %dma_wait3A_1513 = tpu.memref_slice %arg4[%dma_wait3A_1511, %dma_wait3A_1512] : memref<32x1000000xf32, #tpu.memory_space<hbm>> -> memref<32x128xf32, #tpu.memory_space<hbm>>
      tpu.wait_dma2 semaphore(%arg12 : memref<!tpu.dma_semaphore, #tpu.memory_space<semaphore_mem>>) src(%dma_wait3A_1513 : memref<32x128xf32, #tpu.memory_space<hbm>>) dst(%dma_wait3A_1510 : memref<32x128xf32, #tpu.memory_space<vmem>>)
      %dma_wait3A_1514 = arith.constant 2 : i32
      %dma_wait3A_1515 = arith.constant 0 : i32
      %dma_wait3A_1516 = arith.constant 0 : i32
      %dma_wait3A_1517 = tpu.memref_slice %arg10[%dma_wait3A_1514, %dma_wait3A_1515, %dma_wait3A_1516] : memref<8x32x128xf32, #tpu.memory_space<vmem>> -> memref<1x32x128xf32, #tpu.memory_space<vmem>>
      %dma_wait3A_1518 = tpu.memref_squeeze %dma_wait3A_1517 : memref<1x32x128xf32, #tpu.memory_space<vmem>> -> memref<32x128xf32, #tpu.memory_space<vmem>>
      %dma_wait3A_1519 = arith.constant 0 : i32
      %dma_wait3A_1520 = arith.constant 0 : i32
      %dma_wait3A_1521 = tpu.memref_slice %arg5[%dma_wait3A_1519, %dma_wait3A_1520] : memref<32x1000000xf32, #tpu.memory_space<hbm>> -> memref<32x128xf32, #tpu.memory_space<hbm>>
      %dma_wait3A_1522 = arith.constant 0 : i32
      %dma_wait3A_1523 = arith.constant 0 : i32
      %dma_wait3A_1524 = tpu.memref_slice %arg10[%dma_wait3A_1514, %dma_wait3A_1522, %dma_wait3A_1523] : memref<8x32x128xf32, #tpu.memory_space<vmem>> -> memref<1x32x128xf32, #tpu.memory_space<vmem>>
      %dma_wait3A_1525 = tpu.memref_squeeze %dma_wait3A_1524 : memref<1x32x128xf32, #tpu.memory_space<vmem>> -> memref<32x128xf32, #tpu.memory_space<vmem>>
      %dma_wait3A_1526 = arith.constant 0 : i32
      %dma_wait3A_1527 = arith.constant 0 : i32
      %dma_wait3A_1528 = tpu.memref_slice %arg5[%dma_wait3A_1526, %dma_wait3A_1527] : memref<32x1000000xf32, #tpu.memory_space<hbm>> -> memref<32x128xf32, #tpu.memory_space<hbm>>
      tpu.wait_dma2 semaphore(%arg13 : memref<!tpu.dma_semaphore, #tpu.memory_space<semaphore_mem>>) src(%dma_wait3A_1528 : memref<32x128xf32, #tpu.memory_space<hbm>>) dst(%dma_wait3A_1525 : memref<32x128xf32, #tpu.memory_space<vmem>>)
      %gather3A_1529 = arith.constant 2 : i32
      %gather3A_1530 = arith.constant 0 : i32
      %gather3A_1531 = arith.constant 0 : i32
      %gather3A_1532 = tpu.memref_slice %arg9[%gather3A_1529, %gather3A_1530, %gather3A_1531] : memref<8x32x128xf32, #tpu.memory_space<vmem>> -> memref<1x32x128xf32, #tpu.memory_space<vmem>>
      %gather3A_1533 = tpu.memref_squeeze %gather3A_1532 : memref<1x32x128xf32, #tpu.memory_space<vmem>> -> memref<32x128xf32, #tpu.memory_space<vmem>>
      %gather3A_1534 = tpu.vector_load_idx %gather3A_1533[%iota3A, %broadcast_in_dim3A_1493] : memref<32x128xf32, #tpu.memory_space<vmem>>[vector<16xi32>, vector<16xi32>], vector<16xf32>,
      %add3A_1535 = arith.constant 16 : i32
      %add3A_1536 = vector.broadcast %add3A_1535 : i32 to vector<16xi32>
      %add3A_1537 = arith.addi %iota3A, %add3A_1536 : vector<16xi32>
      %gather3A_1538 = arith.constant 2 : i32
      %gather3A_1539 = arith.constant 0 : i32
      %gather3A_1540 = arith.constant 0 : i32
      %gather3A_1541 = tpu.memref_slice %arg9[%gather3A_1538, %gather3A_1539, %gather3A_1540] : memref<8x32x128xf32, #tpu.memory_space<vmem>> -> memref<1x32x128xf32, #tpu.memory_space<vmem>>
      %gather3A_1542 = tpu.memref_squeeze %gather3A_1541 : memref<1x32x128xf32, #tpu.memory_space<vmem>> -> memref<32x128xf32, #tpu.memory_space<vmem>>
      %gather3A_1543 = tpu.vector_load_idx %gather3A_1542[%add3A_1537, %broadcast_in_dim3A_1493] : memref<32x128xf32, #tpu.memory_space<vmem>>[vector<16xi32>, vector<16xi32>], vector<16xf32>,
      %gather3A_1544 = arith.constant 2 : i32
      %gather3A_1545 = arith.constant 0 : i32
      %gather3A_1546 = arith.constant 0 : i32
      %gather3A_1547 = tpu.memref_slice %arg10[%gather3A_1544, %gather3A_1545, %gather3A_1546] : memref<8x32x128xf32, #tpu.memory_space<vmem>> -> memref<1x32x128xf32, #tpu.memory_space<vmem>>
      %gather3A_1548 = tpu.memref_squeeze %gather3A_1547 : memref<1x32x128xf32, #tpu.memory_space<vmem>> -> memref<32x128xf32, #tpu.memory_space<vmem>>
      %gather3A_1549 = tpu.vector_load_idx %gather3A_1548[%iota3A, %broadcast_in_dim3A_1498] : memref<32x128xf32, #tpu.memory_space<vmem>>[vector<16xi32>, vector<16xi32>], vector<16xf32>,
      %add3A_1550 = arith.constant 16 : i32
      %add3A_1551 = vector.broadcast %add3A_1550 : i32 to vector<16xi32>
      %add3A_1552 = arith.addi %iota3A, %add3A_1551 : vector<16xi32>
      %gather3A_1553 = arith.constant 2 : i32
      %gather3A_1554 = arith.constant 0 : i32
      %gather3A_1555 = arith.constant 0 : i32
      %gather3A_1556 = tpu.memref_slice %arg10[%gather3A_1553, %gather3A_1554, %gather3A_1555] : memref<8x32x128xf32, #tpu.memory_space<vmem>> -> memref<1x32x128xf32, #tpu.memory_space<vmem>>
      %gather3A_1557 = tpu.memref_squeeze %gather3A_1556 : memref<1x32x128xf32, #tpu.memory_space<vmem>> -> memref<32x128xf32, #tpu.memory_space<vmem>>
      %gather3A_1558 = tpu.vector_load_idx %gather3A_1557[%add3A_1552, %broadcast_in_dim3A_1498] : memref<32x128xf32, #tpu.memory_space<vmem>>[vector<16xi32>, vector<16xi32>], vector<16xf32>,
      %mul3A_1559 = arith.mulf %gather3A_1534, %gather3A_1549 : vector<16xf32>
      %mul3A_1560 = arith.mulf %gather3A_1543, %gather3A_1558 : vector<16xf32>
      %add3A_1561 = arith.addf %mul3A_1559, %mul3A_1560 : vector<16xf32>
      %reduce_sum3A_1562 = arith.constant true
      %reduce_sum3A_1563 = vector.broadcast %reduce_sum3A_1562 : i1 to vector<16xi1>
      %reduce_sum3A_1564 = tpu.scan <sum>, %add3A_1561 masked %reduce_sum3A_1563 : vector<16xf32>, vector<16xi1> -> vector<16xf32>
      %reduce_sum3A_1565 = vector.extract %reduce_sum3A_1564[15] : f32 from vector<16xf32>
      %eq3A_1566 = arith.constant 10 : i32
      %eq3A_1567 = vector.broadcast %eq3A_1566 : i32 to vector<16xi32>
      %eq3A_1568 = arith.cmpi eq, %iota3A, %eq3A_1567 : vector<16xi32>
      %broadcast_in_dim3A_1569 = vector.broadcast %reduce_sum3A_1565 : f32 to vector<16xf32>
      %select_n3A_1570 = arith.select %eq3A_1568, %broadcast_in_dim3A_1569, %select_n3A_1483 : vector<16xi1>, vector<16xf32>
      %lt3A_1571 = arith.constant 31 : i32
      %lt3A_1572 = arith.cmpi slt, %scan3A_326, %lt3A_1571 : i32
      %convert_element_type3A_1573 = arith.extui %lt3A_1572 : i1 to i32
      %cond3A_1574 = arith.constant 0 : i32
      %cond3A_1575 = arith.cmpi ne, %convert_element_type3A_1573, %cond3A_1574 : i32
      scf.if %cond3A_1575 {
        %slice3A_2014 = vector.extract_strided_slice %get3A_340 {offsets = [2], sizes = [1], strides = [1]} : vector<16xi32> to vector<1xi32>
        %squeeze3A_2015 = vector.extract %slice3A_2014[0] : i32 from vector<1xi32>
        %slice3A_2016 = vector.extract_strided_slice %get3A_346 {offsets = [2], sizes = [1], strides = [1]} : vector<16xi32> to vector<1xi32>
        %squeeze3A_2017 = vector.extract %slice3A_2016[0] : i32 from vector<1xi32>
        %shift_right_arithmetic3A_2018 = arith.constant 7 : i32
        %shift_right_arithmetic3A_2019 = arith.shrsi %squeeze3A_2015, %shift_right_arithmetic3A_2018 : i32
        %mul3A_2020 = arith.constant 128 : i32
        %mul3A_2021 = arith.muli %shift_right_arithmetic3A_2019, %mul3A_2020 : i32
        %multiple_of3A_2022 = tpu.assume_multiple %mul3A_2021, 128 : i32
        %shift_right_arithmetic3A_2023 = arith.constant 7 : i32
        %shift_right_arithmetic3A_2024 = arith.shrsi %squeeze3A_2017, %shift_right_arithmetic3A_2023 : i32
        %mul3A_2025 = arith.constant 128 : i32
        %mul3A_2026 = arith.muli %shift_right_arithmetic3A_2024, %mul3A_2025 : i32
        %multiple_of3A_2027 = tpu.assume_multiple %mul3A_2026, 128 : i32
        %dma_start3A_2028 = arith.constant 2 : i32
        %dma_start3A_2029 = arith.constant 0 : i32
        %dma_start3A_2030 = arith.constant 0 : i32
        %dma_start3A_2031 = tpu.memref_slice %arg9[%dma_start3A_2028, %dma_start3A_2029, %dma_start3A_2030] : memref<8x32x128xf32, #tpu.memory_space<vmem>> -> memref<1x32x128xf32, #tpu.memory_space<vmem>>
        %dma_start3A_2032 = tpu.memref_squeeze %dma_start3A_2031 : memref<1x32x128xf32, #tpu.memory_space<vmem>> -> memref<32x128xf32, #tpu.memory_space<vmem>>
        %dma_start3A_2033 = arith.constant 0 : i32
        %dma_start3A_2034 = tpu.memref_slice %arg4[%dma_start3A_2033, %multiple_of3A_2022] : memref<32x1000000xf32, #tpu.memory_space<hbm>> -> memref<32x128xf32, #tpu.memory_space<hbm>>
        %dma_start3A_2035 = arith.constant 0 : i32
        %dma_start3A_2036 = arith.constant 0 : i32
        %dma_start3A_2037 = tpu.memref_slice %arg9[%dma_start3A_2028, %dma_start3A_2035, %dma_start3A_2036] : memref<8x32x128xf32, #tpu.memory_space<vmem>> -> memref<1x32x128xf32, #tpu.memory_space<vmem>>
        %dma_start3A_2038 = tpu.memref_squeeze %dma_start3A_2037 : memref<1x32x128xf32, #tpu.memory_space<vmem>> -> memref<32x128xf32, #tpu.memory_space<vmem>>
        %dma_start3A_2039 = arith.constant 0 : i32
        %dma_start3A_2040 = tpu.memref_slice %arg4[%dma_start3A_2039, %multiple_of3A_2022] : memref<32x1000000xf32, #tpu.memory_space<hbm>> -> memref<32x128xf32, #tpu.memory_space<hbm>>
        tpu.enqueue_dma source(%dma_start3A_2040 : memref<32x128xf32, #tpu.memory_space<hbm>>) target(%dma_start3A_2038 : memref<32x128xf32, #tpu.memory_space<vmem>>) target_semaphore(%arg12 : memref<!tpu.dma_semaphore, #tpu.memory_space<semaphore_mem>>)
        %dma_start3A_2041 = arith.constant 2 : i32
        %dma_start3A_2042 = arith.constant 0 : i32
        %dma_start3A_2043 = arith.constant 0 : i32
        %dma_start3A_2044 = tpu.memref_slice %arg10[%dma_start3A_2041, %dma_start3A_2042, %dma_start3A_2043] : memref<8x32x128xf32, #tpu.memory_space<vmem>> -> memref<1x32x128xf32, #tpu.memory_space<vmem>>
        %dma_start3A_2045 = tpu.memref_squeeze %dma_start3A_2044 : memref<1x32x128xf32, #tpu.memory_space<vmem>> -> memref<32x128xf32, #tpu.memory_space<vmem>>
        %dma_start3A_2046 = arith.constant 0 : i32
        %dma_start3A_2047 = tpu.memref_slice %arg5[%dma_start3A_2046, %multiple_of3A_2027] : memref<32x1000000xf32, #tpu.memory_space<hbm>> -> memref<32x128xf32, #tpu.memory_space<hbm>>
        %dma_start3A_2048 = arith.constant 0 : i32
        %dma_start3A_2049 = arith.constant 0 : i32
        %dma_start3A_2050 = tpu.memref_slice %arg10[%dma_start3A_2041, %dma_start3A_2048, %dma_start3A_2049] : memref<8x32x128xf32, #tpu.memory_space<vmem>> -> memref<1x32x128xf32, #tpu.memory_space<vmem>>
        %dma_start3A_2051 = tpu.memref_squeeze %dma_start3A_2050 : memref<1x32x128xf32, #tpu.memory_space<vmem>> -> memref<32x128xf32, #tpu.memory_space<vmem>>
        %dma_start3A_2052 = arith.constant 0 : i32
        %dma_start3A_2053 = tpu.memref_slice %arg5[%dma_start3A_2052, %multiple_of3A_2027] : memref<32x1000000xf32, #tpu.memory_space<hbm>> -> memref<32x128xf32, #tpu.memory_space<hbm>>
        tpu.enqueue_dma source(%dma_start3A_2053 : memref<32x128xf32, #tpu.memory_space<hbm>>) target(%dma_start3A_2051 : memref<32x128xf32, #tpu.memory_space<vmem>>) target_semaphore(%arg13 : memref<!tpu.dma_semaphore, #tpu.memory_space<semaphore_mem>>)
      } else {
      }
      %slice3A_1576 = vector.extract_strided_slice %get3A_330 {offsets = [11], sizes = [1], strides = [1]} : vector<16xi32> to vector<1xi32>
      %squeeze3A_1577 = vector.extract %slice3A_1576[0] : i32 from vector<1xi32>
      %and3A_1578 = arith.constant 127 : i32
      %and3A_1579 = arith.andi %squeeze3A_1577, %and3A_1578 : i32
      %broadcast_in_dim3A_1580 = vector.broadcast %and3A_1579 : i32 to vector<16xi32>
      %slice3A_1581 = vector.extract_strided_slice %get3A_334 {offsets = [11], sizes = [1], strides = [1]} : vector<16xi32> to vector<1xi32>
      %squeeze3A_1582 = vector.extract %slice3A_1581[0] : i32 from vector<1xi32>
      %and3A_1583 = arith.constant 127 : i32
      %and3A_1584 = arith.andi %squeeze3A_1582, %and3A_1583 : i32
      %broadcast_in_dim3A_1585 = vector.broadcast %and3A_1584 : i32 to vector<16xi32>
      %dma_wait3A_1586 = arith.constant 3 : i32
      %dma_wait3A_1587 = arith.constant 0 : i32
      %dma_wait3A_1588 = arith.constant 0 : i32
      %dma_wait3A_1589 = tpu.memref_slice %arg9[%dma_wait3A_1586, %dma_wait3A_1587, %dma_wait3A_1588] : memref<8x32x128xf32, #tpu.memory_space<vmem>> -> memref<1x32x128xf32, #tpu.memory_space<vmem>>
      %dma_wait3A_1590 = tpu.memref_squeeze %dma_wait3A_1589 : memref<1x32x128xf32, #tpu.memory_space<vmem>> -> memref<32x128xf32, #tpu.memory_space<vmem>>
      %dma_wait3A_1591 = arith.constant 0 : i32
      %dma_wait3A_1592 = arith.constant 0 : i32
      %dma_wait3A_1593 = tpu.memref_slice %arg4[%dma_wait3A_1591, %dma_wait3A_1592] : memref<32x1000000xf32, #tpu.memory_space<hbm>> -> memref<32x128xf32, #tpu.memory_space<hbm>>
      %dma_wait3A_1594 = arith.constant 0 : i32
      %dma_wait3A_1595 = arith.constant 0 : i32
      %dma_wait3A_1596 = tpu.memref_slice %arg9[%dma_wait3A_1586, %dma_wait3A_1594, %dma_wait3A_1595] : memref<8x32x128xf32, #tpu.memory_space<vmem>> -> memref<1x32x128xf32, #tpu.memory_space<vmem>>
      %dma_wait3A_1597 = tpu.memref_squeeze %dma_wait3A_1596 : memref<1x32x128xf32, #tpu.memory_space<vmem>> -> memref<32x128xf32, #tpu.memory_space<vmem>>
      %dma_wait3A_1598 = arith.constant 0 : i32
      %dma_wait3A_1599 = arith.constant 0 : i32
      %dma_wait3A_1600 = tpu.memref_slice %arg4[%dma_wait3A_1598, %dma_wait3A_1599] : memref<32x1000000xf32, #tpu.memory_space<hbm>> -> memref<32x128xf32, #tpu.memory_space<hbm>>
      tpu.wait_dma2 semaphore(%arg12 : memref<!tpu.dma_semaphore, #tpu.memory_space<semaphore_mem>>) src(%dma_wait3A_1600 : memref<32x128xf32, #tpu.memory_space<hbm>>) dst(%dma_wait3A_1597 : memref<32x128xf32, #tpu.memory_space<vmem>>)
      %dma_wait3A_1601 = arith.constant 3 : i32
      %dma_wait3A_1602 = arith.constant 0 : i32
      %dma_wait3A_1603 = arith.constant 0 : i32
      %dma_wait3A_1604 = tpu.memref_slice %arg10[%dma_wait3A_1601, %dma_wait3A_1602, %dma_wait3A_1603] : memref<8x32x128xf32, #tpu.memory_space<vmem>> -> memref<1x32x128xf32, #tpu.memory_space<vmem>>
      %dma_wait3A_1605 = tpu.memref_squeeze %dma_wait3A_1604 : memref<1x32x128xf32, #tpu.memory_space<vmem>> -> memref<32x128xf32, #tpu.memory_space<vmem>>
      %dma_wait3A_1606 = arith.constant 0 : i32
      %dma_wait3A_1607 = arith.constant 0 : i32
      %dma_wait3A_1608 = tpu.memref_slice %arg5[%dma_wait3A_1606, %dma_wait3A_1607] : memref<32x1000000xf32, #tpu.memory_space<hbm>> -> memref<32x128xf32, #tpu.memory_space<hbm>>
      %dma_wait3A_1609 = arith.constant 0 : i32
      %dma_wait3A_1610 = arith.constant 0 : i32
      %dma_wait3A_1611 = tpu.memref_slice %arg10[%dma_wait3A_1601, %dma_wait3A_1609, %dma_wait3A_1610] : memref<8x32x128xf32, #tpu.memory_space<vmem>> -> memref<1x32x128xf32, #tpu.memory_space<vmem>>
      %dma_wait3A_1612 = tpu.memref_squeeze %dma_wait3A_1611 : memref<1x32x128xf32, #tpu.memory_space<vmem>> -> memref<32x128xf32, #tpu.memory_space<vmem>>
      %dma_wait3A_1613 = arith.constant 0 : i32
      %dma_wait3A_1614 = arith.constant 0 : i32
      %dma_wait3A_1615 = tpu.memref_slice %arg5[%dma_wait3A_1613, %dma_wait3A_1614] : memref<32x1000000xf32, #tpu.memory_space<hbm>> -> memref<32x128xf32, #tpu.memory_space<hbm>>
      tpu.wait_dma2 semaphore(%arg13 : memref<!tpu.dma_semaphore, #tpu.memory_space<semaphore_mem>>) src(%dma_wait3A_1615 : memref<32x128xf32, #tpu.memory_space<hbm>>) dst(%dma_wait3A_1612 : memref<32x128xf32, #tpu.memory_space<vmem>>)
      %gather3A_1616 = arith.constant 3 : i32
      %gather3A_1617 = arith.constant 0 : i32
      %gather3A_1618 = arith.constant 0 : i32
      %gather3A_1619 = tpu.memref_slice %arg9[%gather3A_1616, %gather3A_1617, %gather3A_1618] : memref<8x32x128xf32, #tpu.memory_space<vmem>> -> memref<1x32x128xf32, #tpu.memory_space<vmem>>
      %gather3A_1620 = tpu.memref_squeeze %gather3A_1619 : memref<1x32x128xf32, #tpu.memory_space<vmem>> -> memref<32x128xf32, #tpu.memory_space<vmem>>
      %gather3A_1621 = tpu.vector_load_idx %gather3A_1620[%iota3A, %broadcast_in_dim3A_1580] : memref<32x128xf32, #tpu.memory_space<vmem>>[vector<16xi32>, vector<16xi32>], vector<16xf32>,
      %add3A_1622 = arith.constant 16 : i32
      %add3A_1623 = vector.broadcast %add3A_1622 : i32 to vector<16xi32>
      %add3A_1624 = arith.addi %iota3A, %add3A_1623 : vector<16xi32>
      %gather3A_1625 = arith.constant 3 : i32
      %gather3A_1626 = arith.constant 0 : i32
      %gather3A_1627 = arith.constant 0 : i32
      %gather3A_1628 = tpu.memref_slice %arg9[%gather3A_1625, %gather3A_1626, %gather3A_1627] : memref<8x32x128xf32, #tpu.memory_space<vmem>> -> memref<1x32x128xf32, #tpu.memory_space<vmem>>
      %gather3A_1629 = tpu.memref_squeeze %gather3A_1628 : memref<1x32x128xf32, #tpu.memory_space<vmem>> -> memref<32x128xf32, #tpu.memory_space<vmem>>
      %gather3A_1630 = tpu.vector_load_idx %gather3A_1629[%add3A_1624, %broadcast_in_dim3A_1580] : memref<32x128xf32, #tpu.memory_space<vmem>>[vector<16xi32>, vector<16xi32>], vector<16xf32>,
      %gather3A_1631 = arith.constant 3 : i32
      %gather3A_1632 = arith.constant 0 : i32
      %gather3A_1633 = arith.constant 0 : i32
      %gather3A_1634 = tpu.memref_slice %arg10[%gather3A_1631, %gather3A_1632, %gather3A_1633] : memref<8x32x128xf32, #tpu.memory_space<vmem>> -> memref<1x32x128xf32, #tpu.memory_space<vmem>>
      %gather3A_1635 = tpu.memref_squeeze %gather3A_1634 : memref<1x32x128xf32, #tpu.memory_space<vmem>> -> memref<32x128xf32, #tpu.memory_space<vmem>>
      %gather3A_1636 = tpu.vector_load_idx %gather3A_1635[%iota3A, %broadcast_in_dim3A_1585] : memref<32x128xf32, #tpu.memory_space<vmem>>[vector<16xi32>, vector<16xi32>], vector<16xf32>,
      %add3A_1637 = arith.constant 16 : i32
      %add3A_1638 = vector.broadcast %add3A_1637 : i32 to vector<16xi32>
      %add3A_1639 = arith.addi %iota3A, %add3A_1638 : vector<16xi32>
      %gather3A_1640 = arith.constant 3 : i32
      %gather3A_1641 = arith.constant 0 : i32
      %gather3A_1642 = arith.constant 0 : i32
      %gather3A_1643 = tpu.memref_slice %arg10[%gather3A_1640, %gather3A_1641, %gather3A_1642] : memref<8x32x128xf32, #tpu.memory_space<vmem>> -> memref<1x32x128xf32, #tpu.memory_space<vmem>>
      %gather3A_1644 = tpu.memref_squeeze %gather3A_1643 : memref<1x32x128xf32, #tpu.memory_space<vmem>> -> memref<32x128xf32, #tpu.memory_space<vmem>>
      %gather3A_1645 = tpu.vector_load_idx %gather3A_1644[%add3A_1639, %broadcast_in_dim3A_1585] : memref<32x128xf32, #tpu.memory_space<vmem>>[vector<16xi32>, vector<16xi32>], vector<16xf32>,
      %mul3A_1646 = arith.mulf %gather3A_1621, %gather3A_1636 : vector<16xf32>
      %mul3A_1647 = arith.mulf %gather3A_1630, %gather3A_1645 : vector<16xf32>
      %add3A_1648 = arith.addf %mul3A_1646, %mul3A_1647 : vector<16xf32>
      %reduce_sum3A_1649 = arith.constant true
      %reduce_sum3A_1650 = vector.broadcast %reduce_sum3A_1649 : i1 to vector<16xi1>
      %reduce_sum3A_1651 = tpu.scan <sum>, %add3A_1648 masked %reduce_sum3A_1650 : vector<16xf32>, vector<16xi1> -> vector<16xf32>
      %reduce_sum3A_1652 = vector.extract %reduce_sum3A_1651[15] : f32 from vector<16xf32>
      %eq3A_1653 = arith.constant 11 : i32
      %eq3A_1654 = vector.broadcast %eq3A_1653 : i32 to vector<16xi32>
      %eq3A_1655 = arith.cmpi eq, %iota3A, %eq3A_1654 : vector<16xi32>
      %broadcast_in_dim3A_1656 = vector.broadcast %reduce_sum3A_1652 : f32 to vector<16xf32>
      %select_n3A_1657 = arith.select %eq3A_1655, %broadcast_in_dim3A_1656, %select_n3A_1570 : vector<16xi1>, vector<16xf32>
      %lt3A_1658 = arith.constant 31 : i32
      %lt3A_1659 = arith.cmpi slt, %scan3A_326, %lt3A_1658 : i32
      %convert_element_type3A_1660 = arith.extui %lt3A_1659 : i1 to i32
      %cond3A_1661 = arith.constant 0 : i32
      %cond3A_1662 = arith.cmpi ne, %convert_element_type3A_1660, %cond3A_1661 : i32
      scf.if %cond3A_1662 {
        %slice3A_2014 = vector.extract_strided_slice %get3A_340 {offsets = [3], sizes = [1], strides = [1]} : vector<16xi32> to vector<1xi32>
        %squeeze3A_2015 = vector.extract %slice3A_2014[0] : i32 from vector<1xi32>
        %slice3A_2016 = vector.extract_strided_slice %get3A_346 {offsets = [3], sizes = [1], strides = [1]} : vector<16xi32> to vector<1xi32>
        %squeeze3A_2017 = vector.extract %slice3A_2016[0] : i32 from vector<1xi32>
        %shift_right_arithmetic3A_2018 = arith.constant 7 : i32
        %shift_right_arithmetic3A_2019 = arith.shrsi %squeeze3A_2015, %shift_right_arithmetic3A_2018 : i32
        %mul3A_2020 = arith.constant 128 : i32
        %mul3A_2021 = arith.muli %shift_right_arithmetic3A_2019, %mul3A_2020 : i32
        %multiple_of3A_2022 = tpu.assume_multiple %mul3A_2021, 128 : i32
        %shift_right_arithmetic3A_2023 = arith.constant 7 : i32
        %shift_right_arithmetic3A_2024 = arith.shrsi %squeeze3A_2017, %shift_right_arithmetic3A_2023 : i32
        %mul3A_2025 = arith.constant 128 : i32
        %mul3A_2026 = arith.muli %shift_right_arithmetic3A_2024, %mul3A_2025 : i32
        %multiple_of3A_2027 = tpu.assume_multiple %mul3A_2026, 128 : i32
        %dma_start3A_2028 = arith.constant 3 : i32
        %dma_start3A_2029 = arith.constant 0 : i32
        %dma_start3A_2030 = arith.constant 0 : i32
        %dma_start3A_2031 = tpu.memref_slice %arg9[%dma_start3A_2028, %dma_start3A_2029, %dma_start3A_2030] : memref<8x32x128xf32, #tpu.memory_space<vmem>> -> memref<1x32x128xf32, #tpu.memory_space<vmem>>
        %dma_start3A_2032 = tpu.memref_squeeze %dma_start3A_2031 : memref<1x32x128xf32, #tpu.memory_space<vmem>> -> memref<32x128xf32, #tpu.memory_space<vmem>>
        %dma_start3A_2033 = arith.constant 0 : i32
        %dma_start3A_2034 = tpu.memref_slice %arg4[%dma_start3A_2033, %multiple_of3A_2022] : memref<32x1000000xf32, #tpu.memory_space<hbm>> -> memref<32x128xf32, #tpu.memory_space<hbm>>
        %dma_start3A_2035 = arith.constant 0 : i32
        %dma_start3A_2036 = arith.constant 0 : i32
        %dma_start3A_2037 = tpu.memref_slice %arg9[%dma_start3A_2028, %dma_start3A_2035, %dma_start3A_2036] : memref<8x32x128xf32, #tpu.memory_space<vmem>> -> memref<1x32x128xf32, #tpu.memory_space<vmem>>
        %dma_start3A_2038 = tpu.memref_squeeze %dma_start3A_2037 : memref<1x32x128xf32, #tpu.memory_space<vmem>> -> memref<32x128xf32, #tpu.memory_space<vmem>>
        %dma_start3A_2039 = arith.constant 0 : i32
        %dma_start3A_2040 = tpu.memref_slice %arg4[%dma_start3A_2039, %multiple_of3A_2022] : memref<32x1000000xf32, #tpu.memory_space<hbm>> -> memref<32x128xf32, #tpu.memory_space<hbm>>
        tpu.enqueue_dma source(%dma_start3A_2040 : memref<32x128xf32, #tpu.memory_space<hbm>>) target(%dma_start3A_2038 : memref<32x128xf32, #tpu.memory_space<vmem>>) target_semaphore(%arg12 : memref<!tpu.dma_semaphore, #tpu.memory_space<semaphore_mem>>)
        %dma_start3A_2041 = arith.constant 3 : i32
        %dma_start3A_2042 = arith.constant 0 : i32
        %dma_start3A_2043 = arith.constant 0 : i32
        %dma_start3A_2044 = tpu.memref_slice %arg10[%dma_start3A_2041, %dma_start3A_2042, %dma_start3A_2043] : memref<8x32x128xf32, #tpu.memory_space<vmem>> -> memref<1x32x128xf32, #tpu.memory_space<vmem>>
        %dma_start3A_2045 = tpu.memref_squeeze %dma_start3A_2044 : memref<1x32x128xf32, #tpu.memory_space<vmem>> -> memref<32x128xf32, #tpu.memory_space<vmem>>
        %dma_start3A_2046 = arith.constant 0 : i32
        %dma_start3A_2047 = tpu.memref_slice %arg5[%dma_start3A_2046, %multiple_of3A_2027] : memref<32x1000000xf32, #tpu.memory_space<hbm>> -> memref<32x128xf32, #tpu.memory_space<hbm>>
        %dma_start3A_2048 = arith.constant 0 : i32
        %dma_start3A_2049 = arith.constant 0 : i32
        %dma_start3A_2050 = tpu.memref_slice %arg10[%dma_start3A_2041, %dma_start3A_2048, %dma_start3A_2049] : memref<8x32x128xf32, #tpu.memory_space<vmem>> -> memref<1x32x128xf32, #tpu.memory_space<vmem>>
        %dma_start3A_2051 = tpu.memref_squeeze %dma_start3A_2050 : memref<1x32x128xf32, #tpu.memory_space<vmem>> -> memref<32x128xf32, #tpu.memory_space<vmem>>
        %dma_start3A_2052 = arith.constant 0 : i32
        %dma_start3A_2053 = tpu.memref_slice %arg5[%dma_start3A_2052, %multiple_of3A_2027] : memref<32x1000000xf32, #tpu.memory_space<hbm>> -> memref<32x128xf32, #tpu.memory_space<hbm>>
        tpu.enqueue_dma source(%dma_start3A_2053 : memref<32x128xf32, #tpu.memory_space<hbm>>) target(%dma_start3A_2051 : memref<32x128xf32, #tpu.memory_space<vmem>>) target_semaphore(%arg13 : memref<!tpu.dma_semaphore, #tpu.memory_space<semaphore_mem>>)
      } else {
      }
      %slice3A_1663 = vector.extract_strided_slice %get3A_330 {offsets = [12], sizes = [1], strides = [1]} : vector<16xi32> to vector<1xi32>
      %squeeze3A_1664 = vector.extract %slice3A_1663[0] : i32 from vector<1xi32>
      %and3A_1665 = arith.constant 127 : i32
      %and3A_1666 = arith.andi %squeeze3A_1664, %and3A_1665 : i32
      %broadcast_in_dim3A_1667 = vector.broadcast %and3A_1666 : i32 to vector<16xi32>
      %slice3A_1668 = vector.extract_strided_slice %get3A_334 {offsets = [12], sizes = [1], strides = [1]} : vector<16xi32> to vector<1xi32>
      %squeeze3A_1669 = vector.extract %slice3A_1668[0] : i32 from vector<1xi32>
      %and3A_1670 = arith.constant 127 : i32
      %and3A_1671 = arith.andi %squeeze3A_1669, %and3A_1670 : i32
      %broadcast_in_dim3A_1672 = vector.broadcast %and3A_1671 : i32 to vector<16xi32>
      %dma_wait3A_1673 = arith.constant 4 : i32
      %dma_wait3A_1674 = arith.constant 0 : i32
      %dma_wait3A_1675 = arith.constant 0 : i32
      %dma_wait3A_1676 = tpu.memref_slice %arg9[%dma_wait3A_1673, %dma_wait3A_1674, %dma_wait3A_1675] : memref<8x32x128xf32, #tpu.memory_space<vmem>> -> memref<1x32x128xf32, #tpu.memory_space<vmem>>
      %dma_wait3A_1677 = tpu.memref_squeeze %dma_wait3A_1676 : memref<1x32x128xf32, #tpu.memory_space<vmem>> -> memref<32x128xf32, #tpu.memory_space<vmem>>
      %dma_wait3A_1678 = arith.constant 0 : i32
      %dma_wait3A_1679 = arith.constant 0 : i32
      %dma_wait3A_1680 = tpu.memref_slice %arg4[%dma_wait3A_1678, %dma_wait3A_1679] : memref<32x1000000xf32, #tpu.memory_space<hbm>> -> memref<32x128xf32, #tpu.memory_space<hbm>>
      %dma_wait3A_1681 = arith.constant 0 : i32
      %dma_wait3A_1682 = arith.constant 0 : i32
      %dma_wait3A_1683 = tpu.memref_slice %arg9[%dma_wait3A_1673, %dma_wait3A_1681, %dma_wait3A_1682] : memref<8x32x128xf32, #tpu.memory_space<vmem>> -> memref<1x32x128xf32, #tpu.memory_space<vmem>>
      %dma_wait3A_1684 = tpu.memref_squeeze %dma_wait3A_1683 : memref<1x32x128xf32, #tpu.memory_space<vmem>> -> memref<32x128xf32, #tpu.memory_space<vmem>>
      %dma_wait3A_1685 = arith.constant 0 : i32
      %dma_wait3A_1686 = arith.constant 0 : i32
      %dma_wait3A_1687 = tpu.memref_slice %arg4[%dma_wait3A_1685, %dma_wait3A_1686] : memref<32x1000000xf32, #tpu.memory_space<hbm>> -> memref<32x128xf32, #tpu.memory_space<hbm>>
      tpu.wait_dma2 semaphore(%arg12 : memref<!tpu.dma_semaphore, #tpu.memory_space<semaphore_mem>>) src(%dma_wait3A_1687 : memref<32x128xf32, #tpu.memory_space<hbm>>) dst(%dma_wait3A_1684 : memref<32x128xf32, #tpu.memory_space<vmem>>)
      %dma_wait3A_1688 = arith.constant 4 : i32
      %dma_wait3A_1689 = arith.constant 0 : i32
      %dma_wait3A_1690 = arith.constant 0 : i32
      %dma_wait3A_1691 = tpu.memref_slice %arg10[%dma_wait3A_1688, %dma_wait3A_1689, %dma_wait3A_1690] : memref<8x32x128xf32, #tpu.memory_space<vmem>> -> memref<1x32x128xf32, #tpu.memory_space<vmem>>
      %dma_wait3A_1692 = tpu.memref_squeeze %dma_wait3A_1691 : memref<1x32x128xf32, #tpu.memory_space<vmem>> -> memref<32x128xf32, #tpu.memory_space<vmem>>
      %dma_wait3A_1693 = arith.constant 0 : i32
      %dma_wait3A_1694 = arith.constant 0 : i32
      %dma_wait3A_1695 = tpu.memref_slice %arg5[%dma_wait3A_1693, %dma_wait3A_1694] : memref<32x1000000xf32, #tpu.memory_space<hbm>> -> memref<32x128xf32, #tpu.memory_space<hbm>>
      %dma_wait3A_1696 = arith.constant 0 : i32
      %dma_wait3A_1697 = arith.constant 0 : i32
      %dma_wait3A_1698 = tpu.memref_slice %arg10[%dma_wait3A_1688, %dma_wait3A_1696, %dma_wait3A_1697] : memref<8x32x128xf32, #tpu.memory_space<vmem>> -> memref<1x32x128xf32, #tpu.memory_space<vmem>>
      %dma_wait3A_1699 = tpu.memref_squeeze %dma_wait3A_1698 : memref<1x32x128xf32, #tpu.memory_space<vmem>> -> memref<32x128xf32, #tpu.memory_space<vmem>>
      %dma_wait3A_1700 = arith.constant 0 : i32
      %dma_wait3A_1701 = arith.constant 0 : i32
      %dma_wait3A_1702 = tpu.memref_slice %arg5[%dma_wait3A_1700, %dma_wait3A_1701] : memref<32x1000000xf32, #tpu.memory_space<hbm>> -> memref<32x128xf32, #tpu.memory_space<hbm>>
      tpu.wait_dma2 semaphore(%arg13 : memref<!tpu.dma_semaphore, #tpu.memory_space<semaphore_mem>>) src(%dma_wait3A_1702 : memref<32x128xf32, #tpu.memory_space<hbm>>) dst(%dma_wait3A_1699 : memref<32x128xf32, #tpu.memory_space<vmem>>)
      %gather3A_1703 = arith.constant 4 : i32
      %gather3A_1704 = arith.constant 0 : i32
      %gather3A_1705 = arith.constant 0 : i32
      %gather3A_1706 = tpu.memref_slice %arg9[%gather3A_1703, %gather3A_1704, %gather3A_1705] : memref<8x32x128xf32, #tpu.memory_space<vmem>> -> memref<1x32x128xf32, #tpu.memory_space<vmem>>
      %gather3A_1707 = tpu.memref_squeeze %gather3A_1706 : memref<1x32x128xf32, #tpu.memory_space<vmem>> -> memref<32x128xf32, #tpu.memory_space<vmem>>
      %gather3A_1708 = tpu.vector_load_idx %gather3A_1707[%iota3A, %broadcast_in_dim3A_1667] : memref<32x128xf32, #tpu.memory_space<vmem>>[vector<16xi32>, vector<16xi32>], vector<16xf32>,
      %add3A_1709 = arith.constant 16 : i32
      %add3A_1710 = vector.broadcast %add3A_1709 : i32 to vector<16xi32>
      %add3A_1711 = arith.addi %iota3A, %add3A_1710 : vector<16xi32>
      %gather3A_1712 = arith.constant 4 : i32
      %gather3A_1713 = arith.constant 0 : i32
      %gather3A_1714 = arith.constant 0 : i32
      %gather3A_1715 = tpu.memref_slice %arg9[%gather3A_1712, %gather3A_1713, %gather3A_1714] : memref<8x32x128xf32, #tpu.memory_space<vmem>> -> memref<1x32x128xf32, #tpu.memory_space<vmem>>
      %gather3A_1716 = tpu.memref_squeeze %gather3A_1715 : memref<1x32x128xf32, #tpu.memory_space<vmem>> -> memref<32x128xf32, #tpu.memory_space<vmem>>
      %gather3A_1717 = tpu.vector_load_idx %gather3A_1716[%add3A_1711, %broadcast_in_dim3A_1667] : memref<32x128xf32, #tpu.memory_space<vmem>>[vector<16xi32>, vector<16xi32>], vector<16xf32>,
      %gather3A_1718 = arith.constant 4 : i32
      %gather3A_1719 = arith.constant 0 : i32
      %gather3A_1720 = arith.constant 0 : i32
      %gather3A_1721 = tpu.memref_slice %arg10[%gather3A_1718, %gather3A_1719, %gather3A_1720] : memref<8x32x128xf32, #tpu.memory_space<vmem>> -> memref<1x32x128xf32, #tpu.memory_space<vmem>>
      %gather3A_1722 = tpu.memref_squeeze %gather3A_1721 : memref<1x32x128xf32, #tpu.memory_space<vmem>> -> memref<32x128xf32, #tpu.memory_space<vmem>>
      %gather3A_1723 = tpu.vector_load_idx %gather3A_1722[%iota3A, %broadcast_in_dim3A_1672] : memref<32x128xf32, #tpu.memory_space<vmem>>[vector<16xi32>, vector<16xi32>], vector<16xf32>,
      %add3A_1724 = arith.constant 16 : i32
      %add3A_1725 = vector.broadcast %add3A_1724 : i32 to vector<16xi32>
      %add3A_1726 = arith.addi %iota3A, %add3A_1725 : vector<16xi32>
      %gather3A_1727 = arith.constant 4 : i32
      %gather3A_1728 = arith.constant 0 : i32
      %gather3A_1729 = arith.constant 0 : i32
      %gather3A_1730 = tpu.memref_slice %arg10[%gather3A_1727, %gather3A_1728, %gather3A_1729] : memref<8x32x128xf32, #tpu.memory_space<vmem>> -> memref<1x32x128xf32, #tpu.memory_space<vmem>>
      %gather3A_1731 = tpu.memref_squeeze %gather3A_1730 : memref<1x32x128xf32, #tpu.memory_space<vmem>> -> memref<32x128xf32, #tpu.memory_space<vmem>>
      %gather3A_1732 = tpu.vector_load_idx %gather3A_1731[%add3A_1726, %broadcast_in_dim3A_1672] : memref<32x128xf32, #tpu.memory_space<vmem>>[vector<16xi32>, vector<16xi32>], vector<16xf32>,
      %mul3A_1733 = arith.mulf %gather3A_1708, %gather3A_1723 : vector<16xf32>
      %mul3A_1734 = arith.mulf %gather3A_1717, %gather3A_1732 : vector<16xf32>
      %add3A_1735 = arith.addf %mul3A_1733, %mul3A_1734 : vector<16xf32>
      %reduce_sum3A_1736 = arith.constant true
      %reduce_sum3A_1737 = vector.broadcast %reduce_sum3A_1736 : i1 to vector<16xi1>
      %reduce_sum3A_1738 = tpu.scan <sum>, %add3A_1735 masked %reduce_sum3A_1737 : vector<16xf32>, vector<16xi1> -> vector<16xf32>
      %reduce_sum3A_1739 = vector.extract %reduce_sum3A_1738[15] : f32 from vector<16xf32>
      %eq3A_1740 = arith.constant 12 : i32
      %eq3A_1741 = vector.broadcast %eq3A_1740 : i32 to vector<16xi32>
      %eq3A_1742 = arith.cmpi eq, %iota3A, %eq3A_1741 : vector<16xi32>
      %broadcast_in_dim3A_1743 = vector.broadcast %reduce_sum3A_1739 : f32 to vector<16xf32>
      %select_n3A_1744 = arith.select %eq3A_1742, %broadcast_in_dim3A_1743, %select_n3A_1657 : vector<16xi1>, vector<16xf32>
      %lt3A_1745 = arith.constant 31 : i32
      %lt3A_1746 = arith.cmpi slt, %scan3A_326, %lt3A_1745 : i32
      %convert_element_type3A_1747 = arith.extui %lt3A_1746 : i1 to i32
      %cond3A_1748 = arith.constant 0 : i32
      %cond3A_1749 = arith.cmpi ne, %convert_element_type3A_1747, %cond3A_1748 : i32
      scf.if %cond3A_1749 {
        %slice3A_2014 = vector.extract_strided_slice %get3A_340 {offsets = [4], sizes = [1], strides = [1]} : vector<16xi32> to vector<1xi32>
        %squeeze3A_2015 = vector.extract %slice3A_2014[0] : i32 from vector<1xi32>
        %slice3A_2016 = vector.extract_strided_slice %get3A_346 {offsets = [4], sizes = [1], strides = [1]} : vector<16xi32> to vector<1xi32>
        %squeeze3A_2017 = vector.extract %slice3A_2016[0] : i32 from vector<1xi32>
        %shift_right_arithmetic3A_2018 = arith.constant 7 : i32
        %shift_right_arithmetic3A_2019 = arith.shrsi %squeeze3A_2015, %shift_right_arithmetic3A_2018 : i32
        %mul3A_2020 = arith.constant 128 : i32
        %mul3A_2021 = arith.muli %shift_right_arithmetic3A_2019, %mul3A_2020 : i32
        %multiple_of3A_2022 = tpu.assume_multiple %mul3A_2021, 128 : i32
        %shift_right_arithmetic3A_2023 = arith.constant 7 : i32
        %shift_right_arithmetic3A_2024 = arith.shrsi %squeeze3A_2017, %shift_right_arithmetic3A_2023 : i32
        %mul3A_2025 = arith.constant 128 : i32
        %mul3A_2026 = arith.muli %shift_right_arithmetic3A_2024, %mul3A_2025 : i32
        %multiple_of3A_2027 = tpu.assume_multiple %mul3A_2026, 128 : i32
        %dma_start3A_2028 = arith.constant 4 : i32
        %dma_start3A_2029 = arith.constant 0 : i32
        %dma_start3A_2030 = arith.constant 0 : i32
        %dma_start3A_2031 = tpu.memref_slice %arg9[%dma_start3A_2028, %dma_start3A_2029, %dma_start3A_2030] : memref<8x32x128xf32, #tpu.memory_space<vmem>> -> memref<1x32x128xf32, #tpu.memory_space<vmem>>
        %dma_start3A_2032 = tpu.memref_squeeze %dma_start3A_2031 : memref<1x32x128xf32, #tpu.memory_space<vmem>> -> memref<32x128xf32, #tpu.memory_space<vmem>>
        %dma_start3A_2033 = arith.constant 0 : i32
        %dma_start3A_2034 = tpu.memref_slice %arg4[%dma_start3A_2033, %multiple_of3A_2022] : memref<32x1000000xf32, #tpu.memory_space<hbm>> -> memref<32x128xf32, #tpu.memory_space<hbm>>
        %dma_start3A_2035 = arith.constant 0 : i32
        %dma_start3A_2036 = arith.constant 0 : i32
        %dma_start3A_2037 = tpu.memref_slice %arg9[%dma_start3A_2028, %dma_start3A_2035, %dma_start3A_2036] : memref<8x32x128xf32, #tpu.memory_space<vmem>> -> memref<1x32x128xf32, #tpu.memory_space<vmem>>
        %dma_start3A_2038 = tpu.memref_squeeze %dma_start3A_2037 : memref<1x32x128xf32, #tpu.memory_space<vmem>> -> memref<32x128xf32, #tpu.memory_space<vmem>>
        %dma_start3A_2039 = arith.constant 0 : i32
        %dma_start3A_2040 = tpu.memref_slice %arg4[%dma_start3A_2039, %multiple_of3A_2022] : memref<32x1000000xf32, #tpu.memory_space<hbm>> -> memref<32x128xf32, #tpu.memory_space<hbm>>
        tpu.enqueue_dma source(%dma_start3A_2040 : memref<32x128xf32, #tpu.memory_space<hbm>>) target(%dma_start3A_2038 : memref<32x128xf32, #tpu.memory_space<vmem>>) target_semaphore(%arg12 : memref<!tpu.dma_semaphore, #tpu.memory_space<semaphore_mem>>)
        %dma_start3A_2041 = arith.constant 4 : i32
        %dma_start3A_2042 = arith.constant 0 : i32
        %dma_start3A_2043 = arith.constant 0 : i32
        %dma_start3A_2044 = tpu.memref_slice %arg10[%dma_start3A_2041, %dma_start3A_2042, %dma_start3A_2043] : memref<8x32x128xf32, #tpu.memory_space<vmem>> -> memref<1x32x128xf32, #tpu.memory_space<vmem>>
        %dma_start3A_2045 = tpu.memref_squeeze %dma_start3A_2044 : memref<1x32x128xf32, #tpu.memory_space<vmem>> -> memref<32x128xf32, #tpu.memory_space<vmem>>
        %dma_start3A_2046 = arith.constant 0 : i32
        %dma_start3A_2047 = tpu.memref_slice %arg5[%dma_start3A_2046, %multiple_of3A_2027] : memref<32x1000000xf32, #tpu.memory_space<hbm>> -> memref<32x128xf32, #tpu.memory_space<hbm>>
        %dma_start3A_2048 = arith.constant 0 : i32
        %dma_start3A_2049 = arith.constant 0 : i32
        %dma_start3A_2050 = tpu.memref_slice %arg10[%dma_start3A_2041, %dma_start3A_2048, %dma_start3A_2049] : memref<8x32x128xf32, #tpu.memory_space<vmem>> -> memref<1x32x128xf32, #tpu.memory_space<vmem>>
        %dma_start3A_2051 = tpu.memref_squeeze %dma_start3A_2050 : memref<1x32x128xf32, #tpu.memory_space<vmem>> -> memref<32x128xf32, #tpu.memory_space<vmem>>
        %dma_start3A_2052 = arith.constant 0 : i32
        %dma_start3A_2053 = tpu.memref_slice %arg5[%dma_start3A_2052, %multiple_of3A_2027] : memref<32x1000000xf32, #tpu.memory_space<hbm>> -> memref<32x128xf32, #tpu.memory_space<hbm>>
        tpu.enqueue_dma source(%dma_start3A_2053 : memref<32x128xf32, #tpu.memory_space<hbm>>) target(%dma_start3A_2051 : memref<32x128xf32, #tpu.memory_space<vmem>>) target_semaphore(%arg13 : memref<!tpu.dma_semaphore, #tpu.memory_space<semaphore_mem>>)
      } else {
      }
      %slice3A_1750 = vector.extract_strided_slice %get3A_330 {offsets = [13], sizes = [1], strides = [1]} : vector<16xi32> to vector<1xi32>
      %squeeze3A_1751 = vector.extract %slice3A_1750[0] : i32 from vector<1xi32>
      %and3A_1752 = arith.constant 127 : i32
      %and3A_1753 = arith.andi %squeeze3A_1751, %and3A_1752 : i32
      %broadcast_in_dim3A_1754 = vector.broadcast %and3A_1753 : i32 to vector<16xi32>
      %slice3A_1755 = vector.extract_strided_slice %get3A_334 {offsets = [13], sizes = [1], strides = [1]} : vector<16xi32> to vector<1xi32>
      %squeeze3A_1756 = vector.extract %slice3A_1755[0] : i32 from vector<1xi32>
      %and3A_1757 = arith.constant 127 : i32
      %and3A_1758 = arith.andi %squeeze3A_1756, %and3A_1757 : i32
      %broadcast_in_dim3A_1759 = vector.broadcast %and3A_1758 : i32 to vector<16xi32>
      %dma_wait3A_1760 = arith.constant 5 : i32
      %dma_wait3A_1761 = arith.constant 0 : i32
      %dma_wait3A_1762 = arith.constant 0 : i32
      %dma_wait3A_1763 = tpu.memref_slice %arg9[%dma_wait3A_1760, %dma_wait3A_1761, %dma_wait3A_1762] : memref<8x32x128xf32, #tpu.memory_space<vmem>> -> memref<1x32x128xf32, #tpu.memory_space<vmem>>
      %dma_wait3A_1764 = tpu.memref_squeeze %dma_wait3A_1763 : memref<1x32x128xf32, #tpu.memory_space<vmem>> -> memref<32x128xf32, #tpu.memory_space<vmem>>
      %dma_wait3A_1765 = arith.constant 0 : i32
      %dma_wait3A_1766 = arith.constant 0 : i32
      %dma_wait3A_1767 = tpu.memref_slice %arg4[%dma_wait3A_1765, %dma_wait3A_1766] : memref<32x1000000xf32, #tpu.memory_space<hbm>> -> memref<32x128xf32, #tpu.memory_space<hbm>>
      %dma_wait3A_1768 = arith.constant 0 : i32
      %dma_wait3A_1769 = arith.constant 0 : i32
      %dma_wait3A_1770 = tpu.memref_slice %arg9[%dma_wait3A_1760, %dma_wait3A_1768, %dma_wait3A_1769] : memref<8x32x128xf32, #tpu.memory_space<vmem>> -> memref<1x32x128xf32, #tpu.memory_space<vmem>>
      %dma_wait3A_1771 = tpu.memref_squeeze %dma_wait3A_1770 : memref<1x32x128xf32, #tpu.memory_space<vmem>> -> memref<32x128xf32, #tpu.memory_space<vmem>>
      %dma_wait3A_1772 = arith.constant 0 : i32
      %dma_wait3A_1773 = arith.constant 0 : i32
      %dma_wait3A_1774 = tpu.memref_slice %arg4[%dma_wait3A_1772, %dma_wait3A_1773] : memref<32x1000000xf32, #tpu.memory_space<hbm>> -> memref<32x128xf32, #tpu.memory_space<hbm>>
      tpu.wait_dma2 semaphore(%arg12 : memref<!tpu.dma_semaphore, #tpu.memory_space<semaphore_mem>>) src(%dma_wait3A_1774 : memref<32x128xf32, #tpu.memory_space<hbm>>) dst(%dma_wait3A_1771 : memref<32x128xf32, #tpu.memory_space<vmem>>)
      %dma_wait3A_1775 = arith.constant 5 : i32
      %dma_wait3A_1776 = arith.constant 0 : i32
      %dma_wait3A_1777 = arith.constant 0 : i32
      %dma_wait3A_1778 = tpu.memref_slice %arg10[%dma_wait3A_1775, %dma_wait3A_1776, %dma_wait3A_1777] : memref<8x32x128xf32, #tpu.memory_space<vmem>> -> memref<1x32x128xf32, #tpu.memory_space<vmem>>
      %dma_wait3A_1779 = tpu.memref_squeeze %dma_wait3A_1778 : memref<1x32x128xf32, #tpu.memory_space<vmem>> -> memref<32x128xf32, #tpu.memory_space<vmem>>
      %dma_wait3A_1780 = arith.constant 0 : i32
      %dma_wait3A_1781 = arith.constant 0 : i32
      %dma_wait3A_1782 = tpu.memref_slice %arg5[%dma_wait3A_1780, %dma_wait3A_1781] : memref<32x1000000xf32, #tpu.memory_space<hbm>> -> memref<32x128xf32, #tpu.memory_space<hbm>>
      %dma_wait3A_1783 = arith.constant 0 : i32
      %dma_wait3A_1784 = arith.constant 0 : i32
      %dma_wait3A_1785 = tpu.memref_slice %arg10[%dma_wait3A_1775, %dma_wait3A_1783, %dma_wait3A_1784] : memref<8x32x128xf32, #tpu.memory_space<vmem>> -> memref<1x32x128xf32, #tpu.memory_space<vmem>>
      %dma_wait3A_1786 = tpu.memref_squeeze %dma_wait3A_1785 : memref<1x32x128xf32, #tpu.memory_space<vmem>> -> memref<32x128xf32, #tpu.memory_space<vmem>>
      %dma_wait3A_1787 = arith.constant 0 : i32
      %dma_wait3A_1788 = arith.constant 0 : i32
      %dma_wait3A_1789 = tpu.memref_slice %arg5[%dma_wait3A_1787, %dma_wait3A_1788] : memref<32x1000000xf32, #tpu.memory_space<hbm>> -> memref<32x128xf32, #tpu.memory_space<hbm>>
      tpu.wait_dma2 semaphore(%arg13 : memref<!tpu.dma_semaphore, #tpu.memory_space<semaphore_mem>>) src(%dma_wait3A_1789 : memref<32x128xf32, #tpu.memory_space<hbm>>) dst(%dma_wait3A_1786 : memref<32x128xf32, #tpu.memory_space<vmem>>)
      %gather3A_1790 = arith.constant 5 : i32
      %gather3A_1791 = arith.constant 0 : i32
      %gather3A_1792 = arith.constant 0 : i32
      %gather3A_1793 = tpu.memref_slice %arg9[%gather3A_1790, %gather3A_1791, %gather3A_1792] : memref<8x32x128xf32, #tpu.memory_space<vmem>> -> memref<1x32x128xf32, #tpu.memory_space<vmem>>
      %gather3A_1794 = tpu.memref_squeeze %gather3A_1793 : memref<1x32x128xf32, #tpu.memory_space<vmem>> -> memref<32x128xf32, #tpu.memory_space<vmem>>
      %gather3A_1795 = tpu.vector_load_idx %gather3A_1794[%iota3A, %broadcast_in_dim3A_1754] : memref<32x128xf32, #tpu.memory_space<vmem>>[vector<16xi32>, vector<16xi32>], vector<16xf32>,
      %add3A_1796 = arith.constant 16 : i32
      %add3A_1797 = vector.broadcast %add3A_1796 : i32 to vector<16xi32>
      %add3A_1798 = arith.addi %iota3A, %add3A_1797 : vector<16xi32>
      %gather3A_1799 = arith.constant 5 : i32
      %gather3A_1800 = arith.constant 0 : i32
      %gather3A_1801 = arith.constant 0 : i32
      %gather3A_1802 = tpu.memref_slice %arg9[%gather3A_1799, %gather3A_1800, %gather3A_1801] : memref<8x32x128xf32, #tpu.memory_space<vmem>> -> memref<1x32x128xf32, #tpu.memory_space<vmem>>
      %gather3A_1803 = tpu.memref_squeeze %gather3A_1802 : memref<1x32x128xf32, #tpu.memory_space<vmem>> -> memref<32x128xf32, #tpu.memory_space<vmem>>
      %gather3A_1804 = tpu.vector_load_idx %gather3A_1803[%add3A_1798, %broadcast_in_dim3A_1754] : memref<32x128xf32, #tpu.memory_space<vmem>>[vector<16xi32>, vector<16xi32>], vector<16xf32>,
      %gather3A_1805 = arith.constant 5 : i32
      %gather3A_1806 = arith.constant 0 : i32
      %gather3A_1807 = arith.constant 0 : i32
      %gather3A_1808 = tpu.memref_slice %arg10[%gather3A_1805, %gather3A_1806, %gather3A_1807] : memref<8x32x128xf32, #tpu.memory_space<vmem>> -> memref<1x32x128xf32, #tpu.memory_space<vmem>>
      %gather3A_1809 = tpu.memref_squeeze %gather3A_1808 : memref<1x32x128xf32, #tpu.memory_space<vmem>> -> memref<32x128xf32, #tpu.memory_space<vmem>>
      %gather3A_1810 = tpu.vector_load_idx %gather3A_1809[%iota3A, %broadcast_in_dim3A_1759] : memref<32x128xf32, #tpu.memory_space<vmem>>[vector<16xi32>, vector<16xi32>], vector<16xf32>,
      %add3A_1811 = arith.constant 16 : i32
      %add3A_1812 = vector.broadcast %add3A_1811 : i32 to vector<16xi32>
      %add3A_1813 = arith.addi %iota3A, %add3A_1812 : vector<16xi32>
      %gather3A_1814 = arith.constant 5 : i32
      %gather3A_1815 = arith.constant 0 : i32
      %gather3A_1816 = arith.constant 0 : i32
      %gather3A_1817 = tpu.memref_slice %arg10[%gather3A_1814, %gather3A_1815, %gather3A_1816] : memref<8x32x128xf32, #tpu.memory_space<vmem>> -> memref<1x32x128xf32, #tpu.memory_space<vmem>>
      %gather3A_1818 = tpu.memref_squeeze %gather3A_1817 : memref<1x32x128xf32, #tpu.memory_space<vmem>> -> memref<32x128xf32, #tpu.memory_space<vmem>>
      %gather3A_1819 = tpu.vector_load_idx %gather3A_1818[%add3A_1813, %broadcast_in_dim3A_1759] : memref<32x128xf32, #tpu.memory_space<vmem>>[vector<16xi32>, vector<16xi32>], vector<16xf32>,
      %mul3A_1820 = arith.mulf %gather3A_1795, %gather3A_1810 : vector<16xf32>
      %mul3A_1821 = arith.mulf %gather3A_1804, %gather3A_1819 : vector<16xf32>
      %add3A_1822 = arith.addf %mul3A_1820, %mul3A_1821 : vector<16xf32>
      %reduce_sum3A_1823 = arith.constant true
      %reduce_sum3A_1824 = vector.broadcast %reduce_sum3A_1823 : i1 to vector<16xi1>
      %reduce_sum3A_1825 = tpu.scan <sum>, %add3A_1822 masked %reduce_sum3A_1824 : vector<16xf32>, vector<16xi1> -> vector<16xf32>
      %reduce_sum3A_1826 = vector.extract %reduce_sum3A_1825[15] : f32 from vector<16xf32>
      %eq3A_1827 = arith.constant 13 : i32
      %eq3A_1828 = vector.broadcast %eq3A_1827 : i32 to vector<16xi32>
      %eq3A_1829 = arith.cmpi eq, %iota3A, %eq3A_1828 : vector<16xi32>
      %broadcast_in_dim3A_1830 = vector.broadcast %reduce_sum3A_1826 : f32 to vector<16xf32>
      %select_n3A_1831 = arith.select %eq3A_1829, %broadcast_in_dim3A_1830, %select_n3A_1744 : vector<16xi1>, vector<16xf32>
      %lt3A_1832 = arith.constant 31 : i32
      %lt3A_1833 = arith.cmpi slt, %scan3A_326, %lt3A_1832 : i32
      %convert_element_type3A_1834 = arith.extui %lt3A_1833 : i1 to i32
      %cond3A_1835 = arith.constant 0 : i32
      %cond3A_1836 = arith.cmpi ne, %convert_element_type3A_1834, %cond3A_1835 : i32
      scf.if %cond3A_1836 {
        %slice3A_2014 = vector.extract_strided_slice %get3A_340 {offsets = [5], sizes = [1], strides = [1]} : vector<16xi32> to vector<1xi32>
        %squeeze3A_2015 = vector.extract %slice3A_2014[0] : i32 from vector<1xi32>
        %slice3A_2016 = vector.extract_strided_slice %get3A_346 {offsets = [5], sizes = [1], strides = [1]} : vector<16xi32> to vector<1xi32>
        %squeeze3A_2017 = vector.extract %slice3A_2016[0] : i32 from vector<1xi32>
        %shift_right_arithmetic3A_2018 = arith.constant 7 : i32
        %shift_right_arithmetic3A_2019 = arith.shrsi %squeeze3A_2015, %shift_right_arithmetic3A_2018 : i32
        %mul3A_2020 = arith.constant 128 : i32
        %mul3A_2021 = arith.muli %shift_right_arithmetic3A_2019, %mul3A_2020 : i32
        %multiple_of3A_2022 = tpu.assume_multiple %mul3A_2021, 128 : i32
        %shift_right_arithmetic3A_2023 = arith.constant 7 : i32
        %shift_right_arithmetic3A_2024 = arith.shrsi %squeeze3A_2017, %shift_right_arithmetic3A_2023 : i32
        %mul3A_2025 = arith.constant 128 : i32
        %mul3A_2026 = arith.muli %shift_right_arithmetic3A_2024, %mul3A_2025 : i32
        %multiple_of3A_2027 = tpu.assume_multiple %mul3A_2026, 128 : i32
        %dma_start3A_2028 = arith.constant 5 : i32
        %dma_start3A_2029 = arith.constant 0 : i32
        %dma_start3A_2030 = arith.constant 0 : i32
        %dma_start3A_2031 = tpu.memref_slice %arg9[%dma_start3A_2028, %dma_start3A_2029, %dma_start3A_2030] : memref<8x32x128xf32, #tpu.memory_space<vmem>> -> memref<1x32x128xf32, #tpu.memory_space<vmem>>
        %dma_start3A_2032 = tpu.memref_squeeze %dma_start3A_2031 : memref<1x32x128xf32, #tpu.memory_space<vmem>> -> memref<32x128xf32, #tpu.memory_space<vmem>>
        %dma_start3A_2033 = arith.constant 0 : i32
        %dma_start3A_2034 = tpu.memref_slice %arg4[%dma_start3A_2033, %multiple_of3A_2022] : memref<32x1000000xf32, #tpu.memory_space<hbm>> -> memref<32x128xf32, #tpu.memory_space<hbm>>
        %dma_start3A_2035 = arith.constant 0 : i32
        %dma_start3A_2036 = arith.constant 0 : i32
        %dma_start3A_2037 = tpu.memref_slice %arg9[%dma_start3A_2028, %dma_start3A_2035, %dma_start3A_2036] : memref<8x32x128xf32, #tpu.memory_space<vmem>> -> memref<1x32x128xf32, #tpu.memory_space<vmem>>
        %dma_start3A_2038 = tpu.memref_squeeze %dma_start3A_2037 : memref<1x32x128xf32, #tpu.memory_space<vmem>> -> memref<32x128xf32, #tpu.memory_space<vmem>>
        %dma_start3A_2039 = arith.constant 0 : i32
        %dma_start3A_2040 = tpu.memref_slice %arg4[%dma_start3A_2039, %multiple_of3A_2022] : memref<32x1000000xf32, #tpu.memory_space<hbm>> -> memref<32x128xf32, #tpu.memory_space<hbm>>
        tpu.enqueue_dma source(%dma_start3A_2040 : memref<32x128xf32, #tpu.memory_space<hbm>>) target(%dma_start3A_2038 : memref<32x128xf32, #tpu.memory_space<vmem>>) target_semaphore(%arg12 : memref<!tpu.dma_semaphore, #tpu.memory_space<semaphore_mem>>)
        %dma_start3A_2041 = arith.constant 5 : i32
        %dma_start3A_2042 = arith.constant 0 : i32
        %dma_start3A_2043 = arith.constant 0 : i32
        %dma_start3A_2044 = tpu.memref_slice %arg10[%dma_start3A_2041, %dma_start3A_2042, %dma_start3A_2043] : memref<8x32x128xf32, #tpu.memory_space<vmem>> -> memref<1x32x128xf32, #tpu.memory_space<vmem>>
        %dma_start3A_2045 = tpu.memref_squeeze %dma_start3A_2044 : memref<1x32x128xf32, #tpu.memory_space<vmem>> -> memref<32x128xf32, #tpu.memory_space<vmem>>
        %dma_start3A_2046 = arith.constant 0 : i32
        %dma_start3A_2047 = tpu.memref_slice %arg5[%dma_start3A_2046, %multiple_of3A_2027] : memref<32x1000000xf32, #tpu.memory_space<hbm>> -> memref<32x128xf32, #tpu.memory_space<hbm>>
        %dma_start3A_2048 = arith.constant 0 : i32
        %dma_start3A_2049 = arith.constant 0 : i32
        %dma_start3A_2050 = tpu.memref_slice %arg10[%dma_start3A_2041, %dma_start3A_2048, %dma_start3A_2049] : memref<8x32x128xf32, #tpu.memory_space<vmem>> -> memref<1x32x128xf32, #tpu.memory_space<vmem>>
        %dma_start3A_2051 = tpu.memref_squeeze %dma_start3A_2050 : memref<1x32x128xf32, #tpu.memory_space<vmem>> -> memref<32x128xf32, #tpu.memory_space<vmem>>
        %dma_start3A_2052 = arith.constant 0 : i32
        %dma_start3A_2053 = tpu.memref_slice %arg5[%dma_start3A_2052, %multiple_of3A_2027] : memref<32x1000000xf32, #tpu.memory_space<hbm>> -> memref<32x128xf32, #tpu.memory_space<hbm>>
        tpu.enqueue_dma source(%dma_start3A_2053 : memref<32x128xf32, #tpu.memory_space<hbm>>) target(%dma_start3A_2051 : memref<32x128xf32, #tpu.memory_space<vmem>>) target_semaphore(%arg13 : memref<!tpu.dma_semaphore, #tpu.memory_space<semaphore_mem>>)
      } else {
      }
      %slice3A_1837 = vector.extract_strided_slice %get3A_330 {offsets = [14], sizes = [1], strides = [1]} : vector<16xi32> to vector<1xi32>
      %squeeze3A_1838 = vector.extract %slice3A_1837[0] : i32 from vector<1xi32>
      %and3A_1839 = arith.constant 127 : i32
      %and3A_1840 = arith.andi %squeeze3A_1838, %and3A_1839 : i32
      %broadcast_in_dim3A_1841 = vector.broadcast %and3A_1840 : i32 to vector<16xi32>
      %slice3A_1842 = vector.extract_strided_slice %get3A_334 {offsets = [14], sizes = [1], strides = [1]} : vector<16xi32> to vector<1xi32>
      %squeeze3A_1843 = vector.extract %slice3A_1842[0] : i32 from vector<1xi32>
      %and3A_1844 = arith.constant 127 : i32
      %and3A_1845 = arith.andi %squeeze3A_1843, %and3A_1844 : i32
      %broadcast_in_dim3A_1846 = vector.broadcast %and3A_1845 : i32 to vector<16xi32>
      %dma_wait3A_1847 = arith.constant 6 : i32
      %dma_wait3A_1848 = arith.constant 0 : i32
      %dma_wait3A_1849 = arith.constant 0 : i32
      %dma_wait3A_1850 = tpu.memref_slice %arg9[%dma_wait3A_1847, %dma_wait3A_1848, %dma_wait3A_1849] : memref<8x32x128xf32, #tpu.memory_space<vmem>> -> memref<1x32x128xf32, #tpu.memory_space<vmem>>
      %dma_wait3A_1851 = tpu.memref_squeeze %dma_wait3A_1850 : memref<1x32x128xf32, #tpu.memory_space<vmem>> -> memref<32x128xf32, #tpu.memory_space<vmem>>
      %dma_wait3A_1852 = arith.constant 0 : i32
      %dma_wait3A_1853 = arith.constant 0 : i32
      %dma_wait3A_1854 = tpu.memref_slice %arg4[%dma_wait3A_1852, %dma_wait3A_1853] : memref<32x1000000xf32, #tpu.memory_space<hbm>> -> memref<32x128xf32, #tpu.memory_space<hbm>>
      %dma_wait3A_1855 = arith.constant 0 : i32
      %dma_wait3A_1856 = arith.constant 0 : i32
      %dma_wait3A_1857 = tpu.memref_slice %arg9[%dma_wait3A_1847, %dma_wait3A_1855, %dma_wait3A_1856] : memref<8x32x128xf32, #tpu.memory_space<vmem>> -> memref<1x32x128xf32, #tpu.memory_space<vmem>>
      %dma_wait3A_1858 = tpu.memref_squeeze %dma_wait3A_1857 : memref<1x32x128xf32, #tpu.memory_space<vmem>> -> memref<32x128xf32, #tpu.memory_space<vmem>>
      %dma_wait3A_1859 = arith.constant 0 : i32
      %dma_wait3A_1860 = arith.constant 0 : i32
      %dma_wait3A_1861 = tpu.memref_slice %arg4[%dma_wait3A_1859, %dma_wait3A_1860] : memref<32x1000000xf32, #tpu.memory_space<hbm>> -> memref<32x128xf32, #tpu.memory_space<hbm>>
      tpu.wait_dma2 semaphore(%arg12 : memref<!tpu.dma_semaphore, #tpu.memory_space<semaphore_mem>>) src(%dma_wait3A_1861 : memref<32x128xf32, #tpu.memory_space<hbm>>) dst(%dma_wait3A_1858 : memref<32x128xf32, #tpu.memory_space<vmem>>)
      %dma_wait3A_1862 = arith.constant 6 : i32
      %dma_wait3A_1863 = arith.constant 0 : i32
      %dma_wait3A_1864 = arith.constant 0 : i32
      %dma_wait3A_1865 = tpu.memref_slice %arg10[%dma_wait3A_1862, %dma_wait3A_1863, %dma_wait3A_1864] : memref<8x32x128xf32, #tpu.memory_space<vmem>> -> memref<1x32x128xf32, #tpu.memory_space<vmem>>
      %dma_wait3A_1866 = tpu.memref_squeeze %dma_wait3A_1865 : memref<1x32x128xf32, #tpu.memory_space<vmem>> -> memref<32x128xf32, #tpu.memory_space<vmem>>
      %dma_wait3A_1867 = arith.constant 0 : i32
      %dma_wait3A_1868 = arith.constant 0 : i32
      %dma_wait3A_1869 = tpu.memref_slice %arg5[%dma_wait3A_1867, %dma_wait3A_1868] : memref<32x1000000xf32, #tpu.memory_space<hbm>> -> memref<32x128xf32, #tpu.memory_space<hbm>>
      %dma_wait3A_1870 = arith.constant 0 : i32
      %dma_wait3A_1871 = arith.constant 0 : i32
      %dma_wait3A_1872 = tpu.memref_slice %arg10[%dma_wait3A_1862, %dma_wait3A_1870, %dma_wait3A_1871] : memref<8x32x128xf32, #tpu.memory_space<vmem>> -> memref<1x32x128xf32, #tpu.memory_space<vmem>>
      %dma_wait3A_1873 = tpu.memref_squeeze %dma_wait3A_1872 : memref<1x32x128xf32, #tpu.memory_space<vmem>> -> memref<32x128xf32, #tpu.memory_space<vmem>>
      %dma_wait3A_1874 = arith.constant 0 : i32
      %dma_wait3A_1875 = arith.constant 0 : i32
      %dma_wait3A_1876 = tpu.memref_slice %arg5[%dma_wait3A_1874, %dma_wait3A_1875] : memref<32x1000000xf32, #tpu.memory_space<hbm>> -> memref<32x128xf32, #tpu.memory_space<hbm>>
      tpu.wait_dma2 semaphore(%arg13 : memref<!tpu.dma_semaphore, #tpu.memory_space<semaphore_mem>>) src(%dma_wait3A_1876 : memref<32x128xf32, #tpu.memory_space<hbm>>) dst(%dma_wait3A_1873 : memref<32x128xf32, #tpu.memory_space<vmem>>)
      %gather3A_1877 = arith.constant 6 : i32
      %gather3A_1878 = arith.constant 0 : i32
      %gather3A_1879 = arith.constant 0 : i32
      %gather3A_1880 = tpu.memref_slice %arg9[%gather3A_1877, %gather3A_1878, %gather3A_1879] : memref<8x32x128xf32, #tpu.memory_space<vmem>> -> memref<1x32x128xf32, #tpu.memory_space<vmem>>
      %gather3A_1881 = tpu.memref_squeeze %gather3A_1880 : memref<1x32x128xf32, #tpu.memory_space<vmem>> -> memref<32x128xf32, #tpu.memory_space<vmem>>
      %gather3A_1882 = tpu.vector_load_idx %gather3A_1881[%iota3A, %broadcast_in_dim3A_1841] : memref<32x128xf32, #tpu.memory_space<vmem>>[vector<16xi32>, vector<16xi32>], vector<16xf32>,
      %add3A_1883 = arith.constant 16 : i32
      %add3A_1884 = vector.broadcast %add3A_1883 : i32 to vector<16xi32>
      %add3A_1885 = arith.addi %iota3A, %add3A_1884 : vector<16xi32>
      %gather3A_1886 = arith.constant 6 : i32
      %gather3A_1887 = arith.constant 0 : i32
      %gather3A_1888 = arith.constant 0 : i32
      %gather3A_1889 = tpu.memref_slice %arg9[%gather3A_1886, %gather3A_1887, %gather3A_1888] : memref<8x32x128xf32, #tpu.memory_space<vmem>> -> memref<1x32x128xf32, #tpu.memory_space<vmem>>
      %gather3A_1890 = tpu.memref_squeeze %gather3A_1889 : memref<1x32x128xf32, #tpu.memory_space<vmem>> -> memref<32x128xf32, #tpu.memory_space<vmem>>
      %gather3A_1891 = tpu.vector_load_idx %gather3A_1890[%add3A_1885, %broadcast_in_dim3A_1841] : memref<32x128xf32, #tpu.memory_space<vmem>>[vector<16xi32>, vector<16xi32>], vector<16xf32>,
      %gather3A_1892 = arith.constant 6 : i32
      %gather3A_1893 = arith.constant 0 : i32
      %gather3A_1894 = arith.constant 0 : i32
      %gather3A_1895 = tpu.memref_slice %arg10[%gather3A_1892, %gather3A_1893, %gather3A_1894] : memref<8x32x128xf32, #tpu.memory_space<vmem>> -> memref<1x32x128xf32, #tpu.memory_space<vmem>>
      %gather3A_1896 = tpu.memref_squeeze %gather3A_1895 : memref<1x32x128xf32, #tpu.memory_space<vmem>> -> memref<32x128xf32, #tpu.memory_space<vmem>>
      %gather3A_1897 = tpu.vector_load_idx %gather3A_1896[%iota3A, %broadcast_in_dim3A_1846] : memref<32x128xf32, #tpu.memory_space<vmem>>[vector<16xi32>, vector<16xi32>], vector<16xf32>,
      %add3A_1898 = arith.constant 16 : i32
      %add3A_1899 = vector.broadcast %add3A_1898 : i32 to vector<16xi32>
      %add3A_1900 = arith.addi %iota3A, %add3A_1899 : vector<16xi32>
      %gather3A_1901 = arith.constant 6 : i32
      %gather3A_1902 = arith.constant 0 : i32
      %gather3A_1903 = arith.constant 0 : i32
      %gather3A_1904 = tpu.memref_slice %arg10[%gather3A_1901, %gather3A_1902, %gather3A_1903] : memref<8x32x128xf32, #tpu.memory_space<vmem>> -> memref<1x32x128xf32, #tpu.memory_space<vmem>>
      %gather3A_1905 = tpu.memref_squeeze %gather3A_1904 : memref<1x32x128xf32, #tpu.memory_space<vmem>> -> memref<32x128xf32, #tpu.memory_space<vmem>>
      %gather3A_1906 = tpu.vector_load_idx %gather3A_1905[%add3A_1900, %broadcast_in_dim3A_1846] : memref<32x128xf32, #tpu.memory_space<vmem>>[vector<16xi32>, vector<16xi32>], vector<16xf32>,
      %mul3A_1907 = arith.mulf %gather3A_1882, %gather3A_1897 : vector<16xf32>
      %mul3A_1908 = arith.mulf %gather3A_1891, %gather3A_1906 : vector<16xf32>
      %add3A_1909 = arith.addf %mul3A_1907, %mul3A_1908 : vector<16xf32>
      %reduce_sum3A_1910 = arith.constant true
      %reduce_sum3A_1911 = vector.broadcast %reduce_sum3A_1910 : i1 to vector<16xi1>
      %reduce_sum3A_1912 = tpu.scan <sum>, %add3A_1909 masked %reduce_sum3A_1911 : vector<16xf32>, vector<16xi1> -> vector<16xf32>
      %reduce_sum3A_1913 = vector.extract %reduce_sum3A_1912[15] : f32 from vector<16xf32>
      %eq3A_1914 = arith.constant 14 : i32
      %eq3A_1915 = vector.broadcast %eq3A_1914 : i32 to vector<16xi32>
      %eq3A_1916 = arith.cmpi eq, %iota3A, %eq3A_1915 : vector<16xi32>
      %broadcast_in_dim3A_1917 = vector.broadcast %reduce_sum3A_1913 : f32 to vector<16xf32>
      %select_n3A_1918 = arith.select %eq3A_1916, %broadcast_in_dim3A_1917, %select_n3A_1831 : vector<16xi1>, vector<16xf32>
      %lt3A_1919 = arith.constant 31 : i32
      %lt3A_1920 = arith.cmpi slt, %scan3A_326, %lt3A_1919 : i32
      %convert_element_type3A_1921 = arith.extui %lt3A_1920 : i1 to i32
      %cond3A_1922 = arith.constant 0 : i32
      %cond3A_1923 = arith.cmpi ne, %convert_element_type3A_1921, %cond3A_1922 : i32
      scf.if %cond3A_1923 {
        %slice3A_2014 = vector.extract_strided_slice %get3A_340 {offsets = [6], sizes = [1], strides = [1]} : vector<16xi32> to vector<1xi32>
        %squeeze3A_2015 = vector.extract %slice3A_2014[0] : i32 from vector<1xi32>
        %slice3A_2016 = vector.extract_strided_slice %get3A_346 {offsets = [6], sizes = [1], strides = [1]} : vector<16xi32> to vector<1xi32>
        %squeeze3A_2017 = vector.extract %slice3A_2016[0] : i32 from vector<1xi32>
        %shift_right_arithmetic3A_2018 = arith.constant 7 : i32
        %shift_right_arithmetic3A_2019 = arith.shrsi %squeeze3A_2015, %shift_right_arithmetic3A_2018 : i32
        %mul3A_2020 = arith.constant 128 : i32
        %mul3A_2021 = arith.muli %shift_right_arithmetic3A_2019, %mul3A_2020 : i32
        %multiple_of3A_2022 = tpu.assume_multiple %mul3A_2021, 128 : i32
        %shift_right_arithmetic3A_2023 = arith.constant 7 : i32
        %shift_right_arithmetic3A_2024 = arith.shrsi %squeeze3A_2017, %shift_right_arithmetic3A_2023 : i32
        %mul3A_2025 = arith.constant 128 : i32
        %mul3A_2026 = arith.muli %shift_right_arithmetic3A_2024, %mul3A_2025 : i32
        %multiple_of3A_2027 = tpu.assume_multiple %mul3A_2026, 128 : i32
        %dma_start3A_2028 = arith.constant 6 : i32
        %dma_start3A_2029 = arith.constant 0 : i32
        %dma_start3A_2030 = arith.constant 0 : i32
        %dma_start3A_2031 = tpu.memref_slice %arg9[%dma_start3A_2028, %dma_start3A_2029, %dma_start3A_2030] : memref<8x32x128xf32, #tpu.memory_space<vmem>> -> memref<1x32x128xf32, #tpu.memory_space<vmem>>
        %dma_start3A_2032 = tpu.memref_squeeze %dma_start3A_2031 : memref<1x32x128xf32, #tpu.memory_space<vmem>> -> memref<32x128xf32, #tpu.memory_space<vmem>>
        %dma_start3A_2033 = arith.constant 0 : i32
        %dma_start3A_2034 = tpu.memref_slice %arg4[%dma_start3A_2033, %multiple_of3A_2022] : memref<32x1000000xf32, #tpu.memory_space<hbm>> -> memref<32x128xf32, #tpu.memory_space<hbm>>
        %dma_start3A_2035 = arith.constant 0 : i32
        %dma_start3A_2036 = arith.constant 0 : i32
        %dma_start3A_2037 = tpu.memref_slice %arg9[%dma_start3A_2028, %dma_start3A_2035, %dma_start3A_2036] : memref<8x32x128xf32, #tpu.memory_space<vmem>> -> memref<1x32x128xf32, #tpu.memory_space<vmem>>
        %dma_start3A_2038 = tpu.memref_squeeze %dma_start3A_2037 : memref<1x32x128xf32, #tpu.memory_space<vmem>> -> memref<32x128xf32, #tpu.memory_space<vmem>>
        %dma_start3A_2039 = arith.constant 0 : i32
        %dma_start3A_2040 = tpu.memref_slice %arg4[%dma_start3A_2039, %multiple_of3A_2022] : memref<32x1000000xf32, #tpu.memory_space<hbm>> -> memref<32x128xf32, #tpu.memory_space<hbm>>
        tpu.enqueue_dma source(%dma_start3A_2040 : memref<32x128xf32, #tpu.memory_space<hbm>>) target(%dma_start3A_2038 : memref<32x128xf32, #tpu.memory_space<vmem>>) target_semaphore(%arg12 : memref<!tpu.dma_semaphore, #tpu.memory_space<semaphore_mem>>)
        %dma_start3A_2041 = arith.constant 6 : i32
        %dma_start3A_2042 = arith.constant 0 : i32
        %dma_start3A_2043 = arith.constant 0 : i32
        %dma_start3A_2044 = tpu.memref_slice %arg10[%dma_start3A_2041, %dma_start3A_2042, %dma_start3A_2043] : memref<8x32x128xf32, #tpu.memory_space<vmem>> -> memref<1x32x128xf32, #tpu.memory_space<vmem>>
        %dma_start3A_2045 = tpu.memref_squeeze %dma_start3A_2044 : memref<1x32x128xf32, #tpu.memory_space<vmem>> -> memref<32x128xf32, #tpu.memory_space<vmem>>
        %dma_start3A_2046 = arith.constant 0 : i32
        %dma_start3A_2047 = tpu.memref_slice %arg5[%dma_start3A_2046, %multiple_of3A_2027] : memref<32x1000000xf32, #tpu.memory_space<hbm>> -> memref<32x128xf32, #tpu.memory_space<hbm>>
        %dma_start3A_2048 = arith.constant 0 : i32
        %dma_start3A_2049 = arith.constant 0 : i32
        %dma_start3A_2050 = tpu.memref_slice %arg10[%dma_start3A_2041, %dma_start3A_2048, %dma_start3A_2049] : memref<8x32x128xf32, #tpu.memory_space<vmem>> -> memref<1x32x128xf32, #tpu.memory_space<vmem>>
        %dma_start3A_2051 = tpu.memref_squeeze %dma_start3A_2050 : memref<1x32x128xf32, #tpu.memory_space<vmem>> -> memref<32x128xf32, #tpu.memory_space<vmem>>
        %dma_start3A_2052 = arith.constant 0 : i32
        %dma_start3A_2053 = tpu.memref_slice %arg5[%dma_start3A_2052, %multiple_of3A_2027] : memref<32x1000000xf32, #tpu.memory_space<hbm>> -> memref<32x128xf32, #tpu.memory_space<hbm>>
        tpu.enqueue_dma source(%dma_start3A_2053 : memref<32x128xf32, #tpu.memory_space<hbm>>) target(%dma_start3A_2051 : memref<32x128xf32, #tpu.memory_space<vmem>>) target_semaphore(%arg13 : memref<!tpu.dma_semaphore, #tpu.memory_space<semaphore_mem>>)
      } else {
      }
      %slice3A_1924 = vector.extract_strided_slice %get3A_330 {offsets = [15], sizes = [1], strides = [1]} : vector<16xi32> to vector<1xi32>
      %squeeze3A_1925 = vector.extract %slice3A_1924[0] : i32 from vector<1xi32>
      %and3A_1926 = arith.constant 127 : i32
      %and3A_1927 = arith.andi %squeeze3A_1925, %and3A_1926 : i32
      %broadcast_in_dim3A_1928 = vector.broadcast %and3A_1927 : i32 to vector<16xi32>
      %slice3A_1929 = vector.extract_strided_slice %get3A_334 {offsets = [15], sizes = [1], strides = [1]} : vector<16xi32> to vector<1xi32>
      %squeeze3A_1930 = vector.extract %slice3A_1929[0] : i32 from vector<1xi32>
      %and3A_1931 = arith.constant 127 : i32
      %and3A_1932 = arith.andi %squeeze3A_1930, %and3A_1931 : i32
      %broadcast_in_dim3A_1933 = vector.broadcast %and3A_1932 : i32 to vector<16xi32>
      %dma_wait3A_1934 = arith.constant 7 : i32
      %dma_wait3A_1935 = arith.constant 0 : i32
      %dma_wait3A_1936 = arith.constant 0 : i32
      %dma_wait3A_1937 = tpu.memref_slice %arg9[%dma_wait3A_1934, %dma_wait3A_1935, %dma_wait3A_1936] : memref<8x32x128xf32, #tpu.memory_space<vmem>> -> memref<1x32x128xf32, #tpu.memory_space<vmem>>
      %dma_wait3A_1938 = tpu.memref_squeeze %dma_wait3A_1937 : memref<1x32x128xf32, #tpu.memory_space<vmem>> -> memref<32x128xf32, #tpu.memory_space<vmem>>
      %dma_wait3A_1939 = arith.constant 0 : i32
      %dma_wait3A_1940 = arith.constant 0 : i32
      %dma_wait3A_1941 = tpu.memref_slice %arg4[%dma_wait3A_1939, %dma_wait3A_1940] : memref<32x1000000xf32, #tpu.memory_space<hbm>> -> memref<32x128xf32, #tpu.memory_space<hbm>>
      %dma_wait3A_1942 = arith.constant 0 : i32
      %dma_wait3A_1943 = arith.constant 0 : i32
      %dma_wait3A_1944 = tpu.memref_slice %arg9[%dma_wait3A_1934, %dma_wait3A_1942, %dma_wait3A_1943] : memref<8x32x128xf32, #tpu.memory_space<vmem>> -> memref<1x32x128xf32, #tpu.memory_space<vmem>>
      %dma_wait3A_1945 = tpu.memref_squeeze %dma_wait3A_1944 : memref<1x32x128xf32, #tpu.memory_space<vmem>> -> memref<32x128xf32, #tpu.memory_space<vmem>>
      %dma_wait3A_1946 = arith.constant 0 : i32
      %dma_wait3A_1947 = arith.constant 0 : i32
      %dma_wait3A_1948 = tpu.memref_slice %arg4[%dma_wait3A_1946, %dma_wait3A_1947] : memref<32x1000000xf32, #tpu.memory_space<hbm>> -> memref<32x128xf32, #tpu.memory_space<hbm>>
      tpu.wait_dma2 semaphore(%arg12 : memref<!tpu.dma_semaphore, #tpu.memory_space<semaphore_mem>>) src(%dma_wait3A_1948 : memref<32x128xf32, #tpu.memory_space<hbm>>) dst(%dma_wait3A_1945 : memref<32x128xf32, #tpu.memory_space<vmem>>)
      %dma_wait3A_1949 = arith.constant 7 : i32
      %dma_wait3A_1950 = arith.constant 0 : i32
      %dma_wait3A_1951 = arith.constant 0 : i32
      %dma_wait3A_1952 = tpu.memref_slice %arg10[%dma_wait3A_1949, %dma_wait3A_1950, %dma_wait3A_1951] : memref<8x32x128xf32, #tpu.memory_space<vmem>> -> memref<1x32x128xf32, #tpu.memory_space<vmem>>
      %dma_wait3A_1953 = tpu.memref_squeeze %dma_wait3A_1952 : memref<1x32x128xf32, #tpu.memory_space<vmem>> -> memref<32x128xf32, #tpu.memory_space<vmem>>
      %dma_wait3A_1954 = arith.constant 0 : i32
      %dma_wait3A_1955 = arith.constant 0 : i32
      %dma_wait3A_1956 = tpu.memref_slice %arg5[%dma_wait3A_1954, %dma_wait3A_1955] : memref<32x1000000xf32, #tpu.memory_space<hbm>> -> memref<32x128xf32, #tpu.memory_space<hbm>>
      %dma_wait3A_1957 = arith.constant 0 : i32
      %dma_wait3A_1958 = arith.constant 0 : i32
      %dma_wait3A_1959 = tpu.memref_slice %arg10[%dma_wait3A_1949, %dma_wait3A_1957, %dma_wait3A_1958] : memref<8x32x128xf32, #tpu.memory_space<vmem>> -> memref<1x32x128xf32, #tpu.memory_space<vmem>>
      %dma_wait3A_1960 = tpu.memref_squeeze %dma_wait3A_1959 : memref<1x32x128xf32, #tpu.memory_space<vmem>> -> memref<32x128xf32, #tpu.memory_space<vmem>>
      %dma_wait3A_1961 = arith.constant 0 : i32
      %dma_wait3A_1962 = arith.constant 0 : i32
      %dma_wait3A_1963 = tpu.memref_slice %arg5[%dma_wait3A_1961, %dma_wait3A_1962] : memref<32x1000000xf32, #tpu.memory_space<hbm>> -> memref<32x128xf32, #tpu.memory_space<hbm>>
      tpu.wait_dma2 semaphore(%arg13 : memref<!tpu.dma_semaphore, #tpu.memory_space<semaphore_mem>>) src(%dma_wait3A_1963 : memref<32x128xf32, #tpu.memory_space<hbm>>) dst(%dma_wait3A_1960 : memref<32x128xf32, #tpu.memory_space<vmem>>)
      %gather3A_1964 = arith.constant 7 : i32
      %gather3A_1965 = arith.constant 0 : i32
      %gather3A_1966 = arith.constant 0 : i32
      %gather3A_1967 = tpu.memref_slice %arg9[%gather3A_1964, %gather3A_1965, %gather3A_1966] : memref<8x32x128xf32, #tpu.memory_space<vmem>> -> memref<1x32x128xf32, #tpu.memory_space<vmem>>
      %gather3A_1968 = tpu.memref_squeeze %gather3A_1967 : memref<1x32x128xf32, #tpu.memory_space<vmem>> -> memref<32x128xf32, #tpu.memory_space<vmem>>
      %gather3A_1969 = tpu.vector_load_idx %gather3A_1968[%iota3A, %broadcast_in_dim3A_1928] : memref<32x128xf32, #tpu.memory_space<vmem>>[vector<16xi32>, vector<16xi32>], vector<16xf32>,
      %add3A_1970 = arith.constant 16 : i32
      %add3A_1971 = vector.broadcast %add3A_1970 : i32 to vector<16xi32>
      %add3A_1972 = arith.addi %iota3A, %add3A_1971 : vector<16xi32>
      %gather3A_1973 = arith.constant 7 : i32
      %gather3A_1974 = arith.constant 0 : i32
      %gather3A_1975 = arith.constant 0 : i32
      %gather3A_1976 = tpu.memref_slice %arg9[%gather3A_1973, %gather3A_1974, %gather3A_1975] : memref<8x32x128xf32, #tpu.memory_space<vmem>> -> memref<1x32x128xf32, #tpu.memory_space<vmem>>
      %gather3A_1977 = tpu.memref_squeeze %gather3A_1976 : memref<1x32x128xf32, #tpu.memory_space<vmem>> -> memref<32x128xf32, #tpu.memory_space<vmem>>
      %gather3A_1978 = tpu.vector_load_idx %gather3A_1977[%add3A_1972, %broadcast_in_dim3A_1928] : memref<32x128xf32, #tpu.memory_space<vmem>>[vector<16xi32>, vector<16xi32>], vector<16xf32>,
      %gather3A_1979 = arith.constant 7 : i32
      %gather3A_1980 = arith.constant 0 : i32
      %gather3A_1981 = arith.constant 0 : i32
      %gather3A_1982 = tpu.memref_slice %arg10[%gather3A_1979, %gather3A_1980, %gather3A_1981] : memref<8x32x128xf32, #tpu.memory_space<vmem>> -> memref<1x32x128xf32, #tpu.memory_space<vmem>>
      %gather3A_1983 = tpu.memref_squeeze %gather3A_1982 : memref<1x32x128xf32, #tpu.memory_space<vmem>> -> memref<32x128xf32, #tpu.memory_space<vmem>>
      %gather3A_1984 = tpu.vector_load_idx %gather3A_1983[%iota3A, %broadcast_in_dim3A_1933] : memref<32x128xf32, #tpu.memory_space<vmem>>[vector<16xi32>, vector<16xi32>], vector<16xf32>,
      %add3A_1985 = arith.constant 16 : i32
      %add3A_1986 = vector.broadcast %add3A_1985 : i32 to vector<16xi32>
      %add3A_1987 = arith.addi %iota3A, %add3A_1986 : vector<16xi32>
      %gather3A_1988 = arith.constant 7 : i32
      %gather3A_1989 = arith.constant 0 : i32
      %gather3A_1990 = arith.constant 0 : i32
      %gather3A_1991 = tpu.memref_slice %arg10[%gather3A_1988, %gather3A_1989, %gather3A_1990] : memref<8x32x128xf32, #tpu.memory_space<vmem>> -> memref<1x32x128xf32, #tpu.memory_space<vmem>>
      %gather3A_1992 = tpu.memref_squeeze %gather3A_1991 : memref<1x32x128xf32, #tpu.memory_space<vmem>> -> memref<32x128xf32, #tpu.memory_space<vmem>>
      %gather3A_1993 = tpu.vector_load_idx %gather3A_1992[%add3A_1987, %broadcast_in_dim3A_1933] : memref<32x128xf32, #tpu.memory_space<vmem>>[vector<16xi32>, vector<16xi32>], vector<16xf32>,
      %mul3A_1994 = arith.mulf %gather3A_1969, %gather3A_1984 : vector<16xf32>
      %mul3A_1995 = arith.mulf %gather3A_1978, %gather3A_1993 : vector<16xf32>
      %add3A_1996 = arith.addf %mul3A_1994, %mul3A_1995 : vector<16xf32>
      %reduce_sum3A_1997 = arith.constant true
      %reduce_sum3A_1998 = vector.broadcast %reduce_sum3A_1997 : i1 to vector<16xi1>
      %reduce_sum3A_1999 = tpu.scan <sum>, %add3A_1996 masked %reduce_sum3A_1998 : vector<16xf32>, vector<16xi1> -> vector<16xf32>
      %reduce_sum3A_2000 = vector.extract %reduce_sum3A_1999[15] : f32 from vector<16xf32>
      %eq3A_2001 = arith.constant 15 : i32
      %eq3A_2002 = vector.broadcast %eq3A_2001 : i32 to vector<16xi32>
      %eq3A_2003 = arith.cmpi eq, %iota3A, %eq3A_2002 : vector<16xi32>
      %broadcast_in_dim3A_2004 = vector.broadcast %reduce_sum3A_2000 : f32 to vector<16xf32>
      %select_n3A_2005 = arith.select %eq3A_2003, %broadcast_in_dim3A_2004, %select_n3A_1918 : vector<16xi1>, vector<16xf32>
      %lt3A_2006 = arith.constant 31 : i32
      %lt3A_2007 = arith.cmpi slt, %scan3A_326, %lt3A_2006 : i32
      %convert_element_type3A_2008 = arith.extui %lt3A_2007 : i1 to i32
      %cond3A_2009 = arith.constant 0 : i32
      %cond3A_2010 = arith.cmpi ne, %convert_element_type3A_2008, %cond3A_2009 : i32
      scf.if %cond3A_2010 {
        %slice3A_2014 = vector.extract_strided_slice %get3A_340 {offsets = [7], sizes = [1], strides = [1]} : vector<16xi32> to vector<1xi32>
        %squeeze3A_2015 = vector.extract %slice3A_2014[0] : i32 from vector<1xi32>
        %slice3A_2016 = vector.extract_strided_slice %get3A_346 {offsets = [7], sizes = [1], strides = [1]} : vector<16xi32> to vector<1xi32>
        %squeeze3A_2017 = vector.extract %slice3A_2016[0] : i32 from vector<1xi32>
        %shift_right_arithmetic3A_2018 = arith.constant 7 : i32
        %shift_right_arithmetic3A_2019 = arith.shrsi %squeeze3A_2015, %shift_right_arithmetic3A_2018 : i32
        %mul3A_2020 = arith.constant 128 : i32
        %mul3A_2021 = arith.muli %shift_right_arithmetic3A_2019, %mul3A_2020 : i32
        %multiple_of3A_2022 = tpu.assume_multiple %mul3A_2021, 128 : i32
        %shift_right_arithmetic3A_2023 = arith.constant 7 : i32
        %shift_right_arithmetic3A_2024 = arith.shrsi %squeeze3A_2017, %shift_right_arithmetic3A_2023 : i32
        %mul3A_2025 = arith.constant 128 : i32
        %mul3A_2026 = arith.muli %shift_right_arithmetic3A_2024, %mul3A_2025 : i32
        %multiple_of3A_2027 = tpu.assume_multiple %mul3A_2026, 128 : i32
        %dma_start3A_2028 = arith.constant 7 : i32
        %dma_start3A_2029 = arith.constant 0 : i32
        %dma_start3A_2030 = arith.constant 0 : i32
        %dma_start3A_2031 = tpu.memref_slice %arg9[%dma_start3A_2028, %dma_start3A_2029, %dma_start3A_2030] : memref<8x32x128xf32, #tpu.memory_space<vmem>> -> memref<1x32x128xf32, #tpu.memory_space<vmem>>
        %dma_start3A_2032 = tpu.memref_squeeze %dma_start3A_2031 : memref<1x32x128xf32, #tpu.memory_space<vmem>> -> memref<32x128xf32, #tpu.memory_space<vmem>>
        %dma_start3A_2033 = arith.constant 0 : i32
        %dma_start3A_2034 = tpu.memref_slice %arg4[%dma_start3A_2033, %multiple_of3A_2022] : memref<32x1000000xf32, #tpu.memory_space<hbm>> -> memref<32x128xf32, #tpu.memory_space<hbm>>
        %dma_start3A_2035 = arith.constant 0 : i32
        %dma_start3A_2036 = arith.constant 0 : i32
        %dma_start3A_2037 = tpu.memref_slice %arg9[%dma_start3A_2028, %dma_start3A_2035, %dma_start3A_2036] : memref<8x32x128xf32, #tpu.memory_space<vmem>> -> memref<1x32x128xf32, #tpu.memory_space<vmem>>
        %dma_start3A_2038 = tpu.memref_squeeze %dma_start3A_2037 : memref<1x32x128xf32, #tpu.memory_space<vmem>> -> memref<32x128xf32, #tpu.memory_space<vmem>>
        %dma_start3A_2039 = arith.constant 0 : i32
        %dma_start3A_2040 = tpu.memref_slice %arg4[%dma_start3A_2039, %multiple_of3A_2022] : memref<32x1000000xf32, #tpu.memory_space<hbm>> -> memref<32x128xf32, #tpu.memory_space<hbm>>
        tpu.enqueue_dma source(%dma_start3A_2040 : memref<32x128xf32, #tpu.memory_space<hbm>>) target(%dma_start3A_2038 : memref<32x128xf32, #tpu.memory_space<vmem>>) target_semaphore(%arg12 : memref<!tpu.dma_semaphore, #tpu.memory_space<semaphore_mem>>)
        %dma_start3A_2041 = arith.constant 7 : i32
        %dma_start3A_2042 = arith.constant 0 : i32
        %dma_start3A_2043 = arith.constant 0 : i32
        %dma_start3A_2044 = tpu.memref_slice %arg10[%dma_start3A_2041, %dma_start3A_2042, %dma_start3A_2043] : memref<8x32x128xf32, #tpu.memory_space<vmem>> -> memref<1x32x128xf32, #tpu.memory_space<vmem>>
        %dma_start3A_2045 = tpu.memref_squeeze %dma_start3A_2044 : memref<1x32x128xf32, #tpu.memory_space<vmem>> -> memref<32x128xf32, #tpu.memory_space<vmem>>
        %dma_start3A_2046 = arith.constant 0 : i32
        %dma_start3A_2047 = tpu.memref_slice %arg5[%dma_start3A_2046, %multiple_of3A_2027] : memref<32x1000000xf32, #tpu.memory_space<hbm>> -> memref<32x128xf32, #tpu.memory_space<hbm>>
        %dma_start3A_2048 = arith.constant 0 : i32
        %dma_start3A_2049 = arith.constant 0 : i32
        %dma_start3A_2050 = tpu.memref_slice %arg10[%dma_start3A_2041, %dma_start3A_2048, %dma_start3A_2049] : memref<8x32x128xf32, #tpu.memory_space<vmem>> -> memref<1x32x128xf32, #tpu.memory_space<vmem>>
        %dma_start3A_2051 = tpu.memref_squeeze %dma_start3A_2050 : memref<1x32x128xf32, #tpu.memory_space<vmem>> -> memref<32x128xf32, #tpu.memory_space<vmem>>
        %dma_start3A_2052 = arith.constant 0 : i32
        %dma_start3A_2053 = tpu.memref_slice %arg5[%dma_start3A_2052, %multiple_of3A_2027] : memref<32x1000000xf32, #tpu.memory_space<hbm>> -> memref<32x128xf32, #tpu.memory_space<hbm>>
        tpu.enqueue_dma source(%dma_start3A_2053 : memref<32x128xf32, #tpu.memory_space<hbm>>) target(%dma_start3A_2051 : memref<32x128xf32, #tpu.memory_space<vmem>>) target_semaphore(%arg13 : memref<!tpu.dma_semaphore, #tpu.memory_space<semaphore_mem>>)
      } else {
      }
      %mul3A_2011 = arith.constant 16 : i32
      %mul3A_2012 = arith.muli %scan3A_326, %mul3A_2011 : i32
      %swap3A = arith.index_cast %mul3A_2012 : i32 to index
      %swap3A_2013 = tpu.vector_load %arg11[%swap3A] {strides = array<i32>} : memref<512xf32, #tpu.memory_space<vmem>>, vector<16xf32>,
      tpu.vector_store %arg11[%swap3A], %select_n3A_2005 {strides = array<i32>} : memref<512xf32, #tpu.memory_space<vmem>>, vector<16xf32>,
    }
    %scan3A_325 = arith.constant 32 : i32
    "tpu.region"() ({
      %run_scoped3A = tpu.sem_alloc : memref<!tpu.dma_semaphore, #tpu.memory_space<semaphore_mem>>
      %dma_start3A_326 = tpu.memref_slice %arg6[%mul3A_2] : memref<16384xf32, #tpu.memory_space<hbm>> -> memref<512xf32, #tpu.memory_space<hbm>>
      %dma_start3A_327 = tpu.memref_slice %arg6[%mul3A_2] : memref<16384xf32, #tpu.memory_space<hbm>> -> memref<512xf32, #tpu.memory_space<hbm>>
      tpu.enqueue_dma source(%arg11 : memref<512xf32, #tpu.memory_space<vmem>>) target(%dma_start3A_327 : memref<512xf32, #tpu.memory_space<hbm>>) target_semaphore(%run_scoped3A : memref<!tpu.dma_semaphore, #tpu.memory_space<semaphore_mem>>)
      %dma_wait3A = tpu.memref_slice %arg6[%mul3A_2] : memref<16384xf32, #tpu.memory_space<hbm>> -> memref<512xf32, #tpu.memory_space<hbm>>
      %dma_wait3A_328 = tpu.memref_slice %arg6[%mul3A_2] : memref<16384xf32, #tpu.memory_space<hbm>> -> memref<512xf32, #tpu.memory_space<hbm>>
      tpu.wait_dma2 semaphore(%run_scoped3A : memref<!tpu.dma_semaphore, #tpu.memory_space<semaphore_mem>>) src(%arg11 : memref<512xf32, #tpu.memory_space<vmem>>) dst(%dma_wait3A_328 : memref<512xf32, #tpu.memory_space<hbm>>)
      tpu.yield
    }) : () -> ()
    return
  }
}

</mosaic_0001>

<sc_bundles>
// kernel: kernel.3.cloned.1.call-start
scs
__scs_entry_jumppad:
0x0: {  	(pc) =	sbr.rel $0x88, $3  }
0x1: {  	(tag) =	ssettag $0x0;
	lr =	simm.s32 $0x1  }
0x2: {  	[smem:$0x3F9E] =	sst lr;
	_ =	strace $0xD0000000  }
0x3: {  	_ = 	snop  }
0x4: {  	_ = 	snop  }
0x5: {  	_ = 	snop  }
0x6: {  	_ = 	snop  }
0x7: {  	_ = 	snop  }
__scs_overlays_trampoline_lowered:
0x8: {  	[smem:$0x3FAD] =	sst s0  }
0x9: {  	[smem:$0x3FAE] =	sst s1  }
0xa: {  	[smem:$0x3FAF] =	sst s2  }
0xb: {  	[smem:$0x3FB0] =	sst s3  }
0xc: {  	[smem:$0x3FB1] =	sst s4  }
0xd: {  	[smem:$0x3FB2] =	sst s5  }
0xe: {  	[smem:$0x3FB3] =	sst s6  }
0xf: {  	[smem:$0x3FB4] =	sst s7  }
0x10: {  	[smem:$0x3FB5] =	sst s8  }
0x11: {  	[smem:$0x3FB6] =	sst s9;
	s0 =	simm.s32 @!p0 $0x0  }
0x12: {  	s1 =	sld [smem:$0x3F9C];
	s0 =	simm.s32 @p0 $0x1  }
0x13: {  	[smem:$0x3FB7] =	sst s0;
	s0 =	simm.s32 @!p1 $0x0  }
0x14: {  	s2 =	sld [smem:$0x3F9B];
	s0 =	simm.s32 @p1 $0x1  }
0x15: {  	[smem:$0x3FB8] =	sst s0;
	s0 =	simm.s32 @!p2 $0x0  }
0x16: {  	s3 =	sld [smem:$0x3FDB];
	s0 =	simm.s32 @p2 $0x1  }
0x17: {  	s4 =	simm.s32 $0x1BF5;
	[smem:$0x3FBA] =	sst s0  }
0x18: {  	s0 =	sld [smem:$0x3F9D];
	_ =	swait.ge [sflag:s4], $0x0  }
0x19: {  	s7 =	sld [smem:$0x3F9E]  }
0x1a: {  	s8 =	sadd.s32 $0xFFFFE003, lr  }
0x1b: {  	s9 =	sadd.s32 $0xFFFFFEF7, lr;
	s5 =	simm.s32 $0xFFFFFFFF;
	p2 =	slt.u32 s8, $0xFFFFF086  }
0x1c: {  	p1 =	slt.u32 s9, $0xF7A;
	s5 =	simm.s32 @!p2 $0x0  }
0x1d: {  	s5 =	simm.s32 @p1 $0x1;
	p0 =	seq.s32 s7, s2  }
0x1e: {  	s7 =	smul.u32 @!p0 $0xF7A, s2;
	p2 =	seq.s32 @!p0 s5, $0x0  }
0x1f: {  	s9 =	smul.u32 $0xF7A, s1;
	s8 =	simm.s32 @!p0 $0x1BF5;
	p2 =	por !p2, p0  }
0x20: {  	[sflag:s8] =	ssyncset.s32 @!p0 $0xFFFFF086;
	s6 =	sadd.s32 @!p0 s3, s7;
	s7 =	simm.s32 @!p0 $0x108  }
0x21: {  	s3 =	sadd.s32 s3, s9;
	s6 =	sadd.s32 @!p0 $0x88, s6;
	s7 =	simm.s32 @p2 $0x1082  }
0x22: {  	[simem:s7], [sflag:s8] =	dma.local @!p0 [hbm:s6], $0xF7A  }
0x23: {  	s9 =	sor.u32 $0xD0000000, s2;
	s6 =	simm.s32 $0x108;
	_ =	swait.ge @!p0 [sflag:s8], $0x0  }
0x24: {  	s3 =	sadd.s32 $0x88, s3;
	s6 =	simm.s32 @!p1 $0x1082;
	[sflag:s4] =	ssyncset.s32 $0xFFFFF086  }
0x25: {  	[simem:s6], [sflag:s4] =	dma.local [hbm:s3], $0xF7A  }
0x26: {  	[smem:$0x3F9E] =	sst s1;
	(tag) =	ssettag s2;
	_ =	strace s9  }
0x27: {  	s1 =	sld [smem:$0x3FAE]  }
0x28: {  	s2 =	sld [smem:$0x3FAF]  }
0x29: {  	s4 =	sld [smem:$0x3FB1]  }
0x2a: {  	p0 =	seq.s32 s5, $0x0;
	s5 =	sld [smem:$0x3FB2]  }
0x2b: {  	s6 =	sld [smem:$0x3FB3]  }
0x2c: {  	s7 =	sld [smem:$0x3FB4]  }
0x2d: {  	s3 =	simm.s32 $0x108;
	s8 =	sld [smem:$0x3FB5]  }
0x2e: {  	s3 =	simm.s32 @!p0 $0x1082;
	s9 =	sld [smem:$0x3FB6]  }
0x2f: {  	lr =	sadd.s32 s0, s3;
	s0 =	sld [smem:$0x3FAD]  }
0x30: {  	s3 =	sld [smem:$0x3FB0]  }
0x31: {  	[smem:$0x3FB9] =	sst s10  }
0x32: {  	s10 =	sld [smem:$0x3FB7];
	_ =	sdelay $0x3  }
0x33: {  	p0 =	seq.s32 s10, $0x1;
	s10 =	sld [smem:$0x3FB9];
	_ =	sdelay $0x3  }
0x34: {  	[smem:$0x3FB9] =	sst s10  }
0x35: {  	s10 =	sld [smem:$0x3FB8];
	_ =	sdelay $0x3  }
0x36: {  	p1 =	seq.s32 s10, $0x1;
	s10 =	sld [smem:$0x3FB9];
	_ =	sdelay $0x3  }
0x37: {  	[smem:$0x3FB9] =	sst s10  }
0x38: {  	s10 =	sld [smem:$0x3FBA]  }
0x39: {  	_ = 	snop;
	(pc) =	sbr.ind lr, $3  }
0x3a: {  	_ = 	snop  }
0x3b: {  	_ = 	snop  }
0x3c: {  	p2 =	seq.s32 s10, $0x1;
	s10 =	sld [smem:$0x3FB9]  }
0x3d: {  	_ =	shalt  }
0x3e: {  	_ =	shalt  }
0x3f: {  	_ =	shalt  }
0x40: {  	_ =	shalt  }
0x41: {  	_ =	shalt  }
0x42: {  	_ =	shalt  }
0x43: {  	_ =	shalt  }
0x44: {  	_ =	shalt  }
0x45: {  	_ =	shalt  }
0x46: {  	_ =	shalt  }
0x47: {  	_ =	shalt  }
0x48: {  	_ =	shalt  }
0x49: {  	_ =	shalt  }
0x4a: {  	_ =	shalt  }
0x4b: {  	_ =	shalt  }
0x4c: {  	_ =	shalt  }
0x4d: {  	_ =	shalt  }
0x4e: {  	_ =	shalt  }
0x4f: {  	_ =	shalt  }
0x50: {  	_ =	shalt  }
0x51: {  	_ =	shalt  }
0x52: {  	_ =	shalt  }
0x53: {  	_ =	shalt  }
0x54: {  	_ =	shalt  }
0x55: {  	_ =	shalt  }
0x56: {  	_ =	shalt  }
0x57: {  	_ =	shalt  }
0x58: {  	_ =	shalt  }
0x59: {  	_ =	shalt  }
0x5a: {  	_ =	shalt  }
0x5b: {  	_ =	shalt  }
0x5c: {  	_ =	shalt  }
0x5d: {  	_ =	shalt  }
0x5e: {  	_ =	shalt  }
0x5f: {  	_ =	shalt  }
0x60: {  	_ =	shalt  }
0x61: {  	_ =	shalt  }
0x62: {  	_ =	shalt  }
0x63: {  	_ =	shalt  }
0x64: {  	_ =	shalt  }
0x65: {  	_ =	shalt  }
0x66: {  	_ =	shalt  }
0x67: {  	_ =	shalt  }
0x68: {  	_ =	shalt  }
0x69: {  	_ =	shalt  }
0x6a: {  	_ =	shalt  }
0x6b: {  	_ =	shalt  }
0x6c: {  	_ =	shalt  }
0x6d: {  	_ =	shalt  }
0x6e: {  	_ =	shalt  }
0x6f: {  	_ =	shalt  }
0x70: {  	_ =	shalt  }
0x71: {  	_ =	shalt  }
0x72: {  	_ =	shalt  }
0x73: {  	_ =	shalt  }
0x74: {  	_ =	shalt  }
0x75: {  	_ =	shalt  }
0x76: {  	_ =	shalt  }
0x77: {  	_ =	shalt  }
0x78: {  	_ =	shalt  }
0x79: {  	_ =	shalt  }
0x7a: {  	_ =	shalt  }
0x7b: {  	_ =	shalt  }
0x7c: {  	_ =	shalt  }
0x7d: {  	_ =	shalt  }
0x7e: {  	_ =	shalt  }
0x7f: {  	_ =	shalt  }
0x80: {  	_ =	shalt  }
0x81: {  	_ =	shalt  }
0x82: {  	_ =	shalt  }
0x83: {  	_ =	shalt  }
0x84: {  	_ =	shalt  }
0x85: {  	_ =	shalt  }
0x86: {  	_ =	shalt  }
0x87: {  	_ =	shalt  }
.Lfunc_end0:
.L_simem_size_0:
called_computation_lowered:
.L_overlay_start_0:
0x88: {  	s2 =	sld [smem:$0x3FD9]  }
0x89: {  	s3 =	sld [smem:$0x3FFE];
	_ =	sdelay $0x1  }
0x8a: {  	s1 =	srdreg.scid  }
0x8b: {  	s0 =	sand.u32 $0x1, s1  }
0x8c: {  	s17 =	sshll.u32 s0, $0xA;
	s2 =	sadd.s32 s3, s2  }
0x8d: {  	s2 =	sadd.s32 s2, s17  }
0x8e: {  	[smem:$0x3FC5] =	sst s2  }
0x8f: {  	_ = 	snop  }
0x90: {  	s2 =	sld [smem:$0x3FC8]  }
0x91: {  	s18 =	sld [smem:$0x3FC7]  }
0x92: {  	s4 =	sld [smem:$0x3FD0];
	(tm) =	ssettm $0x1  }
0x93: {  	s5 =	sld [smem:$0x3FFB];
	_ =	sdelay $0x3  }
0x94: {  	_ =	strace s5  }
0x95: {  	s5 =	sld [smem:$0x3FFC];
	_ =	sdelay $0x3  }
0x96: {  	_ =	strace s5  }
0x97: {  	s5 =	sld [smem:$0x3FFD];
	_ =	sdelay $0x3  }
0x98: {  	_ =	strace s5  }
0x99: {  	_ =	strace $0x8FFFFFFF  }
0x9a: {  	s19 =	sld [smem:$0x3FDB];
	_ =	sdelay $0x1  }
0x9b: {  	s6 =	simm.s32 $_scs_section_size  }
0x9c: {  	s7 =	simm.s32 $_size__tile_overlayer_lowered;
	s8 =	simm.s32 $_tile_overlayer_lowered  }
0x9d: {  	s22 =	simm.s32 $0x1BFF;
	s21 =	sshll.u32 s8, $0x1;
	s5 =	sadd.s32 s6, s19  }
0x9e: {  	s9 =	simm.s32 $0x0;
	s20 =	sshll.u32 s7, $0x1;
	s7 =	sadd.s32 s21, s5  }
0x9f: {  	[timem:s9], [sflag:s22] =	dma.local [hbm:s7], s20  }
0xa0: {  	_ =	swait.ge [sflag:s22], s20  }
0xa1: {  	s6 =	ssub.s32 $0x0, s20;
	[sflag:s22] =	ssyncset.done $0x0  }
0xa2: {  	[sflag:s22] =	ssyncadd.s32 s6;
	_ =	sdelay $0x1  }
0xa3: {  	s23 =	simm.s32 $0x1B8B  }
0xa4: {  	_ =	swait.ge [sflag:s23], $0x1  }
0xa5: {  	[sflag:s23] =	ssyncset.done $0x0  }
0xa6: {  	s25 =	simm.s32 $0x1B8E;
	s24 =	sld [smem:$0x3FFE];
	[sflag:s23] =	ssyncadd.s32 $0xFFFFFFFF  }
0xa7: {  	s26 =	simm.s32 $execute0_lowered;
	[smem:$0x3FD2] =	sst s25  }
0xa8: {  	s7 =	sshll.u32 s26, $0x1;
	_ =	strace $0x80000046;
	[dreg:$0x1] =	wrdreg $0xFFFFFFFF  }
0xa9: {  	s28 =	simm.s32 $_size_execute0_lowered;
	s5 =	sadd.s32 s5, s7;
	[dreg:$0x0] =	wrdreg $0x0  }
0xaa: {  	s7 =	sshll.u32 s28, $0x1;
	[dreg:$0x2] =	wrdreg s5  }
0xab: {  	[dreg:$0x3] =	wrdreg s7  }
0xac: {  	[dreg:$0x4] =	wrdreg $0xC0  }
0xad: {  	_ =	task [dreg:s9], $0x5FFFF  }
0xae: {  	[dreg:$0x1] =	wrdreg $0xFFFFFFFF  }
0xaf: {  	[dreg:$0x0] =	wrdreg $0x60  }
0xb0: {  	[dreg:$0x2] =	wrdreg s24  }
0xb1: {  	[dreg:$0x3] =	wrdreg s2  }
0xb2: {  	[dreg:$0x4] =	wrdreg s18  }
0xb3: {  	[dreg:$0x5] =	wrdreg s4  }
0xb4: {  	[dreg:$0x6] =	wrdreg $0x9  }
0xb5: {  	_ =	task.clear_ibuf [dreg:s9], $0x7FFFF;
	_ =	strace $0x90000046  }
0xb6: {  	s29 =	simm.s32 $0x9;
	_ =	strace $0x80000048  }
0xb7: {  	_ =	swait.ge [sflag:s29], $0x1  }
0xb8: {  	[sflag:s29] =	ssyncadd.s32 $0xFFFFFFFF  }
0xb9: {  	_ =	strace $0x90000048  }
0xba: {  	_ =	sfence  }
0xbb: {  	s30 =	sld [smem:$0x0];
	_ =	sdelay $0x2  }
0xbc: {  	s31 =	sshll.u32 s1, $0xD;
	s1 =	sshrl.u32 s1, $0x2  }
0xbd: {  	s3 =	sand.u32 $0x4000, s31;
	s1 =	sadd.s32 s1, s30  }
0xbe: {  	s0 =	sor.u32 s3, s0;
	s1 =	sshll.u32 s1, $0x11  }
0xbf: {  	s0 =	sor.u32 s1, s0  }
0xc0: {  	s0 =	sadd.s32 $0x8F2B, s0  }
0xc1: {  	[sflag:s0] =	ssyncadd.remote.s32 $0x1  }
0xc2: {  	_ =	sfence.sel $0xFFFF  }
0xc3: {  	[dreg:$0x0] =	wrdreg $0xFFFFFFFF;
	(pc) =	sbr.abs _section_cstart, $3  }
0xc4: {  	[dreg:$0x1] =	wrdreg $0xFFFFFFFF  }
0xc5: {  	_ =	task.clear_ibuf [dreg:s9], $0x2FFFF;
	_ =	strace $0x9FFFFFFF  }
0xc6: {  	(tm) =	ssettm $0x7FFFFFFF  }
0xc7: {  	_ =	shalt  }
tec
execute0_lowered:
.L_overlay_start_1:
0x0: {  	(tag) =	ssettag $0x1  }
0x1: {  	s0 =	rddreg [dreg:$0x0]  }
0x2: {  	s2 =	rddreg [dreg:$0x1]  }
0x3: {  	s3 =	rddreg [dreg:$0x2];
	s1 =	srdreg.scid  }
0x4: {  	s4 =	rddreg [dreg:$0x3];
	s5 =	stileid.u32  }
0x5: {  	s10 =	simm.s32 $0x0;
	s11 =	simm.s32 $0x400;
	s12 =	simm.s32 $0x7A1400  }
0x6: {  	s22 =	simm.s32 $0x1500;
	s8 =	simm.s32 $0x2500;
	s9 =	simm.s32 $0xA500  }
0x7: {  	s13 =	simm.s32 $0x3500;
	s7 =	simm.s32 $0xB500;
	s14 =	simm.s32 $0x4500  }
0x8: {  	s15 =	simm.s32 $0xC500;
	s16 =	simm.s32 $0x5500;
	s17 =	simm.s32 $0xD500  }
0x9: {  	s18 =	simm.s32 $0x6500;
	s19 =	simm.s32 $0xE500;
	s30 =	simm.s32 $0x1  }
0xa: {  	s31 =	simm.s32 $0x2;
	s29 =	simm.s32 $0xC500;
	s28 =	simm.s32 $0x5500  }
0xb: {  	s1 =	sand.u32 $0x1, s1;
	s5 =	sshll.u32 s5, $0x7;
	[smem:$0x7FF] =	sst s10  }
0xc: {  	s6 =	sshll.u32 s1, $0x6;
	s1 =	ssub.s32 $0x2, s1;
	_ =	strace $0x80000047  }
0xd: {  	s5 =	sor.u32 s6, s5;
	s23 =	sshrl.u32 s1, $0x1;
	s6 =	simm.s32 $0xF500  }
0xe: {  	v0 =	vlaneseq.u32;
	vm0 =	vmmov $0x1;
	vm1 =	vmmov $0x3;
	s0 =	sadd.s32 s5, s0;
	s1 =	ssub.s32 s1, s23;
	s25 =	sadd.s32 s4, s5  }
.Ltmp0:
0xf: {  	vm2 =	vmmov $0x7;
	vm3 =	vmmov $0xf;
	vm4 =	vmmov $0x1f;
	s23 =	simm.s32 $0x9500;
	s5 =	simm.s32 $0x7500;
	(pc) =	sbr.rel .LBB2_1-.Ltmp0, $4  }
0x10: {  	vm5 =	vmmov $0x3f;
	vm6 =	vmmov $0x7f;
	vm7 =	vmmov $0xff;
	s4 =	simm.s32 $0x0;
	s24 =	sadd.s32 $0xE00, s0;
	[dreg:$0x7] =	wrdreg s25  }
0x11: {  	vm8 =	vcmask $0x2724;
	vm9 =	vcmask $0x2B28;
	v0 =	vmul.u32 $0x80, v0;
	s0 =	sadd.s32 $0x600, s0;
	s26 =	smax.u32 s1, $0x1;
	[dreg:$0x5] =	wrdreg s24  }
0x12: {  	vm10 =	vcmask $0x2F2C;
	vm11 =	vcmask $0x3330;
	vm12 =	vcmask $0x3734;
	s1 =	simm.s32 $0x3;
	s25 =	simm.s32 $0x6500;
	[dreg:$0x6] =	wrdreg s0  }
0x13: {  	vm13 =	vcmask $0x3B38;
	vm14 =	vmmov $0x7fff;
	v1 =	vor.u32 $0x800, v0;
	[dreg:$0x8] =	wrdreg s26;
	s26 =	simm.s32 $0xD500;
	s24 =	simm.s32 $0xE500  }
.LBB2_3:
0x14: {  	[tilespmem:s0+$0x10500] =	vst v4  }
.LBB2_5:
0x15: {  	s10 =	simm.s32 $0x0;
	s0 =	rddreg [dreg:$0x7];
	s1 =	simm.s32 $0x10500  }
0x16: {  	[hbm4b:s0+s10] =	stream.linear.scatter [tilespmem:s1], [sflag:$0x3], $0x200, $0x38;
	[tilespmem:$0x10700] =	vst v63  }
0x17: {  	s1 =	simm.s32 $0x3  }
0x18: {  	_ =	swait.ge [sflag:s1], $0x200  }
0x19: {  	s4 =	rddreg [dreg:$0x9]  }
0x1a: {  	s21 =	rddreg [dreg:$0x8];
	s4 =	sadd.s32 $0x1, s4  }
0x1b: {  	p0 =	sne.s32 s4, s21  }
.Ltmp1:
0x1c: {  	_ = 	snop;
	(pc) =	sbr.rel @!p0 .LBB2_6-.Ltmp1, $3  }
0x1d: {  	_ =	sdelay $0x1  }
0x1e: {  	[sflag:s1] =	ssyncset.done $0x0  }
0x1f: {  	[sflag:s1] =	ssyncadd.s32 $0xFFFFFE00  }
.LBB2_1:
0x20: {  	[dreg:$0x9] =	wrdreg s4  }
0x21: {  	s0 =	rddreg [dreg:$0x5]  }
0x22: {  	[tilespmem:s10], [sflag:$0x3] =	stream.linear.gather [hbm4b:s0+s10], $0x200, $0x38;
	[tilespmem:$0x10700] =	vst v63  }
0x23: {  	_ =	swait.ge [sflag:s1], $0x200  }
0x24: {  	[sflag:s1] =	ssyncset.done $0x0  }
0x25: {  	s21 =	simm.s32 $0x280;
	s20 =	rddreg [dreg:$0x6];
	[sflag:s1] =	ssyncadd.s32 $0xFFFFFE00  }
0x26: {  	[tilespmem:s21], [sflag:$0x3] =	stream.linear.gather [hbm4b:s20+s10], $0x200, $0x38;
	[tilespmem:$0x10700] =	vst v63  }
0x27: {  	_ =	swait.ge [sflag:s1], $0x200  }
0x28: {  	[sflag:s1] =	ssyncset.done $0x0  }
0x29: {  	[sflag:s1] =	ssyncadd.s32 $0xFFFFFE00  }
0x2a: {  	v2 =	vld [tilespmem:$0x0];
	_ =	sdelay $0x3  }
0x2b: {  	v3 =	vld [tilespmem:$0x280]  }
0x2c: {  	(v2sf) =	vpush v2, $0x0;
	_ =	sdelay $0x3  }
0x2d: {  	(v2sf) =	vpush v3, $0x0;
	_ =	sdelay $0x2  }
0x2e: {  	(v2sf) =	vpush v2, $0x1;
	_ =	sdelay $0x2  }
0x2f: {  	(v2sf) =	vpush v3, $0x1;
	_ =	sdelay $0x4  }
0x30: {  	s1 =	spop (v2sf);
	(v2sf) =	vpush v2, $0x2;
	_ =	sdelay $0x2  }
0x31: {  	s0 =	sand.u32 $0xFFFFF80, s1  }
0x32: {  	s4 =	simm.s32 $0x500;
	s10 =	spop (v2sf);
	(v2sf) =	vpush v3, $0x2;
	s0 =	sadd.s32 s2, s0  }
0x33: {  	[tilespmem:s4], [sflag:$0x1] =	stream.strided.gather [hbm4b:s0+s11], $0x1000, s12, s11, $0x38;
	[tilespmem:$0x10700] =	vst v63  }
0x34: {  	s0 =	sand.u32 $0xFFFFF80, s10  }
0x35: {  	s20 =	simm.s32 $0x8500;
	s21 =	spop (v2sf);
	s0 =	sadd.s32 s3, s0  }
0x36: {  	(v2sf) =	vpush v2, $0x3;
	[tilespmem:s20], [sflag:$0x2] =	stream.strided.gather [hbm4b:s0+s11], $0x1000, s12, s11, $0x38;
	[tilespmem:$0x10700] =	vst v63  }
0x37: {  	s0 =	sand.u32 $0xFFFFF80, s21  }
0x38: {  	s1 =	spop (v2sf);
	(v2sf) =	vpush v3, $0x3;
	s0 =	sadd.s32 s2, s0  }
0x39: {  	[tilespmem:s22], [sflag:$0x1] =	stream.strided.gather [hbm4b:s0+s11], $0x1000, s12, s11, $0x38;
	[tilespmem:$0x10700] =	vst v63  }
0x3a: {  	s0 =	sand.u32 $0xFFFFF80, s1  }
0x3b: {  	s0 =	sadd.s32 s3, s0  }
0x3c: {  	[tilespmem:s23], [sflag:$0x2] =	stream.strided.gather [hbm4b:s0+s11], $0x1000, s12, s11, $0x38;
	[tilespmem:$0x10700] =	vst v63  }
0x3d: {  	s4 =	spop (v2sf);
	(v2sf) =	vpush v2, $0x4  }
0x3e: {  	s0 =	sand.u32 $0xFFFFF80, s4  }
0x3f: {  	s0 =	sadd.s32 s2, s0  }
0x40: {  	[tilespmem:s8], [sflag:$0x1] =	stream.strided.gather [hbm4b:s0+s11], $0x1000, s12, s11, $0x38;
	[tilespmem:$0x10700] =	vst v63  }
0x41: {  	s8 =	spop (v2sf);
	(v2sf) =	vpush v3, $0x4  }
0x42: {  	s0 =	sand.u32 $0xFFFFF80, s8  }
0x43: {  	s0 =	sadd.s32 s3, s0  }
0x44: {  	[tilespmem:s9], [sflag:$0x2] =	stream.strided.gather [hbm4b:s0+s11], $0x1000, s12, s11, $0x38;
	[tilespmem:$0x10700] =	vst v63  }
0x45: {  	s9 =	spop (v2sf);
	(v2sf) =	vpush v2, $0x5  }
0x46: {  	s0 =	sand.u32 $0xFFFFF80, s9  }
0x47: {  	s10 =	spop (v2sf);
	s0 =	sadd.s32 s2, s0  }
0x48: {  	[tilespmem:s13], [sflag:$0x1] =	stream.strided.gather [hbm4b:s0+s11], $0x1000, s12, s11, $0x38;
	[tilespmem:$0x10700] =	vst v63  }
0x49: {  	(v2sf) =	vpush v3, $0x5;
	s0 =	sand.u32 $0xFFFFF80, s10  }
0x4a: {  	s0 =	sadd.s32 s3, s0  }
0x4b: {  	[tilespmem:s7], [sflag:$0x2] =	stream.strided.gather [hbm4b:s0+s11], $0x1000, s12, s11, $0x38;
	[tilespmem:$0x10700] =	vst v63  }
0x4c: {  	s13 =	spop (v2sf)  }
0x4d: {  	(v2sf) =	vpush v2, $0x6;
	s0 =	sand.u32 $0xFFFFF80, s13  }
0x4e: {  	s0 =	sadd.s32 s2, s0  }
0x4f: {  	[tilespmem:s14], [sflag:$0x1] =	stream.strided.gather [hbm4b:s0+s11], $0x1000, s12, s11, $0x38;
	[tilespmem:$0x10700] =	vst v63  }
0x50: {  	s14 =	spop (v2sf)  }
0x51: {  	(v2sf) =	vpush v3, $0x6;
	s0 =	sand.u32 $0xFFFFF80, s14  }
0x52: {  	s0 =	sadd.s32 s3, s0  }
0x53: {  	[tilespmem:s15], [sflag:$0x2] =	stream.strided.gather [hbm4b:s0+s11], $0x1000, s12, s11, $0x38;
	[tilespmem:$0x10700] =	vst v63  }
0x54: {  	s15 =	spop (v2sf)  }
0x55: {  	(v2sf) =	vpush v2, $0x7;
	s0 =	sand.u32 $0xFFFFF80, s15  }
0x56: {  	s0 =	sadd.s32 s2, s0  }
0x57: {  	[tilespmem:s16], [sflag:$0x1] =	stream.strided.gather [hbm4b:s0+s11], $0x1000, s12, s11, $0x38;
	[tilespmem:$0x10700] =	vst v63  }
0x58: {  	s16 =	spop (v2sf)  }
0x59: {  	(v2sf) =	vpush v3, $0x7;
	s0 =	sand.u32 $0xFFFFF80, s16  }
0x5a: {  	s0 =	sadd.s32 s3, s0  }
0x5b: {  	[tilespmem:s17], [sflag:$0x2] =	stream.strided.gather [hbm4b:s0+s11], $0x1000, s12, s11, $0x38;
	[tilespmem:$0x10700] =	vst v63  }
0x5c: {  	s20 =	spop (v2sf)  }
0x5d: {  	s0 =	sand.u32 $0xFFFFF80, s20  }
0x5e: {  	s0 =	sadd.s32 s2, s0  }
0x5f: {  	[tilespmem:s18], [sflag:$0x1] =	stream.strided.gather [hbm4b:s0+s11], $0x1000, s12, s11, $0x38;
	[tilespmem:$0x10700] =	vst v63  }
0x60: {  	s21 =	spop (v2sf)  }
0x61: {  	s0 =	sand.u32 $0xFFFFF80, s21  }
0x62: {  	s0 =	sadd.s32 s3, s0  }
0x63: {  	[tilespmem:s19], [sflag:$0x2] =	stream.strided.gather [hbm4b:s0+s11], $0x1000, s12, s11, $0x38;
	[tilespmem:$0x10700] =	vst v63  }
0x64: {  	s22 =	spop (v2sf)  }
0x65: {  	s0 =	sand.u32 $0xFFFFF80, s22  }
0x66: {  	s0 =	sadd.s32 s2, s0  }
0x67: {  	[tilespmem:s5], [sflag:$0x1] =	stream.strided.gather [hbm4b:s0+s11], $0x1000, s12, s11, $0x38;
	[tilespmem:$0x10700] =	vst v63  }
0x68: {  	s23 =	spop (v2sf)  }
0x69: {  	s0 =	sand.u32 $0xFFFFF80, s23  }
0x6a: {  	s10 =	simm.s32 $0x0;
	s0 =	sadd.s32 s3, s0  }
0x6b: {  	[tilespmem:s6], [sflag:$0x2] =	stream.strided.gather [hbm4b:s0+s11], $0x1000, s12, s11, $0x38;
	[tilespmem:$0x10700] =	vst v63  }
.LBB2_2:
0x6c: {  	s0 =	sshra.s32 s10, $0x2  }
0x6d: {  	v12 =	vld [tilespmem:s0+$0x0]  }
0x6e: {  	v11 =	vld [tilespmem:s0+$0x280];
	_ =	sdelay $0x3  }
0x6f: {  	(v2sf) =	vpush v12, $0x0  }
0x70: {  	(v2sf) =	vpush v11, $0x0;
	_ =	sdelay $0xd  }
0x71: {  	s1 =	spop (v2sf)  }
0x72: {  	v2 =	vld [tilespmem:s0+$0x10];
	s4 =	spop (v2sf)  }
0x73: {  	v3 =	vld [tilespmem:s0+$0x290];
	s1 =	sand.u32 $0x7F, s1;
	_ =	swait.ge [sflag:s30], $0x1000  }
0x74: {  	v4 =	vor.u32 s1, v0;
	[sflag:s30] =	ssyncset.done $0x0  }
0x75: {  	s4 =	sand.u32 $0x7F, s4;
	v5 =	vor.u32 s1, v1;
	[sflag:s30] =	ssyncadd.s32 $0xFFFFF000  }
0x76: {  	v6 =	vor.u32 s4, v0;
	_ =	swait.ge [sflag:s31], $0x1000  }
0x77: {  	v7 =	vor.u32 s4, v1;
	[sflag:s31] =	ssyncset.done $0x0  }
0x78: {  	s6 =	simm.s32 $0x500;
	[sflag:s31] =	ssyncadd.s32 $0xFFFFF000  }
0x79: {  	v4 =	vld.idx.msk [tilespmem:v4+s6+$0x0], $0xffff  }
0x7a: {  	s7 =	simm.s32 $0x8500;
	v5 =	vld.idx.msk [tilespmem:v5+s6+$0x0], $0xffff  }
0x7b: {  	(v2sf) =	vpush v12, $0x8;
	v6 =	vld.idx.msk [tilespmem:v6+s7+$0x0], $0xffff  }
0x7c: {  	(v2sf) =	vpush v11, $0x8;
	v7 =	vld.idx.msk [tilespmem:v7+s7+$0x0], $0xffff  }
0x7d: {  	(v2sf) =	vpush v12, $0x1;
	_ =	sdelay $0x1  }
0x7e: {  	(v2sf) =	vpush v11, $0x1;
	_ =	sdelay $0x1  }
0x7f: {  	v4 =	vmul.f32 v6, v4;
	v5 =	vmul.f32 v7, v5;
	_ =	sdelay $0x1  }
0x80: {  	v4 =	vadd.f32 v5, v4;
	_ =	sdelay $0x1  }
0x81: {  	(xrf2) =	vadd.scan.msk.f32 $0xffff, v4;
	_ =	sdelay $0x4  }
0x82: {  	s4 =	spop (v2sf)  }
0x83: {  	s5 =	simm.s32 $0x500;
	s8 =	sand.u32 $0xFFFFF80, s4;
	s6 =	spop (v2sf)  }
0x84: {  	s1 =	sadd.s32 s2, s8;
	s9 =	sand.u32 $0xFFFFF80, s6;
	s13 =	spop (v2sf)  }
0x85: {  	[tilespmem:s5], [sflag:$0x1] =	stream.strided.gather [hbm4b:s1+s11], $0x1000, s12, s11, $0x38;
	[tilespmem:$0x10700] =	vst v63  }
0x86: {  	s7 =	simm.s32 $0x8500;
	s1 =	sadd.s32 s3, s9;
	s14 =	spop (v2sf)  }
0x87: {  	[tilespmem:s7], [sflag:$0x2] =	stream.strided.gather [hbm4b:s1+s11], $0x1000, s12, s11, $0x38;
	v4, _, _ =	vpop (xrf2);
	[tilespmem:$0x10700] =	vst v63  }
0x88: {  	s1 =	sand.u32 $0x7F, s13;
	_ =	swait.ge [sflag:s30], $0x1000  }
0x89: {  	v5 =	vor.u32 s1, v0;
	[sflag:s30] =	ssyncset.done $0x0  }
0x8a: {  	s5 =	sand.u32 $0x7F, s14;
	v6 =	vor.u32 s1, v1;
	[sflag:s30] =	ssyncadd.s32 $0xFFFFF000  }
0x8b: {  	v7 =	vor.u32 s5, v0;
	_ =	swait.ge [sflag:s31], $0x1000  }
0x8c: {  	v8 =	vor.u32 s5, v1;
	[sflag:s31] =	ssyncset.done $0x0  }
0x8d: {  	s15 =	simm.s32 $0x1500;
	[sflag:s31] =	ssyncadd.s32 $0xFFFFF000  }
0x8e: {  	v5 =	vld.idx.msk [tilespmem:v5+s15+$0x0], $0xffff  }
0x8f: {  	s16 =	simm.s32 $0x9500;
	v6 =	vld.idx.msk [tilespmem:v6+s15+$0x0], $0xffff  }
0x90: {  	(v2sf) =	vpush v12, $0x9;
	v7 =	vld.idx.msk [tilespmem:v7+s16+$0x0], $0xffff  }
0x91: {  	(v2sf) =	vpush v11, $0x9;
	v8 =	vld.idx.msk [tilespmem:v8+s16+$0x0], $0xffff  }
0x92: {  	(v2sf) =	vpush v12, $0x2;
	_ =	sdelay $0x1  }
0x93: {  	(v2sf) =	vpush v11, $0x2;
	_ =	sdelay $0x1  }
0x94: {  	v5 =	vmul.f32 v7, v5;
	v6 =	vmul.f32 v8, v6;
	_ =	sdelay $0x1  }
0x95: {  	v5 =	vadd.f32 v6, v5;
	_ =	sdelay $0x1  }
0x96: {  	(xrf2) =	vadd.scan.msk.f32 $0xffff, v5;
	_ =	sdelay $0x4  }
0x97: {  	s7 =	spop (v2sf)  }
0x98: {  	s8 =	simm.s32 $0x1500;
	s17 =	sand.u32 $0xFFFFF80, s7;
	s5 =	spop (v2sf)  }
0x99: {  	s1 =	sadd.s32 s2, s17;
	s18 =	sand.u32 $0xFFFFF80, s5;
	s19 =	spop (v2sf)  }
0x9a: {  	[tilespmem:s8], [sflag:$0x1] =	stream.strided.gather [hbm4b:s1+s11], $0x1000, s12, s11, $0x38;
	[tilespmem:$0x10700] =	vst v63  }
0x9b: {  	s9 =	simm.s32 $0x9500;
	s1 =	sadd.s32 s3, s18;
	s20 =	spop (v2sf)  }
0x9c: {  	[tilespmem:s9], [sflag:$0x2] =	stream.strided.gather [hbm4b:s1+s11], $0x1000, s12, s11, $0x38;
	v5, _, _ =	vpop (xrf2);
	[tilespmem:$0x10700] =	vst v63  }
0x9d: {  	s1 =	sand.u32 $0x7F, s19;
	_ =	swait.ge [sflag:s30], $0x1000  }
0x9e: {  	v6 =	vor.u32 s1, v0;
	[sflag:s30] =	ssyncset.done $0x0  }
0x9f: {  	s8 =	sand.u32 $0x7F, s20;
	v7 =	vor.u32 s1, v1;
	[sflag:s30] =	ssyncadd.s32 $0xFFFFF000  }
0xa0: {  	v18 =	vor.u32 s8, v0;
	_ =	swait.ge [sflag:s31], $0x1000  }
0xa1: {  	v9 =	vor.u32 s8, v1;
	[sflag:s31] =	ssyncset.done $0x0  }
0xa2: {  	s21 =	simm.s32 $0x2500;
	(v2sf) =	vpush v12, $0xA;
	[sflag:s31] =	ssyncadd.s32 $0xFFFFF000  }
0xa3: {  	v6 =	vld.idx.msk [tilespmem:v6+s21+$0x0], $0xffff  }
0xa4: {  	s22 =	simm.s32 $0xA500;
	(v2sf) =	vpush v11, $0xA;
	v7 =	vld.idx.msk [tilespmem:v7+s21+$0x0], $0xffff  }
0xa5: {  	v8 =	vld.idx.msk [tilespmem:v18+s22+$0x0], $0xffff  }
0xa6: {  	v9 =	vld.idx.msk [tilespmem:v9+s22+$0x0], $0xffff;
	_ =	sdelay $0x2  }
0xa7: {  	(v2sf) =	vpush v12, $0x3  }
0xa8: {  	(v2sf) =	vpush v11, $0x3  }
0xa9: {  	v6 =	vmul.f32 v8, v6;
	v7 =	vmul.f32 v9, v7;
	_ =	sdelay $0x1  }
0xaa: {  	v6 =	vadd.f32 v7, v6;
	_ =	sdelay $0x1  }
0xab: {  	(xrf2) =	vadd.scan.msk.f32 $0xffff, v6;
	_ =	sdelay $0x1  }
0xac: {  	s9 =	spop (v2sf)  }
0xad: {  	s23 =	sand.u32 $0xFFFFF80, s9  }
0xae: {  	s13 =	simm.s32 $0x2500;
	s8 =	spop (v2sf);
	s1 =	sadd.s32 s2, s23  }
0xaf: {  	[tilespmem:s13], [sflag:$0x1] =	stream.strided.gather [hbm4b:s1+s11], $0x1000, s12, s11, $0x38;
	[tilespmem:$0x10700] =	vst v63  }
0xb0: {  	s13 =	sand.u32 $0xFFFFF80, s8  }
0xb1: {  	s14 =	simm.s32 $0xA500;
	s1 =	sadd.s32 s3, s13  }
0xb2: {  	[tilespmem:s14], [sflag:$0x2] =	stream.strided.gather [hbm4b:s1+s11], $0x1000, s12, s11, $0x38;
	[tilespmem:$0x10700] =	vst v63  }
0xb3: {  	s14 =	spop (v2sf)  }
0xb4: {  	v6, _, _ =	vpop (xrf2);
	s15 =	spop (v2sf)  }
0xb5: {  	s1 =	sand.u32 $0x7F, s14;
	_ =	swait.ge [sflag:s30], $0x1000  }
0xb6: {  	v7 =	vor.u32 s1, v0;
	[sflag:s30] =	ssyncset.done $0x0  }
0xb7: {  	s13 =	sand.u32 $0x7F, s15;
	v19 =	vor.u32 s1, v1;
	[sflag:s30] =	ssyncadd.s32 $0xFFFFF000  }
0xb8: {  	v20 =	vor.u32 s13, v0;
	_ =	swait.ge [sflag:s31], $0x1000  }
0xb9: {  	v10 =	vor.u32 s13, v1;
	[sflag:s31] =	ssyncset.done $0x0  }
0xba: {  	s16 =	simm.s32 $0x3500;
	[sflag:s31] =	ssyncadd.s32 $0xFFFFF000  }
0xbb: {  	v7 =	vld.idx.msk [tilespmem:v7+s16+$0x0], $0xffff  }
0xbc: {  	s17 =	simm.s32 $0xB500;
	v8 =	vld.idx.msk [tilespmem:v19+s16+$0x0], $0xffff  }
0xbd: {  	(v2sf) =	vpush v12, $0xB;
	v9 =	vld.idx.msk [tilespmem:v20+s17+$0x0], $0xffff  }
0xbe: {  	(v2sf) =	vpush v11, $0xB;
	v10 =	vld.idx.msk [tilespmem:v10+s17+$0x0], $0xffff  }
0xbf: {  	(v2sf) =	vpush v12, $0x4;
	_ =	sdelay $0x1  }
0xc0: {  	(v2sf) =	vpush v11, $0x4;
	_ =	sdelay $0x1  }
0xc1: {  	v7 =	vmul.f32 v9, v7;
	v8 =	vmul.f32 v10, v8;
	_ =	sdelay $0x1  }
0xc2: {  	v7 =	vadd.f32 v8, v7;
	_ =	sdelay $0x1  }
0xc3: {  	(xrf2) =	vadd.scan.msk.f32 $0xffff, v7;
	_ =	sdelay $0x4  }
0xc4: {  	s13 =	spop (v2sf)  }
0xc5: {  	s15 =	simm.s32 $0x3500;
	s18 =	sand.u32 $0xFFFFF80, s13;
	s1 =	spop (v2sf)  }
0xc6: {  	s14 =	sadd.s32 s2, s18;
	s19 =	sand.u32 $0xFFFFF80, s1;
	s20 =	spop (v2sf)  }
0xc7: {  	[tilespmem:s15], [sflag:$0x1] =	stream.strided.gather [hbm4b:s14+s11], $0x1000, s12, s11, $0x38;
	[tilespmem:$0x10700] =	vst v63  }
0xc8: {  	s16 =	simm.s32 $0xB500;
	s14 =	sadd.s32 s3, s19;
	s21 =	spop (v2sf)  }
0xc9: {  	[tilespmem:s16], [sflag:$0x2] =	stream.strided.gather [hbm4b:s14+s11], $0x1000, s12, s11, $0x38;
	v7, _, _ =	vpop (xrf2);
	[tilespmem:$0x10700] =	vst v63  }
0xca: {  	s14 =	sand.u32 $0x7F, s20;
	_ =	swait.ge [sflag:s30], $0x1000  }
0xcb: {  	v21 =	vor.u32 s14, v0;
	[sflag:s30] =	ssyncset.done $0x0  }
0xcc: {  	s15 =	sand.u32 $0x7F, s21;
	v22 =	vor.u32 s14, v1;
	[sflag:s30] =	ssyncadd.s32 $0xFFFFF000  }
0xcd: {  	v23 =	vor.u32 s15, v0;
	_ =	swait.ge [sflag:s31], $0x1000  }
0xce: {  	v13 =	vor.u32 s15, v1;
	[sflag:s31] =	ssyncset.done $0x0  }
0xcf: {  	s22 =	simm.s32 $0x4500;
	[sflag:s31] =	ssyncadd.s32 $0xFFFFF000  }
0xd0: {  	v8 =	vld.idx.msk [tilespmem:v21+s22+$0x0], $0xffff  }
0xd1: {  	(v2sf) =	vpush v12, $0xC;
	v9 =	vld.idx.msk [tilespmem:v22+s22+$0x0], $0xffff  }
0xd2: {  	v10 =	vld.idx.msk [tilespmem:v23+s29+$0x0], $0xffff  }
0xd3: {  	(v2sf) =	vpush v11, $0xC;
	v13 =	vld.idx.msk [tilespmem:v13+s29+$0x0], $0xffff;
	_ =	sdelay $0x1  }
0xd4: {  	(v2sf) =	vpush v12, $0x5  }
0xd5: {  	(v2sf) =	vpush v11, $0x5;
	_ =	sdelay $0x1  }
0xd6: {  	v8 =	vmul.f32 v10, v8;
	v9 =	vmul.f32 v13, v9;
	_ =	sdelay $0x1  }
0xd7: {  	v8 =	vadd.f32 v9, v8;
	_ =	sdelay $0x1  }
0xd8: {  	(xrf2) =	vadd.scan.msk.f32 $0xffff, v8;
	_ =	sdelay $0x3  }
0xd9: {  	s15 =	spop (v2sf)  }
0xda: {  	s23 =	sand.u32 $0xFFFFF80, s15  }
0xdb: {  	s17 =	simm.s32 $0x4500;
	s14 =	spop (v2sf);
	s16 =	sadd.s32 s2, s23  }
0xdc: {  	[tilespmem:s17], [sflag:$0x1] =	stream.strided.gather [hbm4b:s16+s11], $0x1000, s12, s11, $0x38;
	[tilespmem:$0x10700] =	vst v63  }
0xdd: {  	s18 =	spop (v2sf);
	s17 =	sand.u32 $0xFFFFF80, s14  }
0xde: {  	s19 =	spop (v2sf);
	s16 =	sadd.s32 s3, s17  }
0xdf: {  	[tilespmem:s29], [sflag:$0x2] =	stream.strided.gather [hbm4b:s16+s11], $0x1000, s12, s11, $0x38;
	v8, _, _ =	vpop (xrf2);
	[tilespmem:$0x10700] =	vst v63  }
0xe0: {  	s16 =	sand.u32 $0x7F, s18;
	_ =	swait.ge [sflag:s30], $0x1000  }
0xe1: {  	v24 =	vor.u32 s16, v0;
	[sflag:s30] =	ssyncset.done $0x0  }
0xe2: {  	s17 =	sand.u32 $0x7F, s19;
	v25 =	vor.u32 s16, v1;
	[sflag:s30] =	ssyncadd.s32 $0xFFFFF000  }
0xe3: {  	v26 =	vor.u32 s17, v0;
	_ =	swait.ge [sflag:s31], $0x1000  }
0xe4: {  	v14 =	vor.u32 s17, v1;
	[sflag:s31] =	ssyncset.done $0x0  }
0xe5: {  	[sflag:s31] =	ssyncadd.s32 $0xFFFFF000  }
0xe6: {  	v9 =	vld.idx.msk [tilespmem:v24+s28+$0x0], $0xffff  }
0xe7: {  	v10 =	vld.idx.msk [tilespmem:v25+s28+$0x0], $0xffff  }
0xe8: {  	(v2sf) =	vpush v12, $0xD;
	v13 =	vld.idx.msk [tilespmem:v26+s26+$0x0], $0xffff  }
0xe9: {  	(v2sf) =	vpush v11, $0xD;
	v14 =	vld.idx.msk [tilespmem:v14+s26+$0x0], $0xffff  }
0xea: {  	(v2sf) =	vpush v12, $0x6;
	_ =	sdelay $0x1  }
0xeb: {  	(v2sf) =	vpush v11, $0x6;
	_ =	sdelay $0x1  }
0xec: {  	v9 =	vmul.f32 v13, v9;
	v10 =	vmul.f32 v14, v10;
	_ =	sdelay $0x1  }
0xed: {  	v9 =	vadd.f32 v10, v9;
	_ =	sdelay $0x1  }
0xee: {  	(xrf2) =	vadd.scan.msk.f32 $0xffff, v9;
	_ =	sdelay $0x4  }
0xef: {  	s17 =	spop (v2sf)  }
0xf0: {  	s18 =	sand.u32 $0xFFFFF80, s17;
	s16 =	spop (v2sf)  }
0xf1: {  	s18 =	sadd.s32 s2, s18;
	s20 =	sand.u32 $0xFFFFF80, s16;
	s21 =	spop (v2sf)  }
0xf2: {  	[tilespmem:s28], [sflag:$0x1] =	stream.strided.gather [hbm4b:s18+s11], $0x1000, s12, s11, $0x38;
	[tilespmem:$0x10700] =	vst v63  }
0xf3: {  	s18 =	sadd.s32 s3, s20;
	s19 =	spop (v2sf)  }
0xf4: {  	[tilespmem:s26], [sflag:$0x2] =	stream.strided.gather [hbm4b:s18+s11], $0x1000, s12, s11, $0x38;
	v9, _, _ =	vpop (xrf2);
	[tilespmem:$0x10700] =	vst v63  }
0xf5: {  	s18 =	sand.u32 $0x7F, s21;
	_ =	swait.ge [sflag:s30], $0x1000  }
0xf6: {  	v27 =	vor.u32 s18, v0;
	[sflag:s30] =	ssyncset.done $0x0  }
0xf7: {  	s19 =	sand.u32 $0x7F, s19;
	v28 =	vor.u32 s18, v1;
	[sflag:s30] =	ssyncadd.s32 $0xFFFFF000  }
0xf8: {  	v29 =	vor.u32 s19, v0;
	_ =	swait.ge [sflag:s31], $0x1000  }
0xf9: {  	v15 =	vor.u32 s19, v1;
	[sflag:s31] =	ssyncset.done $0x0  }
0xfa: {  	[sflag:s31] =	ssyncadd.s32 $0xFFFFF000  }
0xfb: {  	v10 =	vld.idx.msk [tilespmem:v27+s25+$0x0], $0xffff  }
0xfc: {  	v13 =	vld.idx.msk [tilespmem:v28+s25+$0x0], $0xffff  }
0xfd: {  	(v2sf) =	vpush v12, $0xE;
	v14 =	vld.idx.msk [tilespmem:v29+s24+$0x0], $0xffff  }
0xfe: {  	(v2sf) =	vpush v11, $0xE;
	v15 =	vld.idx.msk [tilespmem:v15+s24+$0x0], $0xffff  }
0xff: {  	(v2sf) =	vpush v12, $0x7;
	_ =	sdelay $0x1  }
0x100: {  	(v2sf) =	vpush v11, $0x7;
	_ =	sdelay $0x1  }
0x101: {  	v10 =	vmul.f32 v14, v10;
	v13 =	vmul.f32 v15, v13;
	_ =	sdelay $0x1  }
0x102: {  	v10 =	vadd.f32 v13, v10;
	_ =	sdelay $0x1  }
0x103: {  	(xrf2) =	vadd.scan.msk.f32 $0xffff, v10;
	_ =	sdelay $0x4  }
0x104: {  	s19 =	spop (v2sf)  }
0x105: {  	s20 =	sand.u32 $0xFFFFF80, s19;
	s18 =	spop (v2sf)  }
0x106: {  	s20 =	sadd.s32 s2, s20;
	s22 =	sand.u32 $0xFFFFF80, s18;
	s23 =	spop (v2sf)  }
0x107: {  	[tilespmem:s25], [sflag:$0x1] =	stream.strided.gather [hbm4b:s20+s11], $0x1000, s12, s11, $0x38;
	[tilespmem:$0x10700] =	vst v63  }
0x108: {  	s20 =	sadd.s32 s3, s22;
	s21 =	spop (v2sf)  }
0x109: {  	[tilespmem:s24], [sflag:$0x2] =	stream.strided.gather [hbm4b:s20+s11], $0x1000, s12, s11, $0x38;
	v10, _, _ =	vpop (xrf2);
	[tilespmem:$0x10700] =	vst v63  }
0x10a: {  	s20 =	sand.u32 $0x7F, s23;
	_ =	swait.ge [sflag:s30], $0x1000  }
0x10b: {  	v30 =	vor.u32 s20, v0;
	[sflag:s30] =	ssyncset.done $0x0  }
0x10c: {  	s21 =	sand.u32 $0x7F, s21;
	v31 =	vor.u32 s20, v1;
	[sflag:s30] =	ssyncadd.s32 $0xFFFFF000  }
0x10d: {  	v32 =	vor.u32 s21, v0;
	_ =	swait.ge [sflag:s31], $0x1000  }
0x10e: {  	v16 =	vor.u32 s21, v1;
	[sflag:s31] =	ssyncset.done $0x0  }
0x10f: {  	s22 =	simm.s32 $0x7500;
	[sflag:s31] =	ssyncadd.s32 $0xFFFFF000  }
0x110: {  	s23 =	simm.s32 $0x7500;
	v13 =	vld.idx.msk [tilespmem:v30+s22+$0x0], $0xffff  }
0x111: {  	s21 =	simm.s32 $0xF500;
	(v2sf) =	vpush v12, $0xF;
	v14 =	vld.idx.msk [tilespmem:v31+s23+$0x0], $0xffff  }
0x112: {  	v33 =	vld.idx.msk [tilespmem:v32+s21+$0x0], $0xffff;
	s22 =	simm.s32 $0xF500  }
0x113: {  	(v2sf) =	vpush v11, $0xF;
	v34 =	vld.idx.msk [tilespmem:v16+s22+$0x0], $0xffff;
	_ =	sdelay $0x4  }
0x114: {  	v35 =	vmul.f32 v33, v13;
	v36 =	vmul.f32 v34, v14;
	_ =	sdelay $0x1  }
0x115: {  	v11 =	vadd.f32 v36, v35;
	_ =	sdelay $0x1  }
0x116: {  	(xrf2) =	vadd.scan.msk.f32 $0xffff, v11;
	_ =	sdelay $0x3  }
0x117: {  	s20 =	spop (v2sf)  }
0x118: {  	s22 =	sand.u32 $0xFFFFF80, s20  }
0x119: {  	s23 =	simm.s32 $0x7500;
	s21 =	spop (v2sf);
	s22 =	sadd.s32 s2, s22  }
0x11a: {  	[tilespmem:s23], [sflag:$0x1] =	stream.strided.gather [hbm4b:s22+s11], $0x1000, s12, s11, $0x38;
	[tilespmem:$0x10700] =	vst v63  }
0x11b: {  	s23 =	sand.u32 $0xFFFFF80, s21  }
0x11c: {  	s22 =	sadd.s32 s3, s23;
	s23 =	simm.s32 $0xF500  }
0x11d: {  	[tilespmem:s23], [sflag:$0x2] =	stream.strided.gather [hbm4b:s22+s11], $0x1000, s12, s11, $0x38;
	v11, _, _ =	vpop (xrf2);
	[tilespmem:$0x10700] =	vst v63  }
0x11e: {  	s4 =	sand.u32 $0x7F, s4;
	_ =	swait.ge [sflag:s30], $0x1000  }
0x11f: {  	v37 =	vor.u32 s4, v0;
	[sflag:s30] =	ssyncset.done $0x0  }
0x120: {  	s6 =	sand.u32 $0x7F, s6;
	v38 =	vor.u32 s4, v1;
	[sflag:s30] =	ssyncadd.s32 $0xFFFFF000  }
0x121: {  	v39 =	vor.u32 s6, v0;
	_ =	swait.ge [sflag:s31], $0x1000  }
0x122: {  	v40 =	vor.u32 s6, v1;
	[sflag:s31] =	ssyncset.done $0x0  }
0x123: {  	p0 =	seq.s32 s10, $0x7C0;
	s6 =	simm.s32 $0x500;
	[sflag:s31] =	ssyncadd.s32 $0xFFFFF000  }
0x124: {  	(v2sf) =	vpush @!p0 v2, $0x0;
	v12 =	vld.idx.msk [tilespmem:v37+s6+$0x0], $0xffff  }
0x125: {  	s22 =	simm.s32 $0x8500;
	v13 =	vld.idx.msk [tilespmem:v38+s6+$0x0], $0xffff  }
0x126: {  	v14 =	vld.idx.msk [tilespmem:v39+s22+$0x0], $0xffff  }
0x127: {  	v15 =	vld.idx.msk [tilespmem:v40+s22+$0x0], $0xffff  }
0x128: {  	(v2sf) =	vpush @!p0 v3, $0x0;
	_ =	sdelay $0x3  }
0x129: {  	v12 =	vmul.f32 v14, v12;
	v13 =	vmul.f32 v15, v13;
	_ =	sdelay $0x1  }
0x12a: {  	v12 =	vadd.f32 v13, v12;
	_ =	sdelay $0x1  }
0x12b: {  	(xrf2) =	vadd.scan.msk.f32 $0xffff, v12;
	_ =	sdelay $0x2  }
0x12c: {  	s4 =	spop @!p0 (v2sf)  }
0x12d: {  	s23 =	simm.s32 @!p0 $0x500;
	s4 =	sand.u32 @!p0 $0xFFFFF80, s4  }
0x12e: {  	s6 =	simm.s32 @!p0 $0x7A1400;
	s22 =	sadd.s32 @!p0 s2, s4;
	s4 =	simm.s32 @!p0 $0x400  }
0x12f: {  	[tilespmem:s23], [sflag:$0x1] =	stream.strided.gather @!p0 [hbm4b:s22+s4], $0x1000, s6, s4, $0x38;
	[tilespmem:$0x10700] =	vst v63  }
0x130: {  	s22 =	spop @!p0 (v2sf)  }
0x131: {  	s22 =	sand.u32 @!p0 $0xFFFFF80, s22  }
0x132: {  	s23 =	simm.s32 @!p0 $0x8500;
	s22 =	sadd.s32 @!p0 s3, s22  }
0x133: {  	[tilespmem:s23], [sflag:$0x2] =	stream.strided.gather @!p0 [hbm4b:s22+s4], $0x1000, s6, s4, $0x38;
	v12, _, _ =	vpop (xrf2);
	[tilespmem:$0x10700] =	vst v63  }
0x134: {  	s7 =	sand.u32 $0x7F, s7;
	_ =	swait.ge [sflag:s30], $0x1000  }
0x135: {  	v41 =	vor.u32 s7, v0;
	[sflag:s30] =	ssyncset.done $0x0  }
0x136: {  	s5 =	sand.u32 $0x7F, s5;
	v42 =	vor.u32 s7, v1;
	[sflag:s30] =	ssyncadd.s32 $0xFFFFF000  }
0x137: {  	v43 =	vor.u32 s5, v0;
	_ =	swait.ge [sflag:s31], $0x1000  }
0x138: {  	v44 =	vor.u32 s5, v1;
	[sflag:s31] =	ssyncset.done $0x0  }
0x139: {  	s23 =	simm.s32 $0x1500;
	[sflag:s31] =	ssyncadd.s32 $0xFFFFF000  }
0x13a: {  	(v2sf) =	vpush @!p0 v2, $0x1;
	v13 =	vld.idx.msk [tilespmem:v41+s23+$0x0], $0xffff  }
0x13b: {  	s7 =	simm.s32 $0x9500;
	v14 =	vld.idx.msk [tilespmem:v42+s23+$0x0], $0xffff  }
0x13c: {  	v15 =	vld.idx.msk [tilespmem:v43+s7+$0x0], $0xffff  }
0x13d: {  	v16 =	vld.idx.msk [tilespmem:v44+s7+$0x0], $0xffff  }
0x13e: {  	(v2sf) =	vpush @!p0 v3, $0x1;
	_ =	sdelay $0x3  }
0x13f: {  	v13 =	vmul.f32 v15, v13;
	v14 =	vmul.f32 v16, v14;
	_ =	sdelay $0x1  }
0x140: {  	v13 =	vadd.f32 v14, v13;
	_ =	sdelay $0x1  }
0x141: {  	(xrf2) =	vadd.scan.msk.f32 $0xffff, v13;
	_ =	sdelay $0x2  }
0x142: {  	s5 =	spop @!p0 (v2sf)  }
0x143: {  	s5 =	sand.u32 @!p0 $0xFFFFF80, s5  }
0x144: {  	s7 =	simm.s32 @!p0 $0x1500;
	s5 =	sadd.s32 @!p0 s2, s5  }
0x145: {  	[tilespmem:s7], [sflag:$0x1] =	stream.strided.gather @!p0 [hbm4b:s5+s4], $0x1000, s6, s4, $0x38;
	[tilespmem:$0x10700] =	vst v63  }
0x146: {  	s5 =	spop @!p0 (v2sf)  }
0x147: {  	s5 =	sand.u32 @!p0 $0xFFFFF80, s5  }
0x148: {  	s7 =	simm.s32 @!p0 $0x9500;
	s5 =	sadd.s32 @!p0 s3, s5  }
0x149: {  	[tilespmem:s7], [sflag:$0x2] =	stream.strided.gather @!p0 [hbm4b:s5+s4], $0x1000, s6, s4, $0x38;
	v13, _, _ =	vpop (xrf2);
	[tilespmem:$0x10700] =	vst v63  }
0x14a: {  	s7 =	sand.u32 $0x7F, s9;
	_ =	swait.ge [sflag:s30], $0x1000  }
0x14b: {  	v45 =	vor.u32 s7, v0;
	[sflag:s30] =	ssyncset.done $0x0  }
0x14c: {  	s8 =	sand.u32 $0x7F, s8;
	v46 =	vor.u32 s7, v1;
	[sflag:s30] =	ssyncadd.s32 $0xFFFFF000  }
0x14d: {  	v47 =	vor.u32 s8, v0;
	_ =	swait.ge [sflag:s31], $0x1000  }
0x14e: {  	v17 =	vor.u32 s8, v1;
	[sflag:s31] =	ssyncset.done $0x0  }
0x14f: {  	s9 =	simm.s32 $0x2500;
	[sflag:s31] =	ssyncadd.s32 $0xFFFFF000  }
0x150: {  	(v2sf) =	vpush @!p0 v2, $0x2;
	v14 =	vld.idx.msk [tilespmem:v45+s9+$0x0], $0xffff  }
0x151: {  	s7 =	simm.s32 $0xA500;
	v15 =	vld.idx.msk [tilespmem:v46+s9+$0x0], $0xffff  }
0x152: {  	v16 =	vld.idx.msk [tilespmem:v47+s7+$0x0], $0xffff  }
0x153: {  	v17 =	vld.idx.msk [tilespmem:v17+s7+$0x0], $0xffff  }
0x154: {  	(v2sf) =	vpush @!p0 v3, $0x2;
	_ =	sdelay $0x3  }
0x155: {  	v14 =	vmul.f32 v16, v14;
	v15 =	vmul.f32 v17, v15;
	_ =	sdelay $0x1  }
0x156: {  	v14 =	vadd.f32 v15, v14;
	_ =	sdelay $0x1  }
0x157: {  	(xrf2) =	vadd.scan.msk.f32 $0xffff, v14;
	_ =	sdelay $0x2  }
0x158: {  	s5 =	spop @!p0 (v2sf)  }
0x159: {  	s5 =	sand.u32 @!p0 $0xFFFFF80, s5  }
0x15a: {  	s7 =	simm.s32 @!p0 $0x2500;
	s5 =	sadd.s32 @!p0 s2, s5  }
0x15b: {  	[tilespmem:s7], [sflag:$0x1] =	stream.strided.gather @!p0 [hbm4b:s5+s4], $0x1000, s6, s4, $0x38;
	[tilespmem:$0x10700] =	vst v63  }
0x15c: {  	s5 =	spop @!p0 (v2sf)  }
0x15d: {  	s5 =	sand.u32 @!p0 $0xFFFFF80, s5  }
0x15e: {  	s7 =	simm.s32 @!p0 $0xA500;
	s5 =	sadd.s32 @!p0 s3, s5  }
0x15f: {  	[tilespmem:s7], [sflag:$0x2] =	stream.strided.gather @!p0 [hbm4b:s5+s4], $0x1000, s6, s4, $0x38;
	v14, _, _ =	vpop (xrf2);
	[tilespmem:$0x10700] =	vst v63  }
0x160: {  	s13 =	sand.u32 $0x7F, s13;
	_ =	swait.ge [sflag:s30], $0x1000  }
0x161: {  	v48 =	vor.u32 s13, v0;
	[sflag:s30] =	ssyncset.done $0x0  }
0x162: {  	s1 =	sand.u32 $0x7F, s1;
	v49 =	vor.u32 s13, v1;
	[sflag:s30] =	ssyncadd.s32 $0xFFFFF000  }
0x163: {  	v50 =	vor.u32 s1, v0;
	_ =	swait.ge [sflag:s31], $0x1000  }
0x164: {  	v18 =	vor.u32 s1, v1;
	[sflag:s31] =	ssyncset.done $0x0  }
0x165: {  	s7 =	simm.s32 $0x3500;
	[sflag:s31] =	ssyncadd.s32 $0xFFFFF000  }
0x166: {  	(v2sf) =	vpush @!p0 v2, $0x3;
	v15 =	vld.idx.msk [tilespmem:v48+s7+$0x0], $0xffff  }
0x167: {  	s5 =	simm.s32 $0xB500;
	v16 =	vld.idx.msk [tilespmem:v49+s7+$0x0], $0xffff  }
0x168: {  	v17 =	vld.idx.msk [tilespmem:v50+s5+$0x0], $0xffff  }
0x169: {  	v18 =	vld.idx.msk [tilespmem:v18+s5+$0x0], $0xffff  }
0x16a: {  	(v2sf) =	vpush @!p0 v3, $0x3;
	_ =	sdelay $0x3  }
0x16b: {  	v15 =	vmul.f32 v17, v15;
	v16 =	vmul.f32 v18, v16;
	_ =	sdelay $0x1  }
0x16c: {  	v15 =	vadd.f32 v16, v15;
	_ =	sdelay $0x1  }
0x16d: {  	(xrf2) =	vadd.scan.msk.f32 $0xffff, v15;
	_ =	sdelay $0x2  }
0x16e: {  	s1 =	spop @!p0 (v2sf)  }
0x16f: {  	s1 =	sand.u32 @!p0 $0xFFFFF80, s1  }
0x170: {  	s5 =	simm.s32 @!p0 $0x3500;
	s1 =	sadd.s32 @!p0 s2, s1  }
0x171: {  	[tilespmem:s5], [sflag:$0x1] =	stream.strided.gather @!p0 [hbm4b:s1+s4], $0x1000, s6, s4, $0x38;
	[tilespmem:$0x10700] =	vst v63  }
0x172: {  	s1 =	spop @!p0 (v2sf)  }
0x173: {  	s1 =	sand.u32 @!p0 $0xFFFFF80, s1  }
0x174: {  	s5 =	simm.s32 @!p0 $0xB500;
	s1 =	sadd.s32 @!p0 s3, s1  }
0x175: {  	[tilespmem:s5], [sflag:$0x2] =	stream.strided.gather @!p0 [hbm4b:s1+s4], $0x1000, s6, s4, $0x38;
	v15, _, _ =	vpop (xrf2);
	[tilespmem:$0x10700] =	vst v63  }
0x176: {  	s5 =	sand.u32 $0x7F, s15;
	_ =	swait.ge [sflag:s30], $0x1000  }
0x177: {  	v51 =	vor.u32 s5, v0;
	[sflag:s30] =	ssyncset.done $0x0  }
0x178: {  	s14 =	sand.u32 $0x7F, s14;
	v52 =	vor.u32 s5, v1;
	[sflag:s30] =	ssyncadd.s32 $0xFFFFF000  }
0x179: {  	v53 =	vor.u32 s14, v0;
	_ =	swait.ge [sflag:s31], $0x1000  }
0x17a: {  	v19 =	vor.u32 s14, v1;
	[sflag:s31] =	ssyncset.done $0x0  }
0x17b: {  	s15 =	simm.s32 $0x4500;
	[sflag:s31] =	ssyncadd.s32 $0xFFFFF000  }
0x17c: {  	(v2sf) =	vpush @!p0 v2, $0x4;
	v16 =	vld.idx.msk [tilespmem:v51+s15+$0x0], $0xffff  }
0x17d: {  	v17 =	vld.idx.msk [tilespmem:v52+s15+$0x0], $0xffff  }
0x17e: {  	v18 =	vld.idx.msk [tilespmem:v53+s29+$0x0], $0xffff  }
0x17f: {  	v19 =	vld.idx.msk [tilespmem:v19+s29+$0x0], $0xffff  }
0x180: {  	(v2sf) =	vpush @!p0 v3, $0x4;
	_ =	sdelay $0x3  }
0x181: {  	v16 =	vmul.f32 v18, v16;
	v17 =	vmul.f32 v19, v17;
	_ =	sdelay $0x1  }
0x182: {  	v16 =	vadd.f32 v17, v16;
	_ =	sdelay $0x1  }
0x183: {  	(xrf2) =	vadd.scan.msk.f32 $0xffff, v16;
	_ =	sdelay $0x2  }
0x184: {  	s1 =	spop @!p0 (v2sf)  }
0x185: {  	s1 =	sand.u32 @!p0 $0xFFFFF80, s1  }
0x186: {  	s5 =	simm.s32 @!p0 $0x4500;
	s1 =	sadd.s32 @!p0 s2, s1  }
0x187: {  	[tilespmem:s5], [sflag:$0x1] =	stream.strided.gather @!p0 [hbm4b:s1+s4], $0x1000, s6, s4, $0x38;
	[tilespmem:$0x10700] =	vst v63  }
0x188: {  	s1 =	spop @!p0 (v2sf)  }
0x189: {  	s1 =	sand.u32 @!p0 $0xFFFFF80, s1  }
0x18a: {  	s5 =	simm.s32 @!p0 $0xC500;
	s1 =	sadd.s32 @!p0 s3, s1  }
0x18b: {  	[tilespmem:s5], [sflag:$0x2] =	stream.strided.gather @!p0 [hbm4b:s1+s4], $0x1000, s6, s4, $0x38;
	v16, _, _ =	vpop (xrf2);
	[tilespmem:$0x10700] =	vst v63  }
0x18c: {  	s5 =	sand.u32 $0x7F, s17;
	_ =	swait.ge [sflag:s30], $0x1000  }
0x18d: {  	v54 =	vor.u32 s5, v0;
	[sflag:s30] =	ssyncset.done $0x0  }
0x18e: {  	s17 =	sand.u32 $0x7F, s16;
	v55 =	vor.u32 s5, v1;
	[sflag:s30] =	ssyncadd.s32 $0xFFFFF000  }
0x18f: {  	v56 =	vor.u32 s17, v0;
	_ =	swait.ge [sflag:s31], $0x1000  }
0x190: {  	v20 =	vor.u32 s17, v1;
	[sflag:s31] =	ssyncset.done $0x0  }
0x191: {  	[sflag:s31] =	ssyncadd.s32 $0xFFFFF000  }
0x192: {  	(v2sf) =	vpush @!p0 v2, $0x5;
	v17 =	vld.idx.msk [tilespmem:v54+s28+$0x0], $0xffff  }
0x193: {  	v18 =	vld.idx.msk [tilespmem:v55+s28+$0x0], $0xffff  }
0x194: {  	v19 =	vld.idx.msk [tilespmem:v56+s26+$0x0], $0xffff  }
0x195: {  	v20 =	vld.idx.msk [tilespmem:v20+s26+$0x0], $0xffff  }
0x196: {  	(v2sf) =	vpush @!p0 v3, $0x5;
	_ =	sdelay $0x3  }
0x197: {  	v17 =	vmul.f32 v19, v17;
	v18 =	vmul.f32 v20, v18;
	_ =	sdelay $0x1  }
0x198: {  	v17 =	vadd.f32 v18, v17;
	_ =	sdelay $0x1  }
0x199: {  	(xrf2) =	vadd.scan.msk.f32 $0xffff, v17;
	_ =	sdelay $0x2  }
0x19a: {  	s1 =	spop @!p0 (v2sf)  }
0x19b: {  	s1 =	sand.u32 @!p0 $0xFFFFF80, s1  }
0x19c: {  	s5 =	simm.s32 @!p0 $0x5500;
	s1 =	sadd.s32 @!p0 s2, s1  }
0x19d: {  	[tilespmem:s5], [sflag:$0x1] =	stream.strided.gather @!p0 [hbm4b:s1+s4], $0x1000, s6, s4, $0x38;
	[tilespmem:$0x10700] =	vst v63  }
0x19e: {  	s1 =	spop @!p0 (v2sf)  }
0x19f: {  	s1 =	sand.u32 @!p0 $0xFFFFF80, s1  }
0x1a0: {  	s5 =	simm.s32 @!p0 $0xD500;
	s1 =	sadd.s32 @!p0 s3, s1  }
0x1a1: {  	[tilespmem:s5], [sflag:$0x2] =	stream.strided.gather @!p0 [hbm4b:s1+s4], $0x1000, s6, s4, $0x38;
	v17, _, _ =	vpop (xrf2);
	[tilespmem:$0x10700] =	vst v63  }
0x1a2: {  	s5 =	sand.u32 $0x7F, s19;
	_ =	swait.ge [sflag:s30], $0x1000  }
0x1a3: {  	v57 =	vor.u32 s5, v0;
	[sflag:s30] =	ssyncset.done $0x0  }
0x1a4: {  	s19 =	sand.u32 $0x7F, s18;
	v58 =	vor.u32 s5, v1;
	[sflag:s30] =	ssyncadd.s32 $0xFFFFF000  }
0x1a5: {  	v59 =	vor.u32 s19, v0;
	_ =	swait.ge [sflag:s31], $0x1000  }
0x1a6: {  	v21 =	vor.u32 s19, v1;
	[sflag:s31] =	ssyncset.done $0x0  }
0x1a7: {  	[sflag:s31] =	ssyncadd.s32 $0xFFFFF000  }
0x1a8: {  	(v2sf) =	vpush @!p0 v2, $0x6;
	v18 =	vld.idx.msk [tilespmem:v57+s25+$0x0], $0xffff  }
0x1a9: {  	v19 =	vld.idx.msk [tilespmem:v58+s25+$0x0], $0xffff  }
0x1aa: {  	v20 =	vld.idx.msk [tilespmem:v59+s24+$0x0], $0xffff  }
0x1ab: {  	v21 =	vld.idx.msk [tilespmem:v21+s24+$0x0], $0xffff  }
0x1ac: {  	(v2sf) =	vpush @!p0 v3, $0x6;
	_ =	sdelay $0x3  }
0x1ad: {  	v18 =	vmul.f32 v20, v18;
	v19 =	vmul.f32 v21, v19;
	_ =	sdelay $0x1  }
0x1ae: {  	v18 =	vadd.f32 v19, v18;
	_ =	sdelay $0x1  }
0x1af: {  	(xrf2) =	vadd.scan.msk.f32 $0xffff, v18;
	_ =	sdelay $0x2  }
0x1b0: {  	s1 =	spop @!p0 (v2sf)  }
0x1b1: {  	s1 =	sand.u32 @!p0 $0xFFFFF80, s1  }
0x1b2: {  	s5 =	simm.s32 @!p0 $0x6500;
	s1 =	sadd.s32 @!p0 s2, s1  }
0x1b3: {  	[tilespmem:s5], [sflag:$0x1] =	stream.strided.gather @!p0 [hbm4b:s1+s4], $0x1000, s6, s4, $0x38;
	[tilespmem:$0x10700] =	vst v63  }
0x1b4: {  	s1 =	spop @!p0 (v2sf)  }
0x1b5: {  	s1 =	sand.u32 @!p0 $0xFFFFF80, s1  }
0x1b6: {  	s5 =	simm.s32 @!p0 $0xE500;
	s1 =	sadd.s32 @!p0 s3, s1  }
0x1b7: {  	[tilespmem:s5], [sflag:$0x2] =	stream.strided.gather @!p0 [hbm4b:s1+s4], $0x1000, s6, s4, $0x38;
	v18, _, _ =	vpop (xrf2);
	[tilespmem:$0x10700] =	vst v63  }
0x1b8: {  	s20 =	sand.u32 $0x7F, s20;
	_ =	swait.ge [sflag:s30], $0x1000  }
0x1b9: {  	v60 =	vor.u32 s20, v0;
	s21 =	sand.u32 $0x7F, s21;
	[sflag:s30] =	ssyncset.done $0x0  }
0x1ba: {  	v61 =	vor.u32 s21, v0;
	[sflag:s30] =	ssyncadd.s32 $0xFFFFF000  }
0x1bb: {  	v62 =	vor.u32 s20, v1;
	_ =	swait.ge [sflag:s31], $0x1000  }
0x1bc: {  	v22 =	vor.u32 s21, v1;
	[sflag:s31] =	ssyncset.done $0x0  }
0x1bd: {  	s5 =	simm.s32 $0x7500;
	[sflag:s31] =	ssyncadd.s32 $0xFFFFF000  }
0x1be: {  	s6 =	simm.s32 $0xF500;
	v19 =	vld.idx.msk [tilespmem:v60+s5+$0x0], $0xffff  }
0x1bf: {  	v20 =	vld.idx.msk [tilespmem:v61+s6+$0x0], $0xffff  }
0x1c0: {  	v21 =	vld.idx.msk [tilespmem:v62+s5+$0x0], $0xffff  }
0x1c1: {  	v22 =	vld.idx.msk [tilespmem:v22+s6+$0x0], $0xffff;
	_ =	sdelay $0x2  }
0x1c2: {  	v4 =	vbroadcast v4, $0xF  }
0x1c3: {  	v5 =	vbroadcast v5, $0xF;
	v6 =	vbroadcast v6, $0xF  }
0x1c4: {  	v19 =	vmul.f32 v20, v19;
	v63 =	vmul.f32 v22, v21  }
0x1c5: {  	v4 =	vsel vm0, v4, v5;
	v5 =	vbroadcast v7, $0xF  }
0x1c6: {  	v4 =	vsel vm1, v4, v6;
	v7 =	vbroadcast v8, $0xF;
	v6 =	vadd.f32 v63, v19  }
0x1c7: {  	v4 =	vsel vm2, v4, v5;
	v5 =	vbroadcast v9, $0xF  }
0x1c8: {  	v4 =	vsel vm3, v4, v7;
	(xrf2) =	vadd.scan.msk.f32 $0xffff, v6;
	v6 =	vbroadcast v10, $0xF  }
0x1c9: {  	v4 =	vsel vm4, v4, v5;
	v5 =	vbroadcast v11, $0xF  }
0x1ca: {  	v4 =	vsel vm5, v4, v6;
	v6 =	vbroadcast v12, $0xF  }
0x1cb: {  	v4 =	vsel vm6, v4, v5;
	v5 =	vbroadcast v13, $0xF  }
0x1cc: {  	v4 =	vsel vm7, v4, v6;
	v6 =	vbroadcast v14, $0xF  }
0x1cd: {  	v4 =	vsel vm8, v5, v4;
	v5 =	vbroadcast v15, $0xF  }
0x1ce: {  	v4 =	vsel vm9, v6, v4  }
0x1cf: {  	p0 =	sne.s32 s10, $0x7C0;
	v6 =	vbroadcast v16, $0xF;
	v4 =	vsel vm10, v5, v4;
	v5 =	vbroadcast v17, $0xF  }
.Ltmp2:
0x1d0: {  	_ = 	snop;
	(pc) =	sbr.rel @!p0 .LBB2_3-.Ltmp2, $4  }
0x1d1: {  	s8 =	simm.s32 $0x2500;
	s13 =	simm.s32 $0x3500;
	s14 =	simm.s32 $0x4500;
	v4 =	vsel vm11, v6, v4;
	v6 =	vbroadcast v18, $0xF  }
0x1d2: {  	s22 =	simm.s32 $0x1500;
	s23 =	simm.s32 $0x9500;
	s9 =	simm.s32 $0xA500;
	v4 =	vsel vm12, v5, v4  }
0x1d3: {  	s7 =	simm.s32 $0xB500;
	s15 =	simm.s32 $0xC500;
	s16 =	simm.s32 $0x5500;
	v4 =	vsel vm13, v6, v4;
	v5, _, _ =	vpop (xrf2)  }
0x1d4: {  	s17 =	simm.s32 $0xD500;
	s18 =	simm.s32 $0x6500;
	s19 =	simm.s32 $0xE500;
	v4 =	vsel vm14, v4, v5  }
0x1d5: {  	(v2sf) =	vpush v2, $0x7;
	_ =	sdelay $0x3  }
0x1d6: {  	(v2sf) =	vpush v3, $0x7;
	_ =	sdelay $0xa  }
0x1d7: {  	s1 =	spop (v2sf)  }
0x1d8: {  	s10 =	sadd.s32 $0x40, s10;
	s1 =	sand.u32 $0xFFFFF80, s1  }
0x1d9: {  	p0 =	sne.s32 s10, $0x800;
	s1 =	sadd.s32 s2, s1  }
0x1da: {  	[tilespmem:s5], [sflag:$0x1] =	stream.strided.gather [hbm4b:s1+s11], $0x1000, s12, s11, $0x38;
	[tilespmem:$0x10700] =	vst v63  }
.Ltmp3:
0x1db: {  	s21 =	spop (v2sf);
	(pc) =	sbr.rel @p0 .LBB2_2-.Ltmp3, $4  }
.Ltmp4:
0x1dc: {  	s1 =	sand.u32 $0xFFFFF80, s21;
	(pc) =	sbr.rel @!p0 .LBB2_5-.Ltmp4, $4  }
0x1dd: {  	s1 =	sadd.s32 s3, s1  }
0x1de: {  	[tilespmem:s6], [sflag:$0x2] =	stream.strided.gather [hbm4b:s1+s11], $0x1000, s12, s11, $0x38;
	[tilespmem:$0x10700] =	vst v63  }
0x1df: {  	[tilespmem:s0+$0x10500] =	vst v4  }
0x1e0: {  	_ = 	snop  }
.LBB2_6:
0x1e1: {  	_ =	sfence.sel $0x180000  }
0x1e2: {  	[bflag:$0x0] =	sbarrier.arrive $0xFFFF  }
0x1e3: {  	_ =	strace $0x90000047  }
0x1e4: {  	s0 =	stileid.u32;
	[bflag:$0x2] =	sbarrier.arrive $0xFFFF  }
0x1e5: {  	p0 =	sne.s32 s0, $0x0;
	s0 =	rddreg [dreg:$0x4]  }
0x1e6: {  	s0 =	sadd.s32 @!p0 $0x100000, s0  }
0x1e7: {  	[sflag:s0] =	ssyncadd.tile.s32 @!p0 $0x1;
	_ =	shalt  }
.Lfunc_end2:
_tile_overlayer_lowered:
.L_overlay_start_2:
0x1e8: {  	(tag) =	ssettag $0x2  }
0x1e9: {  	s0 =	rddreg [dreg:$0x0];
	s2 =	stileid.u32  }
0x1ea: {  	s1 =	rddreg [dreg:$0x1];
	p0 =	sne.s32 s2, $0x0  }
0x1eb: {  	s3 =	rddreg [dreg:$0x2];
	[bflag:$0x3] =	sbarrier.arrive $0xFFFF;
	s2 =	simm.s32 @!p0 $0x1C03  }
0x1ec: {  	[timem:s3], [sflag:s2] =	dma.local @!p0 [hbm:s0], s1  }
0x1ed: {  	s0 =	simm.s32 @!p0 $0x3  }
0x1ee: {  	_ =	swait.ge @!p0 [sflag:s0], s1  }
0x1ef: {  	s1 =	ssub.s32 @!p0 $0x0, s1;
	[sflag:s0] =	ssyncset.done @!p0 $0x0  }
0x1f0: {  	[sflag:s0] =	ssyncadd.s32 @!p0 s1  }
0x1f1: {  	[bflag:$0x3] =	sbarrier.arrive $0xFFFF  }
0x1f2: {  	_ =	shalt  }

</sc_bundles>
